<compile_context>
chip_gen: v7x
topology: tpu7x:2x2x1
jax: 0.10.2.dev20260603
libtpu: 0.0.44.dev20260713+nightly
codegen_flags: <defaults>
</compile_context>

<pallas_src>
import jax
import jax.numpy as jnp
from jax import lax
from jax.experimental import pallas as pl
from jax.experimental.pallas import tpu as pltpu
from jax.experimental.pallas import tpu_sc as plsc

NUM_POS = 47360
NUM_NEG = 236800
EMB = 128

N_SC = 56832
SC_BASE = NUM_NEG - N_SC
NW = 32
CHUNK = 128
NCHUNKS = N_SC // CHUNK
CHUNK_OUT = CHUNK // 16
MAX_CHUNKS_PER_W = (NCHUNKS + NW - 1) // NW

GRID = 37
BP = NUM_POS // GRID
BNH = SC_BASE // GRID

_DN = (((1,), (1,)), ((), ()))



def _sc_body(nu_hbm, nv_hbm, scores_hbm, ub0, vb0, ub1, vb1, sb, sem0, sem1):
    wid = lax.axis_index("c") * 16 + lax.axis_index("s")
    bufs = ((ub0, vb0, sem0), (ub1, vb1, sem1))
    def start_fetch(t):
        j = wid + t * NW
        ub, vb, sem = bufs[t % 2]

        @pl.when(j < NCHUNKS)
        def _():
            base = (SC_BASE + j * CHUNK) * EMB
            pltpu.async_copy(nu_hbm.at[pl.ds(base, CHUNK * EMB)], ub, sem)
            pltpu.async_copy(nv_hbm.at[pl.ds(base, CHUNK * EMB)], vb, sem)

    start_fetch(0)
    for t in range(MAX_CHUNKS_PER_W):
        if t + 1 < MAX_CHUNKS_PER_W:
            start_fetch(t + 1)
        j = wid + t * NW
        ub, vb, sem = bufs[t % 2]

        @pl.when(j < NCHUNKS)
        def _():
            base = (SC_BASE + j * CHUNK) * EMB
            pltpu.make_async_copy(nu_hbm.at[pl.ds(base, CHUNK * EMB)], ub, sem).wait()
            pltpu.make_async_copy(nv_hbm.at[pl.ds(base, CHUNK * EMB)], vb, sem).wait()

            def row_body(r, c2):
                o = r * EMB
                s0 = (ub[pl.ds(o, 16)] * vb[pl.ds(o, 16)]
                      + ub[pl.ds(o + 16, 16)] * vb[pl.ds(o + 16, 16)])
                s1 = (ub[pl.ds(o + 32, 16)] * vb[pl.ds(o + 32, 16)]
                      + ub[pl.ds(o + 48, 16)] * vb[pl.ds(o + 48, 16)])
                s2 = (ub[pl.ds(o + 64, 16)] * vb[pl.ds(o + 64, 16)]
                      + ub[pl.ds(o + 80, 16)] * vb[pl.ds(o + 80, 16)])
                s3 = (ub[pl.ds(o + 96, 16)] * vb[pl.ds(o + 96, 16)]
                      + ub[pl.ds(o + 112, 16)] * vb[pl.ds(o + 112, 16)])
                sb[r, :] = (s0 + s1) + (s2 + s3)
                return c2

            lax.fori_loop(0, CHUNK, row_body, 0)
            pltpu.sync_copy(sb, scores_hbm.at[pl.ds(j * CHUNK, CHUNK)])


def _sc_scores(nu, nv):
    return pl.kernel(
        _sc_body,
        out_type=jax.ShapeDtypeStruct((N_SC, 16), jnp.float32),
        mesh=plsc.VectorSubcoreMesh(core_axis_name="c", subcore_axis_name="s",
                                    num_cores=2, num_subcores=16),
        scratch_types=[
            pltpu.VMEM((CHUNK * EMB,), jnp.float32),
            pltpu.VMEM((CHUNK * EMB,), jnp.float32),
            pltpu.VMEM((CHUNK * EMB,), jnp.float32),
            pltpu.VMEM((CHUNK * EMB,), jnp.float32),
            pltpu.VMEM((CHUNK, 16), jnp.float32),
            pltpu.SemaphoreType.DMA,
            pltpu.SemaphoreType.DMA,
        ],
    )(nu.reshape(-1), nv.reshape(-1))



def _tc_body(pu, pv, nu, nv, out_ref, accp_ref, accn_ref):
    i = pl.program_id(0)

    @pl.when(i == 0)
    def _():
        accp_ref[...] = jnp.zeros_like(accp_ref)
        accn_ref[...] = jnp.zeros_like(accn_ref)

    ones = jnp.ones((1, EMB), jnp.float32)

    p = pu[...] * pv[...]
    sp = lax.dot_general(ones, p, _DN, preferred_element_type=jnp.float32)
    sp = jnp.clip(sp, -6.0, 6.0)
    accp_ref[...] += jnp.log1p(jnp.exp(-sp))

    n = nu[...] * nv[...]
    sn = lax.dot_general(ones, n, _DN, preferred_element_type=jnp.float32)
    sn = jnp.clip(sn, -6.0, 6.0)
    accn_ref[...] += jnp.log1p(jnp.exp(sn))

    @pl.when(i == GRID - 1)
    def _():
        out_ref[0] = (jnp.sum(accp_ref[...]) * (1.0 / NUM_POS)
                      + jnp.sum(accn_ref[...]) * (1.0 / NUM_NEG))


def _tc_part(pu, pv, nu, nv):
    return pl.pallas_call(
        _tc_body,
        grid=(GRID,),
        in_specs=[
            pl.BlockSpec((BP, EMB), lambda i: (i, 0)),
            pl.BlockSpec((BP, EMB), lambda i: (i, 0)),
            pl.BlockSpec((BNH, EMB), lambda i: (i, 0)),
            pl.BlockSpec((BNH, EMB), lambda i: (i, 0)),
        ],
        out_specs=pl.BlockSpec(memory_space=pltpu.MemorySpace.SMEM),
        out_shape=jax.ShapeDtypeStruct((1,), jnp.float32),
        scratch_shapes=[
            pltpu.VMEM((1, BP), jnp.float32),
            pltpu.VMEM((1, BNH), jnp.float32),
        ],
    )(pu, pv, nu, nv)


def _comb_body(tcs_ref, sc_ref, out_ref):
    ones16 = jnp.ones((1, 16), jnp.float32)
    s = lax.dot_general(ones16, sc_ref[...], _DN,
                        preferred_element_type=jnp.float32)
    s = jnp.clip(s, -6.0, 6.0)
    f = jnp.log1p(jnp.exp(s))
    out_ref[0] = tcs_ref[0] + jnp.sum(f) * (1.0 / NUM_NEG)


def _combine(tc_scalar, scores):
    return pl.pallas_call(
        _comb_body,
        in_specs=[
            pl.BlockSpec(memory_space=pltpu.MemorySpace.SMEM),
            pl.BlockSpec((N_SC, 16), lambda: (0, 0)),
        ],
        out_specs=pl.BlockSpec(memory_space=pltpu.MemorySpace.SMEM),
        out_shape=jax.ShapeDtypeStruct((1,), jnp.float32),
    )(tc_scalar, scores)


def kernel(emb_pos_u, emb_pos_v, emb_neg_u, emb_neg_v):
    scores = _sc_scores(emb_neg_u, emb_neg_v)
    tc_scalar = _tc_part(emb_pos_u, emb_pos_v, emb_neg_u, emb_neg_v)
    return _combine(tc_scalar, scores)[0]

# --- scband reference (transcript-rebuilt; emitter-appended) ---
"""Pipeline reference for scband-deep-walk-48893907698072 (READ-ONLY COPY).

The authoritative reference and input builder live on the scoring server;
editing this copy changes nothing except your own understanding.
"""

import jax, jax.numpy as jnp
import numpy as np

NEG_WEIGHT = 1.0

# Shapes: batch=128 walks, walk_length=40, context_size=5
# num_pos = 2*40*5 - 5*(5+1) = 370 pairs per walk -> 128*370 = 47360 positive rows
# negative_size=5 -> 236800 negative rows; emb_dim=128

def setup_inputs(seed: int = 0) -> dict:
    key = jax.random.key(seed)
    k1, k2, k3, k4 = jax.random.split(key, 4)
    num_pos_rows = 47360
    num_neg_rows = 236800
    emb_dim = 128
    emb_pos_u = jax.random.normal(k1, (num_pos_rows, emb_dim), dtype=jnp.float32)
    emb_pos_v = jax.random.normal(k2, (num_pos_rows, emb_dim), dtype=jnp.float32)
    emb_neg_u = jax.random.normal(k3, (num_neg_rows, emb_dim), dtype=jnp.float32)
    emb_neg_v = jax.random.normal(k4, (num_neg_rows, emb_dim), dtype=jnp.float32)
    return {
        "emb_pos_u": emb_pos_u,
        "emb_pos_v": emb_pos_v,
        "emb_neg_u": emb_neg_u,
        "emb_neg_v": emb_neg_v,
    }


def reference(emb_pos_u, emb_pos_v, emb_neg_u, emb_neg_v):
    # Skip-gram with negative sampling loss (DeepWalk forward).
    # Positive pairs: -log sigmoid(u . v), scores clamped to [-6, 6].
    pos_score = jnp.sum(emb_pos_u * emb_pos_v, axis=1)
    pos_score = jnp.clip(pos_score, -6.0, 6.0)
    pos_loss = -jax.nn.log_sigmoid(pos_score)
    # Negative pairs: -log sigmoid(-(u . v)), clamped.
    neg_score = jnp.sum(emb_neg_u * emb_neg_v, axis=1)
    neg_score = jnp.clip(neg_score, -6.0, 6.0)
    neg_loss = -jax.nn.log_sigmoid(-neg_score)
    loss = jnp.mean(pos_loss) + NEG_WEIGHT * jnp.mean(neg_loss)
    return loss

if __name__ == "__main__":
    import jax
    _d = setup_inputs()
    print(jax.jit(kernel)(*tuple(_d.values())))

</pallas_src>

<mosaic_0001>
#map = affine_map<(d0, d1) -> (0)>
#map1 = affine_map<(d0, d1) -> (0, 0)>
module attributes {stable_mosaic.version = 14 : i64} {
  func.func @_sc_body(%arg0: i32, %arg1: i32, %arg2: memref<30310400xf32, #tpu.memory_space<hbm>>, %arg3: memref<30310400xf32, #tpu.memory_space<hbm>>, %arg4: memref<56832x16xf32, #tpu.memory_space<hbm>>, %arg5: memref<16384xf32, #tpu.memory_space<vmem>>, %arg6: memref<16384xf32, #tpu.memory_space<vmem>>, %arg7: memref<16384xf32, #tpu.memory_space<vmem>>, %arg8: memref<16384xf32, #tpu.memory_space<vmem>>, %arg9: memref<128x16xf32, #tpu.memory_space<vmem>>, %arg10: memref<!tpu.dma_semaphore, #tpu.memory_space<semaphore_mem>>, %arg11: memref<!tpu.dma_semaphore, #tpu.memory_space<semaphore_mem>>) attributes {dimension_semantics = [#tpu.dimension_semantics<core_parallel>, #tpu.dimension_semantics<subcore_parallel>], iteration_bounds = array<i64: 2, 16>, scalar_prefetch = 0 : i64, scratch_operands = 7 : i64, tpu.core_type = #tpu.core_type<sc_vector_subcore>, window_params = [{transform_indices = #map}, {transform_indices = #map}, {transform_indices = #map1}]} {
    %mul3A = arith.constant 16 : i32
    %mul3A_0 = arith.muli %arg0, %mul3A : i32
    %add3A = arith.addi %mul3A_0, %arg1 : i32
    %add3A_1 = arith.constant 0 : i32
    %add3A_2 = arith.addi %add3A, %add3A_1 : i32
    %lt3A = arith.constant 444 : i32
    %lt3A_3 = arith.cmpi slt, %add3A_2, %lt3A : i32
    %convert_element_type3A = arith.extui %lt3A_3 : i1 to i32
    %cond3A = arith.constant 0 : i32
    %cond3A_4 = arith.cmpi ne, %convert_element_type3A, %cond3A : i32
    scf.if %cond3A_4 {
      %mul3A_194 = arith.constant 128 : i32
      %mul3A_195 = arith.muli %add3A_2, %mul3A_194 : i32
      %add3A_196 = arith.constant 179968 : i32
      %add3A_197 = arith.addi %add3A_196, %mul3A_195 : i32
      %mul3A_198 = arith.constant 128 : i32
      %mul3A_199 = arith.muli %add3A_197, %mul3A_198 : i32
      %dma_start3A = tpu.memref_slice %arg2[%mul3A_199] : memref<30310400xf32, #tpu.memory_space<hbm>> -> memref<16384xf32, #tpu.memory_space<hbm>>
      %dma_start3A_200 = tpu.memref_slice %arg2[%mul3A_199] : memref<30310400xf32, #tpu.memory_space<hbm>> -> memref<16384xf32, #tpu.memory_space<hbm>>
      tpu.enqueue_dma source(%dma_start3A_200 : memref<16384xf32, #tpu.memory_space<hbm>>) target(%arg5 : memref<16384xf32, #tpu.memory_space<vmem>>) target_semaphore(%arg10 : memref<!tpu.dma_semaphore, #tpu.memory_space<semaphore_mem>>)
      %dma_start3A_201 = tpu.memref_slice %arg3[%mul3A_199] : memref<30310400xf32, #tpu.memory_space<hbm>> -> memref<16384xf32, #tpu.memory_space<hbm>>
      %dma_start3A_202 = tpu.memref_slice %arg3[%mul3A_199] : memref<30310400xf32, #tpu.memory_space<hbm>> -> memref<16384xf32, #tpu.memory_space<hbm>>
      tpu.enqueue_dma source(%dma_start3A_202 : memref<16384xf32, #tpu.memory_space<hbm>>) target(%arg6 : memref<16384xf32, #tpu.memory_space<vmem>>) target_semaphore(%arg10 : memref<!tpu.dma_semaphore, #tpu.memory_space<semaphore_mem>>)
    } else {
    }
    %add3A_5 = arith.constant 32 : i32
    %add3A_6 = arith.addi %add3A, %add3A_5 : i32
    %lt3A_7 = arith.constant 444 : i32
    %lt3A_8 = arith.cmpi slt, %add3A_6, %lt3A_7 : i32
    %convert_element_type3A_9 = arith.extui %lt3A_8 : i1 to i32
    %cond3A_10 = arith.constant 0 : i32
    %cond3A_11 = arith.cmpi ne, %convert_element_type3A_9, %cond3A_10 : i32
    scf.if %cond3A_11 {
      %mul3A_194 = arith.constant 128 : i32
      %mul3A_195 = arith.muli %add3A_6, %mul3A_194 : i32
      %add3A_196 = arith.constant 179968 : i32
      %add3A_197 = arith.addi %add3A_196, %mul3A_195 : i32
      %mul3A_198 = arith.constant 128 : i32
      %mul3A_199 = arith.muli %add3A_197, %mul3A_198 : i32
      %dma_start3A = tpu.memref_slice %arg2[%mul3A_199] : memref<30310400xf32, #tpu.memory_space<hbm>> -> memref<16384xf32, #tpu.memory_space<hbm>>
      %dma_start3A_200 = tpu.memref_slice %arg2[%mul3A_199] : memref<30310400xf32, #tpu.memory_space<hbm>> -> memref<16384xf32, #tpu.memory_space<hbm>>
      tpu.enqueue_dma source(%dma_start3A_200 : memref<16384xf32, #tpu.memory_space<hbm>>) target(%arg7 : memref<16384xf32, #tpu.memory_space<vmem>>) target_semaphore(%arg11 : memref<!tpu.dma_semaphore, #tpu.memory_space<semaphore_mem>>)
      %dma_start3A_201 = tpu.memref_slice %arg3[%mul3A_199] : memref<30310400xf32, #tpu.memory_space<hbm>> -> memref<16384xf32, #tpu.memory_space<hbm>>
      %dma_start3A_202 = tpu.memref_slice %arg3[%mul3A_199] : memref<30310400xf32, #tpu.memory_space<hbm>> -> memref<16384xf32, #tpu.memory_space<hbm>>
      tpu.enqueue_dma source(%dma_start3A_202 : memref<16384xf32, #tpu.memory_space<hbm>>) target(%arg8 : memref<16384xf32, #tpu.memory_space<vmem>>) target_semaphore(%arg11 : memref<!tpu.dma_semaphore, #tpu.memory_space<semaphore_mem>>)
    } else {
    }
    %add3A_12 = arith.constant 0 : i32
    %add3A_13 = arith.addi %add3A, %add3A_12 : i32
    %lt3A_14 = arith.constant 444 : i32
    %lt3A_15 = arith.cmpi slt, %add3A_13, %lt3A_14 : i32
    %convert_element_type3A_16 = arith.extui %lt3A_15 : i1 to i32
    %cond3A_17 = arith.constant 0 : i32
    %cond3A_18 = arith.cmpi ne, %convert_element_type3A_16, %cond3A_17 : i32
    scf.if %cond3A_18 {
      %mul3A_194 = arith.constant 128 : i32
      %mul3A_195 = arith.muli %add3A_13, %mul3A_194 : i32
      %add3A_196 = arith.constant 179968 : i32
      %add3A_197 = arith.addi %add3A_196, %mul3A_195 : i32
      %mul3A_198 = arith.constant 128 : i32
      %mul3A_199 = arith.muli %add3A_197, %mul3A_198 : i32
      %dma_wait3A = tpu.memref_slice %arg2[%mul3A_199] : memref<30310400xf32, #tpu.memory_space<hbm>> -> memref<16384xf32, #tpu.memory_space<hbm>>
      %dma_wait3A_200 = tpu.memref_slice %arg2[%mul3A_199] : memref<30310400xf32, #tpu.memory_space<hbm>> -> memref<16384xf32, #tpu.memory_space<hbm>>
      tpu.wait_dma2 semaphore(%arg10 : memref<!tpu.dma_semaphore, #tpu.memory_space<semaphore_mem>>) src(%dma_wait3A_200 : memref<16384xf32, #tpu.memory_space<hbm>>) dst(%arg5 : memref<16384xf32, #tpu.memory_space<vmem>>)
      %dma_wait3A_201 = tpu.memref_slice %arg3[%mul3A_199] : memref<30310400xf32, #tpu.memory_space<hbm>> -> memref<16384xf32, #tpu.memory_space<hbm>>
      %dma_wait3A_202 = tpu.memref_slice %arg3[%mul3A_199] : memref<30310400xf32, #tpu.memory_space<hbm>> -> memref<16384xf32, #tpu.memory_space<hbm>>
      tpu.wait_dma2 semaphore(%arg10 : memref<!tpu.dma_semaphore, #tpu.memory_space<semaphore_mem>>) src(%dma_wait3A_202 : memref<16384xf32, #tpu.memory_space<hbm>>) dst(%arg6 : memref<16384xf32, #tpu.memory_space<vmem>>)
      %scan3A = arith.constant 0 : i32
      %scan3A_203 = arith.constant 0 : i32
      %scan3A_204 = arith.constant 128 : i32
      %scan3A_205 = arith.addi %scan3A_203, %scan3A_204 : i32
      %scan3A_206 = arith.constant 1 : i32
      scf.for %scan3A_210 = %scan3A_203 to %scan3A_205 step %scan3A_206  : i32 {
        %mul3A_211 = arith.constant 128 : i32
        %mul3A_212 = arith.muli %scan3A_210, %mul3A_211 : i32
        %get3A = arith.index_cast %mul3A_212 : i32 to index
        %get3A_213 = tpu.vector_load %arg5[%get3A] {strides = array<i32>} : memref<16384xf32, #tpu.memory_space<vmem>>, vector<16xf32>,
        %get3A_214 = vector.shape_cast %get3A_213 : vector<16xf32> to vector<16xf32>
        %get3A_215 = arith.index_cast %mul3A_212 : i32 to index
        %get3A_216 = tpu.vector_load %arg6[%get3A_215] {strides = array<i32>} : memref<16384xf32, #tpu.memory_space<vmem>>, vector<16xf32>,
        %get3A_217 = vector.shape_cast %get3A_216 : vector<16xf32> to vector<16xf32>
        %mul3A_218 = arith.mulf %get3A_214, %get3A_217 : vector<16xf32>
        %add3A_219 = arith.constant 16 : i32
        %add3A_220 = arith.addi %mul3A_212, %add3A_219 : i32
        %get3A_221 = arith.index_cast %add3A_220 : i32 to index
        %get3A_222 = tpu.vector_load %arg5[%get3A_221] {strides = array<i32>} : memref<16384xf32, #tpu.memory_space<vmem>>, vector<16xf32>,
        %get3A_223 = vector.shape_cast %get3A_222 : vector<16xf32> to vector<16xf32>
        %add3A_224 = arith.constant 16 : i32
        %add3A_225 = arith.addi %mul3A_212, %add3A_224 : i32
        %get3A_226 = arith.index_cast %add3A_225 : i32 to index
        %get3A_227 = tpu.vector_load %arg6[%get3A_226] {strides = array<i32>} : memref<16384xf32, #tpu.memory_space<vmem>>, vector<16xf32>,
        %get3A_228 = vector.shape_cast %get3A_227 : vector<16xf32> to vector<16xf32>
        %mul3A_229 = arith.mulf %get3A_223, %get3A_228 : vector<16xf32>
        %add3A_230 = arith.addf %mul3A_218, %mul3A_229 : vector<16xf32>
        %add3A_231 = arith.constant 32 : i32
        %add3A_232 = arith.addi %mul3A_212, %add3A_231 : i32
        %get3A_233 = arith.index_cast %add3A_232 : i32 to index
        %get3A_234 = tpu.vector_load %arg5[%get3A_233] {strides = array<i32>} : memref<16384xf32, #tpu.memory_space<vmem>>, vector<16xf32>,
        %get3A_235 = vector.shape_cast %get3A_234 : vector<16xf32> to vector<16xf32>
        %add3A_236 = arith.constant 32 : i32
        %add3A_237 = arith.addi %mul3A_212, %add3A_236 : i32
        %get3A_238 = arith.index_cast %add3A_237 : i32 to index
        %get3A_239 = tpu.vector_load %arg6[%get3A_238] {strides = array<i32>} : memref<16384xf32, #tpu.memory_space<vmem>>, vector<16xf32>,
        %get3A_240 = vector.shape_cast %get3A_239 : vector<16xf32> to vector<16xf32>
        %mul3A_241 = arith.mulf %get3A_235, %get3A_240 : vector<16xf32>
        %add3A_242 = arith.constant 48 : i32
        %add3A_243 = arith.addi %mul3A_212, %add3A_242 : i32
        %get3A_244 = arith.index_cast %add3A_243 : i32 to index
        %get3A_245 = tpu.vector_load %arg5[%get3A_244] {strides = array<i32>} : memref<16384xf32, #tpu.memory_space<vmem>>, vector<16xf32>,
        %get3A_246 = vector.shape_cast %get3A_245 : vector<16xf32> to vector<16xf32>
        %add3A_247 = arith.constant 48 : i32
        %add3A_248 = arith.addi %mul3A_212, %add3A_247 : i32
        %get3A_249 = arith.index_cast %add3A_248 : i32 to index
        %get3A_250 = tpu.vector_load %arg6[%get3A_249] {strides = array<i32>} : memref<16384xf32, #tpu.memory_space<vmem>>, vector<16xf32>,
        %get3A_251 = vector.shape_cast %get3A_250 : vector<16xf32> to vector<16xf32>
        %mul3A_252 = arith.mulf %get3A_246, %get3A_251 : vector<16xf32>
        %add3A_253 = arith.addf %mul3A_241, %mul3A_252 : vector<16xf32>
        %add3A_254 = arith.constant 64 : i32
        %add3A_255 = arith.addi %mul3A_212, %add3A_254 : i32
        %get3A_256 = arith.index_cast %add3A_255 : i32 to index
        %get3A_257 = tpu.vector_load %arg5[%get3A_256] {strides = array<i32>} : memref<16384xf32, #tpu.memory_space<vmem>>, vector<16xf32>,
        %get3A_258 = vector.shape_cast %get3A_257 : vector<16xf32> to vector<16xf32>
        %add3A_259 = arith.constant 64 : i32
        %add3A_260 = arith.addi %mul3A_212, %add3A_259 : i32
        %get3A_261 = arith.index_cast %add3A_260 : i32 to index
        %get3A_262 = tpu.vector_load %arg6[%get3A_261] {strides = array<i32>} : memref<16384xf32, #tpu.memory_space<vmem>>, vector<16xf32>,
        %get3A_263 = vector.shape_cast %get3A_262 : vector<16xf32> to vector<16xf32>
        %mul3A_264 = arith.mulf %get3A_258, %get3A_263 : vector<16xf32>
        %add3A_265 = arith.constant 80 : i32
        %add3A_266 = arith.addi %mul3A_212, %add3A_265 : i32
        %get3A_267 = arith.index_cast %add3A_266 : i32 to index
        %get3A_268 = tpu.vector_load %arg5[%get3A_267] {strides = array<i32>} : memref<16384xf32, #tpu.memory_space<vmem>>, vector<16xf32>,
        %get3A_269 = vector.shape_cast %get3A_268 : vector<16xf32> to vector<16xf32>
        %add3A_270 = arith.constant 80 : i32
        %add3A_271 = arith.addi %mul3A_212, %add3A_270 : i32
        %get3A_272 = arith.index_cast %add3A_271 : i32 to index
        %get3A_273 = tpu.vector_load %arg6[%get3A_272] {strides = array<i32>} : memref<16384xf32, #tpu.memory_space<vmem>>, vector<16xf32>,
        %get3A_274 = vector.shape_cast %get3A_273 : vector<16xf32> to vector<16xf32>
        %mul3A_275 = arith.mulf %get3A_269, %get3A_274 : vector<16xf32>
        %add3A_276 = arith.addf %mul3A_264, %mul3A_275 : vector<16xf32>
        %add3A_277 = arith.constant 96 : i32
        %add3A_278 = arith.addi %mul3A_212, %add3A_277 : i32
        %get3A_279 = arith.index_cast %add3A_278 : i32 to index
        %get3A_280 = tpu.vector_load %arg5[%get3A_279] {strides = array<i32>} : memref<16384xf32, #tpu.memory_space<vmem>>, vector<16xf32>,
        %get3A_281 = vector.shape_cast %get3A_280 : vector<16xf32> to vector<16xf32>
        %add3A_282 = arith.constant 96 : i32
        %add3A_283 = arith.addi %mul3A_212, %add3A_282 : i32
        %get3A_284 = arith.index_cast %add3A_283 : i32 to index
        %get3A_285 = tpu.vector_load %arg6[%get3A_284] {strides = array<i32>} : memref<16384xf32, #tpu.memory_space<vmem>>, vector<16xf32>,
        %get3A_286 = vector.shape_cast %get3A_285 : vector<16xf32> to vector<16xf32>
        %mul3A_287 = arith.mulf %get3A_281, %get3A_286 : vector<16xf32>
        %add3A_288 = arith.constant 112 : i32
        %add3A_289 = arith.addi %mul3A_212, %add3A_288 : i32
        %get3A_290 = arith.index_cast %add3A_289 : i32 to index
        %get3A_291 = tpu.vector_load %arg5[%get3A_290] {strides = array<i32>} : memref<16384xf32, #tpu.memory_space<vmem>>, vector<16xf32>,
        %get3A_292 = vector.shape_cast %get3A_291 : vector<16xf32> to vector<16xf32>
        %add3A_293 = arith.constant 112 : i32
        %add3A_294 = arith.addi %mul3A_212, %add3A_293 : i32
        %get3A_295 = arith.index_cast %add3A_294 : i32 to index
        %get3A_296 = tpu.vector_load %arg6[%get3A_295] {strides = array<i32>} : memref<16384xf32, #tpu.memory_space<vmem>>, vector<16xf32>,
        %get3A_297 = vector.shape_cast %get3A_296 : vector<16xf32> to vector<16xf32>
        %mul3A_298 = arith.mulf %get3A_292, %get3A_297 : vector<16xf32>
        %add3A_299 = arith.addf %mul3A_287, %mul3A_298 : vector<16xf32>
        %add3A_300 = arith.addf %add3A_230, %add3A_253 : vector<16xf32>
        %add3A_301 = arith.addf %add3A_276, %add3A_299 : vector<16xf32>
        %add3A_302 = arith.addf %add3A_300, %add3A_301 : vector<16xf32>
        %swap3A = arith.index_cast %scan3A_210 : i32 to index
        %swap3A_303 = arith.constant 0 : index
        %swap3A_304 = tpu.vector_load %arg9[%swap3A, %swap3A_303] {strides = array<i32>} : memref<128x16xf32, #tpu.memory_space<vmem>>, vector<1x16xf32>,
        %swap3A_305 = vector.shape_cast %swap3A_304 : vector<1x16xf32> to vector<16xf32>
        %swap3A_306 = vector.shape_cast %add3A_302 : vector<16xf32> to vector<1x16xf32>
        tpu.vector_store %arg9[%swap3A, %swap3A_303], %swap3A_306 {strides = array<i32>} : memref<128x16xf32, #tpu.memory_space<vmem>>, vector<1x16xf32>,
      }
      %scan3A_207 = arith.constant 128 : i32
      %mul3A_208 = arith.constant 128 : i32
      %mul3A_209 = arith.muli %add3A_13, %mul3A_208 : i32
      "tpu.region"() ({
        %run_scoped3A = tpu.sem_alloc : memref<!tpu.dma_semaphore, #tpu.memory_space<semaphore_mem>>
        %dma_start3A = arith.constant 0 : i32
        %dma_start3A_210 = tpu.memref_slice %arg4[%mul3A_209, %dma_start3A] : memref<56832x16xf32, #tpu.memory_space<hbm>> -> memref<128x16xf32, #tpu.memory_space<hbm>>
        %dma_start3A_211 = arith.constant 0 : i32
        %dma_start3A_212 = tpu.memref_slice %arg4[%mul3A_209, %dma_start3A_211] : memref<56832x16xf32, #tpu.memory_space<hbm>> -> memref<128x16xf32, #tpu.memory_space<hbm>>
        tpu.enqueue_dma source(%arg9 : memref<128x16xf32, #tpu.memory_space<vmem>>) target(%dma_start3A_212 : memref<128x16xf32, #tpu.memory_space<hbm>>) target_semaphore(%run_scoped3A : memref<!tpu.dma_semaphore, #tpu.memory_space<semaphore_mem>>)
        %dma_wait3A_213 = arith.constant 0 : i32
        %dma_wait3A_214 = tpu.memref_slice %arg4[%mul3A_209, %dma_wait3A_213] : memref<56832x16xf32, #tpu.memory_space<hbm>> -> memref<128x16xf32, #tpu.memory_space<hbm>>
        %dma_wait3A_215 = arith.constant 0 : i32
        %dma_wait3A_216 = tpu.memref_slice %arg4[%mul3A_209, %dma_wait3A_215] : memref<56832x16xf32, #tpu.memory_space<hbm>> -> memref<128x16xf32, #tpu.memory_space<hbm>>
        tpu.wait_dma2 semaphore(%run_scoped3A : memref<!tpu.dma_semaphore, #tpu.memory_space<semaphore_mem>>) src(%arg9 : memref<128x16xf32, #tpu.memory_space<vmem>>) dst(%dma_wait3A_216 : memref<128x16xf32, #tpu.memory_space<hbm>>)
        tpu.yield
      }) : () -> ()
    } else {
    }
    %add3A_19 = arith.constant 64 : i32
    %add3A_20 = arith.addi %add3A, %add3A_19 : i32
    %lt3A_21 = arith.constant 444 : i32
    %lt3A_22 = arith.cmpi slt, %add3A_20, %lt3A_21 : i32
    %convert_element_type3A_23 = arith.extui %lt3A_22 : i1 to i32
    %cond3A_24 = arith.constant 0 : i32
    %cond3A_25 = arith.cmpi ne, %convert_element_type3A_23, %cond3A_24 : i32
    scf.if %cond3A_25 {
      %mul3A_194 = arith.constant 128 : i32
      %mul3A_195 = arith.muli %add3A_20, %mul3A_194 : i32
      %add3A_196 = arith.constant 179968 : i32
      %add3A_197 = arith.addi %add3A_196, %mul3A_195 : i32
      %mul3A_198 = arith.constant 128 : i32
      %mul3A_199 = arith.muli %add3A_197, %mul3A_198 : i32
      %dma_start3A = tpu.memref_slice %arg2[%mul3A_199] : memref<30310400xf32, #tpu.memory_space<hbm>> -> memref<16384xf32, #tpu.memory_space<hbm>>
      %dma_start3A_200 = tpu.memref_slice %arg2[%mul3A_199] : memref<30310400xf32, #tpu.memory_space<hbm>> -> memref<16384xf32, #tpu.memory_space<hbm>>
      tpu.enqueue_dma source(%dma_start3A_200 : memref<16384xf32, #tpu.memory_space<hbm>>) target(%arg5 : memref<16384xf32, #tpu.memory_space<vmem>>) target_semaphore(%arg10 : memref<!tpu.dma_semaphore, #tpu.memory_space<semaphore_mem>>)
      %dma_start3A_201 = tpu.memref_slice %arg3[%mul3A_199] : memref<30310400xf32, #tpu.memory_space<hbm>> -> memref<16384xf32, #tpu.memory_space<hbm>>
      %dma_start3A_202 = tpu.memref_slice %arg3[%mul3A_199] : memref<30310400xf32, #tpu.memory_space<hbm>> -> memref<16384xf32, #tpu.memory_space<hbm>>
      tpu.enqueue_dma source(%dma_start3A_202 : memref<16384xf32, #tpu.memory_space<hbm>>) target(%arg6 : memref<16384xf32, #tpu.memory_space<vmem>>) target_semaphore(%arg10 : memref<!tpu.dma_semaphore, #tpu.memory_space<semaphore_mem>>)
    } else {
    }
    %add3A_26 = arith.constant 32 : i32
    %add3A_27 = arith.addi %add3A, %add3A_26 : i32
    %lt3A_28 = arith.constant 444 : i32
    %lt3A_29 = arith.cmpi slt, %add3A_27, %lt3A_28 : i32
    %convert_element_type3A_30 = arith.extui %lt3A_29 : i1 to i32
    %cond3A_31 = arith.constant 0 : i32
    %cond3A_32 = arith.cmpi ne, %convert_element_type3A_30, %cond3A_31 : i32
    scf.if %cond3A_32 {
      %mul3A_194 = arith.constant 128 : i32
      %mul3A_195 = arith.muli %add3A_27, %mul3A_194 : i32
      %add3A_196 = arith.constant 179968 : i32
      %add3A_197 = arith.addi %add3A_196, %mul3A_195 : i32
      %mul3A_198 = arith.constant 128 : i32
      %mul3A_199 = arith.muli %add3A_197, %mul3A_198 : i32
      %dma_wait3A = tpu.memref_slice %arg2[%mul3A_199] : memref<30310400xf32, #tpu.memory_space<hbm>> -> memref<16384xf32, #tpu.memory_space<hbm>>
      %dma_wait3A_200 = tpu.memref_slice %arg2[%mul3A_199] : memref<30310400xf32, #tpu.memory_space<hbm>> -> memref<16384xf32, #tpu.memory_space<hbm>>
      tpu.wait_dma2 semaphore(%arg11 : memref<!tpu.dma_semaphore, #tpu.memory_space<semaphore_mem>>) src(%dma_wait3A_200 : memref<16384xf32, #tpu.memory_space<hbm>>) dst(%arg7 : memref<16384xf32, #tpu.memory_space<vmem>>)
      %dma_wait3A_201 = tpu.memref_slice %arg3[%mul3A_199] : memref<30310400xf32, #tpu.memory_space<hbm>> -> memref<16384xf32, #tpu.memory_space<hbm>>
      %dma_wait3A_202 = tpu.memref_slice %arg3[%mul3A_199] : memref<30310400xf32, #tpu.memory_space<hbm>> -> memref<16384xf32, #tpu.memory_space<hbm>>
      tpu.wait_dma2 semaphore(%arg11 : memref<!tpu.dma_semaphore, #tpu.memory_space<semaphore_mem>>) src(%dma_wait3A_202 : memref<16384xf32, #tpu.memory_space<hbm>>) dst(%arg8 : memref<16384xf32, #tpu.memory_space<vmem>>)
      %scan3A = arith.constant 0 : i32
      %scan3A_203 = arith.constant 0 : i32
      %scan3A_204 = arith.constant 128 : i32
      %scan3A_205 = arith.addi %scan3A_203, %scan3A_204 : i32
      %scan3A_206 = arith.constant 1 : i32
      scf.for %scan3A_210 = %scan3A_203 to %scan3A_205 step %scan3A_206  : i32 {
        %mul3A_211 = arith.constant 128 : i32
        %mul3A_212 = arith.muli %scan3A_210, %mul3A_211 : i32
        %get3A = arith.index_cast %mul3A_212 : i32 to index
        %get3A_213 = tpu.vector_load %arg7[%get3A] {strides = array<i32>} : memref<16384xf32, #tpu.memory_space<vmem>>, vector<16xf32>,
        %get3A_214 = vector.shape_cast %get3A_213 : vector<16xf32> to vector<16xf32>
        %get3A_215 = arith.index_cast %mul3A_212 : i32 to index
        %get3A_216 = tpu.vector_load %arg8[%get3A_215] {strides = array<i32>} : memref<16384xf32, #tpu.memory_space<vmem>>, vector<16xf32>,
        %get3A_217 = vector.shape_cast %get3A_216 : vector<16xf32> to vector<16xf32>
        %mul3A_218 = arith.mulf %get3A_214, %get3A_217 : vector<16xf32>
        %add3A_219 = arith.constant 16 : i32
        %add3A_220 = arith.addi %mul3A_212, %add3A_219 : i32
        %get3A_221 = arith.index_cast %add3A_220 : i32 to index
        %get3A_222 = tpu.vector_load %arg7[%get3A_221] {strides = array<i32>} : memref<16384xf32, #tpu.memory_space<vmem>>, vector<16xf32>,
        %get3A_223 = vector.shape_cast %get3A_222 : vector<16xf32> to vector<16xf32>
        %add3A_224 = arith.constant 16 : i32
        %add3A_225 = arith.addi %mul3A_212, %add3A_224 : i32
        %get3A_226 = arith.index_cast %add3A_225 : i32 to index
        %get3A_227 = tpu.vector_load %arg8[%get3A_226] {strides = array<i32>} : memref<16384xf32, #tpu.memory_space<vmem>>, vector<16xf32>,
        %get3A_228 = vector.shape_cast %get3A_227 : vector<16xf32> to vector<16xf32>
        %mul3A_229 = arith.mulf %get3A_223, %get3A_228 : vector<16xf32>
        %add3A_230 = arith.addf %mul3A_218, %mul3A_229 : vector<16xf32>
        %add3A_231 = arith.constant 32 : i32
        %add3A_232 = arith.addi %mul3A_212, %add3A_231 : i32
        %get3A_233 = arith.index_cast %add3A_232 : i32 to index
        %get3A_234 = tpu.vector_load %arg7[%get3A_233] {strides = array<i32>} : memref<16384xf32, #tpu.memory_space<vmem>>, vector<16xf32>,
        %get3A_235 = vector.shape_cast %get3A_234 : vector<16xf32> to vector<16xf32>
        %add3A_236 = arith.constant 32 : i32
        %add3A_237 = arith.addi %mul3A_212, %add3A_236 : i32
        %get3A_238 = arith.index_cast %add3A_237 : i32 to index
        %get3A_239 = tpu.vector_load %arg8[%get3A_238] {strides = array<i32>} : memref<16384xf32, #tpu.memory_space<vmem>>, vector<16xf32>,
        %get3A_240 = vector.shape_cast %get3A_239 : vector<16xf32> to vector<16xf32>
        %mul3A_241 = arith.mulf %get3A_235, %get3A_240 : vector<16xf32>
        %add3A_242 = arith.constant 48 : i32
        %add3A_243 = arith.addi %mul3A_212, %add3A_242 : i32
        %get3A_244 = arith.index_cast %add3A_243 : i32 to index
        %get3A_245 = tpu.vector_load %arg7[%get3A_244] {strides = array<i32>} : memref<16384xf32, #tpu.memory_space<vmem>>, vector<16xf32>,
        %get3A_246 = vector.shape_cast %get3A_245 : vector<16xf32> to vector<16xf32>
        %add3A_247 = arith.constant 48 : i32
        %add3A_248 = arith.addi %mul3A_212, %add3A_247 : i32
        %get3A_249 = arith.index_cast %add3A_248 : i32 to index
        %get3A_250 = tpu.vector_load %arg8[%get3A_249] {strides = array<i32>} : memref<16384xf32, #tpu.memory_space<vmem>>, vector<16xf32>,
        %get3A_251 = vector.shape_cast %get3A_250 : vector<16xf32> to vector<16xf32>
        %mul3A_252 = arith.mulf %get3A_246, %get3A_251 : vector<16xf32>
        %add3A_253 = arith.addf %mul3A_241, %mul3A_252 : vector<16xf32>
        %add3A_254 = arith.constant 64 : i32
        %add3A_255 = arith.addi %mul3A_212, %add3A_254 : i32
        %get3A_256 = arith.index_cast %add3A_255 : i32 to index
        %get3A_257 = tpu.vector_load %arg7[%get3A_256] {strides = array<i32>} : memref<16384xf32, #tpu.memory_space<vmem>>, vector<16xf32>,
        %get3A_258 = vector.shape_cast %get3A_257 : vector<16xf32> to vector<16xf32>
        %add3A_259 = arith.constant 64 : i32
        %add3A_260 = arith.addi %mul3A_212, %add3A_259 : i32
        %get3A_261 = arith.index_cast %add3A_260 : i32 to index
        %get3A_262 = tpu.vector_load %arg8[%get3A_261] {strides = array<i32>} : memref<16384xf32, #tpu.memory_space<vmem>>, vector<16xf32>,
        %get3A_263 = vector.shape_cast %get3A_262 : vector<16xf32> to vector<16xf32>
        %mul3A_264 = arith.mulf %get3A_258, %get3A_263 : vector<16xf32>
        %add3A_265 = arith.constant 80 : i32
        %add3A_266 = arith.addi %mul3A_212, %add3A_265 : i32
        %get3A_267 = arith.index_cast %add3A_266 : i32 to index
        %get3A_268 = tpu.vector_load %arg7[%get3A_267] {strides = array<i32>} : memref<16384xf32, #tpu.memory_space<vmem>>, vector<16xf32>,
        %get3A_269 = vector.shape_cast %get3A_268 : vector<16xf32> to vector<16xf32>
        %add3A_270 = arith.constant 80 : i32
        %add3A_271 = arith.addi %mul3A_212, %add3A_270 : i32
        %get3A_272 = arith.index_cast %add3A_271 : i32 to index
        %get3A_273 = tpu.vector_load %arg8[%get3A_272] {strides = array<i32>} : memref<16384xf32, #tpu.memory_space<vmem>>, vector<16xf32>,
        %get3A_274 = vector.shape_cast %get3A_273 : vector<16xf32> to vector<16xf32>
        %mul3A_275 = arith.mulf %get3A_269, %get3A_274 : vector<16xf32>
        %add3A_276 = arith.addf %mul3A_264, %mul3A_275 : vector<16xf32>
        %add3A_277 = arith.constant 96 : i32
        %add3A_278 = arith.addi %mul3A_212, %add3A_277 : i32
        %get3A_279 = arith.index_cast %add3A_278 : i32 to index
        %get3A_280 = tpu.vector_load %arg7[%get3A_279] {strides = array<i32>} : memref<16384xf32, #tpu.memory_space<vmem>>, vector<16xf32>,
        %get3A_281 = vector.shape_cast %get3A_280 : vector<16xf32> to vector<16xf32>
        %add3A_282 = arith.constant 96 : i32
        %add3A_283 = arith.addi %mul3A_212, %add3A_282 : i32
        %get3A_284 = arith.index_cast %add3A_283 : i32 to index
        %get3A_285 = tpu.vector_load %arg8[%get3A_284] {strides = array<i32>} : memref<16384xf32, #tpu.memory_space<vmem>>, vector<16xf32>,
        %get3A_286 = vector.shape_cast %get3A_285 : vector<16xf32> to vector<16xf32>
        %mul3A_287 = arith.mulf %get3A_281, %get3A_286 : vector<16xf32>
        %add3A_288 = arith.constant 112 : i32
        %add3A_289 = arith.addi %mul3A_212, %add3A_288 : i32
        %get3A_290 = arith.index_cast %add3A_289 : i32 to index
        %get3A_291 = tpu.vector_load %arg7[%get3A_290] {strides = array<i32>} : memref<16384xf32, #tpu.memory_space<vmem>>, vector<16xf32>,
        %get3A_292 = vector.shape_cast %get3A_291 : vector<16xf32> to vector<16xf32>
        %add3A_293 = arith.constant 112 : i32
        %add3A_294 = arith.addi %mul3A_212, %add3A_293 : i32
        %get3A_295 = arith.index_cast %add3A_294 : i32 to index
        %get3A_296 = tpu.vector_load %arg8[%get3A_295] {strides = array<i32>} : memref<16384xf32, #tpu.memory_space<vmem>>, vector<16xf32>,
        %get3A_297 = vector.shape_cast %get3A_296 : vector<16xf32> to vector<16xf32>
        %mul3A_298 = arith.mulf %get3A_292, %get3A_297 : vector<16xf32>
        %add3A_299 = arith.addf %mul3A_287, %mul3A_298 : vector<16xf32>
        %add3A_300 = arith.addf %add3A_230, %add3A_253 : vector<16xf32>
        %add3A_301 = arith.addf %add3A_276, %add3A_299 : vector<16xf32>
        %add3A_302 = arith.addf %add3A_300, %add3A_301 : vector<16xf32>
        %swap3A = arith.index_cast %scan3A_210 : i32 to index
        %swap3A_303 = arith.constant 0 : index
        %swap3A_304 = tpu.vector_load %arg9[%swap3A, %swap3A_303] {strides = array<i32>} : memref<128x16xf32, #tpu.memory_space<vmem>>, vector<1x16xf32>,
        %swap3A_305 = vector.shape_cast %swap3A_304 : vector<1x16xf32> to vector<16xf32>
        %swap3A_306 = vector.shape_cast %add3A_302 : vector<16xf32> to vector<1x16xf32>
        tpu.vector_store %arg9[%swap3A, %swap3A_303], %swap3A_306 {strides = array<i32>} : memref<128x16xf32, #tpu.memory_space<vmem>>, vector<1x16xf32>,
      }
      %scan3A_207 = arith.constant 128 : i32
      %mul3A_208 = arith.constant 128 : i32
      %mul3A_209 = arith.muli %add3A_27, %mul3A_208 : i32
      "tpu.region"() ({
        %run_scoped3A = tpu.sem_alloc : memref<!tpu.dma_semaphore, #tpu.memory_space<semaphore_mem>>
        %dma_start3A = arith.constant 0 : i32
        %dma_start3A_210 = tpu.memref_slice %arg4[%mul3A_209, %dma_start3A] : memref<56832x16xf32, #tpu.memory_space<hbm>> -> memref<128x16xf32, #tpu.memory_space<hbm>>
        %dma_start3A_211 = arith.constant 0 : i32
        %dma_start3A_212 = tpu.memref_slice %arg4[%mul3A_209, %dma_start3A_211] : memref<56832x16xf32, #tpu.memory_space<hbm>> -> memref<128x16xf32, #tpu.memory_space<hbm>>
        tpu.enqueue_dma source(%arg9 : memref<128x16xf32, #tpu.memory_space<vmem>>) target(%dma_start3A_212 : memref<128x16xf32, #tpu.memory_space<hbm>>) target_semaphore(%run_scoped3A : memref<!tpu.dma_semaphore, #tpu.memory_space<semaphore_mem>>)
        %dma_wait3A_213 = arith.constant 0 : i32
        %dma_wait3A_214 = tpu.memref_slice %arg4[%mul3A_209, %dma_wait3A_213] : memref<56832x16xf32, #tpu.memory_space<hbm>> -> memref<128x16xf32, #tpu.memory_space<hbm>>
        %dma_wait3A_215 = arith.constant 0 : i32
        %dma_wait3A_216 = tpu.memref_slice %arg4[%mul3A_209, %dma_wait3A_215] : memref<56832x16xf32, #tpu.memory_space<hbm>> -> memref<128x16xf32, #tpu.memory_space<hbm>>
        tpu.wait_dma2 semaphore(%run_scoped3A : memref<!tpu.dma_semaphore, #tpu.memory_space<semaphore_mem>>) src(%arg9 : memref<128x16xf32, #tpu.memory_space<vmem>>) dst(%dma_wait3A_216 : memref<128x16xf32, #tpu.memory_space<hbm>>)
        tpu.yield
      }) : () -> ()
    } else {
    }
    %add3A_33 = arith.constant 96 : i32
    %add3A_34 = arith.addi %add3A, %add3A_33 : i32
    %lt3A_35 = arith.constant 444 : i32
    %lt3A_36 = arith.cmpi slt, %add3A_34, %lt3A_35 : i32
    %convert_element_type3A_37 = arith.extui %lt3A_36 : i1 to i32
    %cond3A_38 = arith.constant 0 : i32
    %cond3A_39 = arith.cmpi ne, %convert_element_type3A_37, %cond3A_38 : i32
    scf.if %cond3A_39 {
      %mul3A_194 = arith.constant 128 : i32
      %mul3A_195 = arith.muli %add3A_34, %mul3A_194 : i32
      %add3A_196 = arith.constant 179968 : i32
      %add3A_197 = arith.addi %add3A_196, %mul3A_195 : i32
      %mul3A_198 = arith.constant 128 : i32
      %mul3A_199 = arith.muli %add3A_197, %mul3A_198 : i32
      %dma_start3A = tpu.memref_slice %arg2[%mul3A_199] : memref<30310400xf32, #tpu.memory_space<hbm>> -> memref<16384xf32, #tpu.memory_space<hbm>>
      %dma_start3A_200 = tpu.memref_slice %arg2[%mul3A_199] : memref<30310400xf32, #tpu.memory_space<hbm>> -> memref<16384xf32, #tpu.memory_space<hbm>>
      tpu.enqueue_dma source(%dma_start3A_200 : memref<16384xf32, #tpu.memory_space<hbm>>) target(%arg7 : memref<16384xf32, #tpu.memory_space<vmem>>) target_semaphore(%arg11 : memref<!tpu.dma_semaphore, #tpu.memory_space<semaphore_mem>>)
      %dma_start3A_201 = tpu.memref_slice %arg3[%mul3A_199] : memref<30310400xf32, #tpu.memory_space<hbm>> -> memref<16384xf32, #tpu.memory_space<hbm>>
      %dma_start3A_202 = tpu.memref_slice %arg3[%mul3A_199] : memref<30310400xf32, #tpu.memory_space<hbm>> -> memref<16384xf32, #tpu.memory_space<hbm>>
      tpu.enqueue_dma source(%dma_start3A_202 : memref<16384xf32, #tpu.memory_space<hbm>>) target(%arg8 : memref<16384xf32, #tpu.memory_space<vmem>>) target_semaphore(%arg11 : memref<!tpu.dma_semaphore, #tpu.memory_space<semaphore_mem>>)
    } else {
    }
    %add3A_40 = arith.constant 64 : i32
    %add3A_41 = arith.addi %add3A, %add3A_40 : i32
    %lt3A_42 = arith.constant 444 : i32
    %lt3A_43 = arith.cmpi slt, %add3A_41, %lt3A_42 : i32
    %convert_element_type3A_44 = arith.extui %lt3A_43 : i1 to i32
    %cond3A_45 = arith.constant 0 : i32
    %cond3A_46 = arith.cmpi ne, %convert_element_type3A_44, %cond3A_45 : i32
    scf.if %cond3A_46 {
      %mul3A_194 = arith.constant 128 : i32
      %mul3A_195 = arith.muli %add3A_41, %mul3A_194 : i32
      %add3A_196 = arith.constant 179968 : i32
      %add3A_197 = arith.addi %add3A_196, %mul3A_195 : i32
      %mul3A_198 = arith.constant 128 : i32
      %mul3A_199 = arith.muli %add3A_197, %mul3A_198 : i32
      %dma_wait3A = tpu.memref_slice %arg2[%mul3A_199] : memref<30310400xf32, #tpu.memory_space<hbm>> -> memref<16384xf32, #tpu.memory_space<hbm>>
      %dma_wait3A_200 = tpu.memref_slice %arg2[%mul3A_199] : memref<30310400xf32, #tpu.memory_space<hbm>> -> memref<16384xf32, #tpu.memory_space<hbm>>
      tpu.wait_dma2 semaphore(%arg10 : memref<!tpu.dma_semaphore, #tpu.memory_space<semaphore_mem>>) src(%dma_wait3A_200 : memref<16384xf32, #tpu.memory_space<hbm>>) dst(%arg5 : memref<16384xf32, #tpu.memory_space<vmem>>)
      %dma_wait3A_201 = tpu.memref_slice %arg3[%mul3A_199] : memref<30310400xf32, #tpu.memory_space<hbm>> -> memref<16384xf32, #tpu.memory_space<hbm>>
      %dma_wait3A_202 = tpu.memref_slice %arg3[%mul3A_199] : memref<30310400xf32, #tpu.memory_space<hbm>> -> memref<16384xf32, #tpu.memory_space<hbm>>
      tpu.wait_dma2 semaphore(%arg10 : memref<!tpu.dma_semaphore, #tpu.memory_space<semaphore_mem>>) src(%dma_wait3A_202 : memref<16384xf32, #tpu.memory_space<hbm>>) dst(%arg6 : memref<16384xf32, #tpu.memory_space<vmem>>)
      %scan3A = arith.constant 0 : i32
      %scan3A_203 = arith.constant 0 : i32
      %scan3A_204 = arith.constant 128 : i32
      %scan3A_205 = arith.addi %scan3A_203, %scan3A_204 : i32
      %scan3A_206 = arith.constant 1 : i32
      scf.for %scan3A_210 = %scan3A_203 to %scan3A_205 step %scan3A_206  : i32 {
        %mul3A_211 = arith.constant 128 : i32
        %mul3A_212 = arith.muli %scan3A_210, %mul3A_211 : i32
        %get3A = arith.index_cast %mul3A_212 : i32 to index
        %get3A_213 = tpu.vector_load %arg5[%get3A] {strides = array<i32>} : memref<16384xf32, #tpu.memory_space<vmem>>, vector<16xf32>,
        %get3A_214 = vector.shape_cast %get3A_213 : vector<16xf32> to vector<16xf32>
        %get3A_215 = arith.index_cast %mul3A_212 : i32 to index
        %get3A_216 = tpu.vector_load %arg6[%get3A_215] {strides = array<i32>} : memref<16384xf32, #tpu.memory_space<vmem>>, vector<16xf32>,
        %get3A_217 = vector.shape_cast %get3A_216 : vector<16xf32> to vector<16xf32>
        %mul3A_218 = arith.mulf %get3A_214, %get3A_217 : vector<16xf32>
        %add3A_219 = arith.constant 16 : i32
        %add3A_220 = arith.addi %mul3A_212, %add3A_219 : i32
        %get3A_221 = arith.index_cast %add3A_220 : i32 to index
        %get3A_222 = tpu.vector_load %arg5[%get3A_221] {strides = array<i32>} : memref<16384xf32, #tpu.memory_space<vmem>>, vector<16xf32>,
        %get3A_223 = vector.shape_cast %get3A_222 : vector<16xf32> to vector<16xf32>
        %add3A_224 = arith.constant 16 : i32
        %add3A_225 = arith.addi %mul3A_212, %add3A_224 : i32
        %get3A_226 = arith.index_cast %add3A_225 : i32 to index
        %get3A_227 = tpu.vector_load %arg6[%get3A_226] {strides = array<i32>} : memref<16384xf32, #tpu.memory_space<vmem>>, vector<16xf32>,
        %get3A_228 = vector.shape_cast %get3A_227 : vector<16xf32> to vector<16xf32>
        %mul3A_229 = arith.mulf %get3A_223, %get3A_228 : vector<16xf32>
        %add3A_230 = arith.addf %mul3A_218, %mul3A_229 : vector<16xf32>
        %add3A_231 = arith.constant 32 : i32
        %add3A_232 = arith.addi %mul3A_212, %add3A_231 : i32
        %get3A_233 = arith.index_cast %add3A_232 : i32 to index
        %get3A_234 = tpu.vector_load %arg5[%get3A_233] {strides = array<i32>} : memref<16384xf32, #tpu.memory_space<vmem>>, vector<16xf32>,
        %get3A_235 = vector.shape_cast %get3A_234 : vector<16xf32> to vector<16xf32>
        %add3A_236 = arith.constant 32 : i32
        %add3A_237 = arith.addi %mul3A_212, %add3A_236 : i32
        %get3A_238 = arith.index_cast %add3A_237 : i32 to index
        %get3A_239 = tpu.vector_load %arg6[%get3A_238] {strides = array<i32>} : memref<16384xf32, #tpu.memory_space<vmem>>, vector<16xf32>,
        %get3A_240 = vector.shape_cast %get3A_239 : vector<16xf32> to vector<16xf32>
        %mul3A_241 = arith.mulf %get3A_235, %get3A_240 : vector<16xf32>
        %add3A_242 = arith.constant 48 : i32
        %add3A_243 = arith.addi %mul3A_212, %add3A_242 : i32
        %get3A_244 = arith.index_cast %add3A_243 : i32 to index
        %get3A_245 = tpu.vector_load %arg5[%get3A_244] {strides = array<i32>} : memref<16384xf32, #tpu.memory_space<vmem>>, vector<16xf32>,
        %get3A_246 = vector.shape_cast %get3A_245 : vector<16xf32> to vector<16xf32>
        %add3A_247 = arith.constant 48 : i32
        %add3A_248 = arith.addi %mul3A_212, %add3A_247 : i32
        %get3A_249 = arith.index_cast %add3A_248 : i32 to index
        %get3A_250 = tpu.vector_load %arg6[%get3A_249] {strides = array<i32>} : memref<16384xf32, #tpu.memory_space<vmem>>, vector<16xf32>,
        %get3A_251 = vector.shape_cast %get3A_250 : vector<16xf32> to vector<16xf32>
        %mul3A_252 = arith.mulf %get3A_246, %get3A_251 : vector<16xf32>
        %add3A_253 = arith.addf %mul3A_241, %mul3A_252 : vector<16xf32>
        %add3A_254 = arith.constant 64 : i32
        %add3A_255 = arith.addi %mul3A_212, %add3A_254 : i32
        %get3A_256 = arith.index_cast %add3A_255 : i32 to index
        %get3A_257 = tpu.vector_load %arg5[%get3A_256] {strides = array<i32>} : memref<16384xf32, #tpu.memory_space<vmem>>, vector<16xf32>,
        %get3A_258 = vector.shape_cast %get3A_257 : vector<16xf32> to vector<16xf32>
        %add3A_259 = arith.constant 64 : i32
        %add3A_260 = arith.addi %mul3A_212, %add3A_259 : i32
        %get3A_261 = arith.index_cast %add3A_260 : i32 to index
        %get3A_262 = tpu.vector_load %arg6[%get3A_261] {strides = array<i32>} : memref<16384xf32, #tpu.memory_space<vmem>>, vector<16xf32>,
        %get3A_263 = vector.shape_cast %get3A_262 : vector<16xf32> to vector<16xf32>
        %mul3A_264 = arith.mulf %get3A_258, %get3A_263 : vector<16xf32>
        %add3A_265 = arith.constant 80 : i32
        %add3A_266 = arith.addi %mul3A_212, %add3A_265 : i32
        %get3A_267 = arith.index_cast %add3A_266 : i32 to index
        %get3A_268 = tpu.vector_load %arg5[%get3A_267] {strides = array<i32>} : memref<16384xf32, #tpu.memory_space<vmem>>, vector<16xf32>,
        %get3A_269 = vector.shape_cast %get3A_268 : vector<16xf32> to vector<16xf32>
        %add3A_270 = arith.constant 80 : i32
        %add3A_271 = arith.addi %mul3A_212, %add3A_270 : i32
        %get3A_272 = arith.index_cast %add3A_271 : i32 to index
        %get3A_273 = tpu.vector_load %arg6[%get3A_272] {strides = array<i32>} : memref<16384xf32, #tpu.memory_space<vmem>>, vector<16xf32>,
        %get3A_274 = vector.shape_cast %get3A_273 : vector<16xf32> to vector<16xf32>
        %mul3A_275 = arith.mulf %get3A_269, %get3A_274 : vector<16xf32>
        %add3A_276 = arith.addf %mul3A_264, %mul3A_275 : vector<16xf32>
        %add3A_277 = arith.constant 96 : i32
        %add3A_278 = arith.addi %mul3A_212, %add3A_277 : i32
        %get3A_279 = arith.index_cast %add3A_278 : i32 to index
        %get3A_280 = tpu.vector_load %arg5[%get3A_279] {strides = array<i32>} : memref<16384xf32, #tpu.memory_space<vmem>>, vector<16xf32>,
        %get3A_281 = vector.shape_cast %get3A_280 : vector<16xf32> to vector<16xf32>
        %add3A_282 = arith.constant 96 : i32
        %add3A_283 = arith.addi %mul3A_212, %add3A_282 : i32
        %get3A_284 = arith.index_cast %add3A_283 : i32 to index
        %get3A_285 = tpu.vector_load %arg6[%get3A_284] {strides = array<i32>} : memref<16384xf32, #tpu.memory_space<vmem>>, vector<16xf32>,
        %get3A_286 = vector.shape_cast %get3A_285 : vector<16xf32> to vector<16xf32>
        %mul3A_287 = arith.mulf %get3A_281, %get3A_286 : vector<16xf32>
        %add3A_288 = arith.constant 112 : i32
        %add3A_289 = arith.addi %mul3A_212, %add3A_288 : i32
        %get3A_290 = arith.index_cast %add3A_289 : i32 to index
        %get3A_291 = tpu.vector_load %arg5[%get3A_290] {strides = array<i32>} : memref<16384xf32, #tpu.memory_space<vmem>>, vector<16xf32>,
        %get3A_292 = vector.shape_cast %get3A_291 : vector<16xf32> to vector<16xf32>
        %add3A_293 = arith.constant 112 : i32
        %add3A_294 = arith.addi %mul3A_212, %add3A_293 : i32
        %get3A_295 = arith.index_cast %add3A_294 : i32 to index
        %get3A_296 = tpu.vector_load %arg6[%get3A_295] {strides = array<i32>} : memref<16384xf32, #tpu.memory_space<vmem>>, vector<16xf32>,
        %get3A_297 = vector.shape_cast %get3A_296 : vector<16xf32> to vector<16xf32>
        %mul3A_298 = arith.mulf %get3A_292, %get3A_297 : vector<16xf32>
        %add3A_299 = arith.addf %mul3A_287, %mul3A_298 : vector<16xf32>
        %add3A_300 = arith.addf %add3A_230, %add3A_253 : vector<16xf32>
        %add3A_301 = arith.addf %add3A_276, %add3A_299 : vector<16xf32>
        %add3A_302 = arith.addf %add3A_300, %add3A_301 : vector<16xf32>
        %swap3A = arith.index_cast %scan3A_210 : i32 to index
        %swap3A_303 = arith.constant 0 : index
        %swap3A_304 = tpu.vector_load %arg9[%swap3A, %swap3A_303] {strides = array<i32>} : memref<128x16xf32, #tpu.memory_space<vmem>>, vector<1x16xf32>,
        %swap3A_305 = vector.shape_cast %swap3A_304 : vector<1x16xf32> to vector<16xf32>
        %swap3A_306 = vector.shape_cast %add3A_302 : vector<16xf32> to vector<1x16xf32>
        tpu.vector_store %arg9[%swap3A, %swap3A_303], %swap3A_306 {strides = array<i32>} : memref<128x16xf32, #tpu.memory_space<vmem>>, vector<1x16xf32>,
      }
      %scan3A_207 = arith.constant 128 : i32
      %mul3A_208 = arith.constant 128 : i32
      %mul3A_209 = arith.muli %add3A_41, %mul3A_208 : i32
      "tpu.region"() ({
        %run_scoped3A = tpu.sem_alloc : memref<!tpu.dma_semaphore, #tpu.memory_space<semaphore_mem>>
        %dma_start3A = arith.constant 0 : i32
        %dma_start3A_210 = tpu.memref_slice %arg4[%mul3A_209, %dma_start3A] : memref<56832x16xf32, #tpu.memory_space<hbm>> -> memref<128x16xf32, #tpu.memory_space<hbm>>
        %dma_start3A_211 = arith.constant 0 : i32
        %dma_start3A_212 = tpu.memref_slice %arg4[%mul3A_209, %dma_start3A_211] : memref<56832x16xf32, #tpu.memory_space<hbm>> -> memref<128x16xf32, #tpu.memory_space<hbm>>
        tpu.enqueue_dma source(%arg9 : memref<128x16xf32, #tpu.memory_space<vmem>>) target(%dma_start3A_212 : memref<128x16xf32, #tpu.memory_space<hbm>>) target_semaphore(%run_scoped3A : memref<!tpu.dma_semaphore, #tpu.memory_space<semaphore_mem>>)
        %dma_wait3A_213 = arith.constant 0 : i32
        %dma_wait3A_214 = tpu.memref_slice %arg4[%mul3A_209, %dma_wait3A_213] : memref<56832x16xf32, #tpu.memory_space<hbm>> -> memref<128x16xf32, #tpu.memory_space<hbm>>
        %dma_wait3A_215 = arith.constant 0 : i32
        %dma_wait3A_216 = tpu.memref_slice %arg4[%mul3A_209, %dma_wait3A_215] : memref<56832x16xf32, #tpu.memory_space<hbm>> -> memref<128x16xf32, #tpu.memory_space<hbm>>
        tpu.wait_dma2 semaphore(%run_scoped3A : memref<!tpu.dma_semaphore, #tpu.memory_space<semaphore_mem>>) src(%arg9 : memref<128x16xf32, #tpu.memory_space<vmem>>) dst(%dma_wait3A_216 : memref<128x16xf32, #tpu.memory_space<hbm>>)
        tpu.yield
      }) : () -> ()
    } else {
    }
    %add3A_47 = arith.constant 128 : i32
    %add3A_48 = arith.addi %add3A, %add3A_47 : i32
    %lt3A_49 = arith.constant 444 : i32
    %lt3A_50 = arith.cmpi slt, %add3A_48, %lt3A_49 : i32
    %convert_element_type3A_51 = arith.extui %lt3A_50 : i1 to i32
    %cond3A_52 = arith.constant 0 : i32
    %cond3A_53 = arith.cmpi ne, %convert_element_type3A_51, %cond3A_52 : i32
    scf.if %cond3A_53 {
      %mul3A_194 = arith.constant 128 : i32
      %mul3A_195 = arith.muli %add3A_48, %mul3A_194 : i32
      %add3A_196 = arith.constant 179968 : i32
      %add3A_197 = arith.addi %add3A_196, %mul3A_195 : i32
      %mul3A_198 = arith.constant 128 : i32
      %mul3A_199 = arith.muli %add3A_197, %mul3A_198 : i32
      %dma_start3A = tpu.memref_slice %arg2[%mul3A_199] : memref<30310400xf32, #tpu.memory_space<hbm>> -> memref<16384xf32, #tpu.memory_space<hbm>>
      %dma_start3A_200 = tpu.memref_slice %arg2[%mul3A_199] : memref<30310400xf32, #tpu.memory_space<hbm>> -> memref<16384xf32, #tpu.memory_space<hbm>>
      tpu.enqueue_dma source(%dma_start3A_200 : memref<16384xf32, #tpu.memory_space<hbm>>) target(%arg5 : memref<16384xf32, #tpu.memory_space<vmem>>) target_semaphore(%arg10 : memref<!tpu.dma_semaphore, #tpu.memory_space<semaphore_mem>>)
      %dma_start3A_201 = tpu.memref_slice %arg3[%mul3A_199] : memref<30310400xf32, #tpu.memory_space<hbm>> -> memref<16384xf32, #tpu.memory_space<hbm>>
      %dma_start3A_202 = tpu.memref_slice %arg3[%mul3A_199] : memref<30310400xf32, #tpu.memory_space<hbm>> -> memref<16384xf32, #tpu.memory_space<hbm>>
      tpu.enqueue_dma source(%dma_start3A_202 : memref<16384xf32, #tpu.memory_space<hbm>>) target(%arg6 : memref<16384xf32, #tpu.memory_space<vmem>>) target_semaphore(%arg10 : memref<!tpu.dma_semaphore, #tpu.memory_space<semaphore_mem>>)
    } else {
    }
    %add3A_54 = arith.constant 96 : i32
    %add3A_55 = arith.addi %add3A, %add3A_54 : i32
    %lt3A_56 = arith.constant 444 : i32
    %lt3A_57 = arith.cmpi slt, %add3A_55, %lt3A_56 : i32
    %convert_element_type3A_58 = arith.extui %lt3A_57 : i1 to i32
    %cond3A_59 = arith.constant 0 : i32
    %cond3A_60 = arith.cmpi ne, %convert_element_type3A_58, %cond3A_59 : i32
    scf.if %cond3A_60 {
      %mul3A_194 = arith.constant 128 : i32
      %mul3A_195 = arith.muli %add3A_55, %mul3A_194 : i32
      %add3A_196 = arith.constant 179968 : i32
      %add3A_197 = arith.addi %add3A_196, %mul3A_195 : i32
      %mul3A_198 = arith.constant 128 : i32
      %mul3A_199 = arith.muli %add3A_197, %mul3A_198 : i32
      %dma_wait3A = tpu.memref_slice %arg2[%mul3A_199] : memref<30310400xf32, #tpu.memory_space<hbm>> -> memref<16384xf32, #tpu.memory_space<hbm>>
      %dma_wait3A_200 = tpu.memref_slice %arg2[%mul3A_199] : memref<30310400xf32, #tpu.memory_space<hbm>> -> memref<16384xf32, #tpu.memory_space<hbm>>
      tpu.wait_dma2 semaphore(%arg11 : memref<!tpu.dma_semaphore, #tpu.memory_space<semaphore_mem>>) src(%dma_wait3A_200 : memref<16384xf32, #tpu.memory_space<hbm>>) dst(%arg7 : memref<16384xf32, #tpu.memory_space<vmem>>)
      %dma_wait3A_201 = tpu.memref_slice %arg3[%mul3A_199] : memref<30310400xf32, #tpu.memory_space<hbm>> -> memref<16384xf32, #tpu.memory_space<hbm>>
      %dma_wait3A_202 = tpu.memref_slice %arg3[%mul3A_199] : memref<30310400xf32, #tpu.memory_space<hbm>> -> memref<16384xf32, #tpu.memory_space<hbm>>
      tpu.wait_dma2 semaphore(%arg11 : memref<!tpu.dma_semaphore, #tpu.memory_space<semaphore_mem>>) src(%dma_wait3A_202 : memref<16384xf32, #tpu.memory_space<hbm>>) dst(%arg8 : memref<16384xf32, #tpu.memory_space<vmem>>)
      %scan3A = arith.constant 0 : i32
      %scan3A_203 = arith.constant 0 : i32
      %scan3A_204 = arith.constant 128 : i32
      %scan3A_205 = arith.addi %scan3A_203, %scan3A_204 : i32
      %scan3A_206 = arith.constant 1 : i32
      scf.for %scan3A_210 = %scan3A_203 to %scan3A_205 step %scan3A_206  : i32 {
        %mul3A_211 = arith.constant 128 : i32
        %mul3A_212 = arith.muli %scan3A_210, %mul3A_211 : i32
        %get3A = arith.index_cast %mul3A_212 : i32 to index
        %get3A_213 = tpu.vector_load %arg7[%get3A] {strides = array<i32>} : memref<16384xf32, #tpu.memory_space<vmem>>, vector<16xf32>,
        %get3A_214 = vector.shape_cast %get3A_213 : vector<16xf32> to vector<16xf32>
        %get3A_215 = arith.index_cast %mul3A_212 : i32 to index
        %get3A_216 = tpu.vector_load %arg8[%get3A_215] {strides = array<i32>} : memref<16384xf32, #tpu.memory_space<vmem>>, vector<16xf32>,
        %get3A_217 = vector.shape_cast %get3A_216 : vector<16xf32> to vector<16xf32>
        %mul3A_218 = arith.mulf %get3A_214, %get3A_217 : vector<16xf32>
        %add3A_219 = arith.constant 16 : i32
        %add3A_220 = arith.addi %mul3A_212, %add3A_219 : i32
        %get3A_221 = arith.index_cast %add3A_220 : i32 to index
        %get3A_222 = tpu.vector_load %arg7[%get3A_221] {strides = array<i32>} : memref<16384xf32, #tpu.memory_space<vmem>>, vector<16xf32>,
        %get3A_223 = vector.shape_cast %get3A_222 : vector<16xf32> to vector<16xf32>
        %add3A_224 = arith.constant 16 : i32
        %add3A_225 = arith.addi %mul3A_212, %add3A_224 : i32
        %get3A_226 = arith.index_cast %add3A_225 : i32 to index
        %get3A_227 = tpu.vector_load %arg8[%get3A_226] {strides = array<i32>} : memref<16384xf32, #tpu.memory_space<vmem>>, vector<16xf32>,
        %get3A_228 = vector.shape_cast %get3A_227 : vector<16xf32> to vector<16xf32>
        %mul3A_229 = arith.mulf %get3A_223, %get3A_228 : vector<16xf32>
        %add3A_230 = arith.addf %mul3A_218, %mul3A_229 : vector<16xf32>
        %add3A_231 = arith.constant 32 : i32
        %add3A_232 = arith.addi %mul3A_212, %add3A_231 : i32
        %get3A_233 = arith.index_cast %add3A_232 : i32 to index
        %get3A_234 = tpu.vector_load %arg7[%get3A_233] {strides = array<i32>} : memref<16384xf32, #tpu.memory_space<vmem>>, vector<16xf32>,
        %get3A_235 = vector.shape_cast %get3A_234 : vector<16xf32> to vector<16xf32>
        %add3A_236 = arith.constant 32 : i32
        %add3A_237 = arith.addi %mul3A_212, %add3A_236 : i32
        %get3A_238 = arith.index_cast %add3A_237 : i32 to index
        %get3A_239 = tpu.vector_load %arg8[%get3A_238] {strides = array<i32>} : memref<16384xf32, #tpu.memory_space<vmem>>, vector<16xf32>,
        %get3A_240 = vector.shape_cast %get3A_239 : vector<16xf32> to vector<16xf32>
        %mul3A_241 = arith.mulf %get3A_235, %get3A_240 : vector<16xf32>
        %add3A_242 = arith.constant 48 : i32
        %add3A_243 = arith.addi %mul3A_212, %add3A_242 : i32
        %get3A_244 = arith.index_cast %add3A_243 : i32 to index
        %get3A_245 = tpu.vector_load %arg7[%get3A_244] {strides = array<i32>} : memref<16384xf32, #tpu.memory_space<vmem>>, vector<16xf32>,
        %get3A_246 = vector.shape_cast %get3A_245 : vector<16xf32> to vector<16xf32>
        %add3A_247 = arith.constant 48 : i32
        %add3A_248 = arith.addi %mul3A_212, %add3A_247 : i32
        %get3A_249 = arith.index_cast %add3A_248 : i32 to index
        %get3A_250 = tpu.vector_load %arg8[%get3A_249] {strides = array<i32>} : memref<16384xf32, #tpu.memory_space<vmem>>, vector<16xf32>,
        %get3A_251 = vector.shape_cast %get3A_250 : vector<16xf32> to vector<16xf32>
        %mul3A_252 = arith.mulf %get3A_246, %get3A_251 : vector<16xf32>
        %add3A_253 = arith.addf %mul3A_241, %mul3A_252 : vector<16xf32>
        %add3A_254 = arith.constant 64 : i32
        %add3A_255 = arith.addi %mul3A_212, %add3A_254 : i32
        %get3A_256 = arith.index_cast %add3A_255 : i32 to index
        %get3A_257 = tpu.vector_load %arg7[%get3A_256] {strides = array<i32>} : memref<16384xf32, #tpu.memory_space<vmem>>, vector<16xf32>,
        %get3A_258 = vector.shape_cast %get3A_257 : vector<16xf32> to vector<16xf32>
        %add3A_259 = arith.constant 64 : i32
        %add3A_260 = arith.addi %mul3A_212, %add3A_259 : i32
        %get3A_261 = arith.index_cast %add3A_260 : i32 to index
        %get3A_262 = tpu.vector_load %arg8[%get3A_261] {strides = array<i32>} : memref<16384xf32, #tpu.memory_space<vmem>>, vector<16xf32>,
        %get3A_263 = vector.shape_cast %get3A_262 : vector<16xf32> to vector<16xf32>
        %mul3A_264 = arith.mulf %get3A_258, %get3A_263 : vector<16xf32>
        %add3A_265 = arith.constant 80 : i32
        %add3A_266 = arith.addi %mul3A_212, %add3A_265 : i32
        %get3A_267 = arith.index_cast %add3A_266 : i32 to index
        %get3A_268 = tpu.vector_load %arg7[%get3A_267] {strides = array<i32>} : memref<16384xf32, #tpu.memory_space<vmem>>, vector<16xf32>,
        %get3A_269 = vector.shape_cast %get3A_268 : vector<16xf32> to vector<16xf32>
        %add3A_270 = arith.constant 80 : i32
        %add3A_271 = arith.addi %mul3A_212, %add3A_270 : i32
        %get3A_272 = arith.index_cast %add3A_271 : i32 to index
        %get3A_273 = tpu.vector_load %arg8[%get3A_272] {strides = array<i32>} : memref<16384xf32, #tpu.memory_space<vmem>>, vector<16xf32>,
        %get3A_274 = vector.shape_cast %get3A_273 : vector<16xf32> to vector<16xf32>
        %mul3A_275 = arith.mulf %get3A_269, %get3A_274 : vector<16xf32>
        %add3A_276 = arith.addf %mul3A_264, %mul3A_275 : vector<16xf32>
        %add3A_277 = arith.constant 96 : i32
        %add3A_278 = arith.addi %mul3A_212, %add3A_277 : i32
        %get3A_279 = arith.index_cast %add3A_278 : i32 to index
        %get3A_280 = tpu.vector_load %arg7[%get3A_279] {strides = array<i32>} : memref<16384xf32, #tpu.memory_space<vmem>>, vector<16xf32>,
        %get3A_281 = vector.shape_cast %get3A_280 : vector<16xf32> to vector<16xf32>
        %add3A_282 = arith.constant 96 : i32
        %add3A_283 = arith.addi %mul3A_212, %add3A_282 : i32
        %get3A_284 = arith.index_cast %add3A_283 : i32 to index
        %get3A_285 = tpu.vector_load %arg8[%get3A_284] {strides = array<i32>} : memref<16384xf32, #tpu.memory_space<vmem>>, vector<16xf32>,
        %get3A_286 = vector.shape_cast %get3A_285 : vector<16xf32> to vector<16xf32>
        %mul3A_287 = arith.mulf %get3A_281, %get3A_286 : vector<16xf32>
        %add3A_288 = arith.constant 112 : i32
        %add3A_289 = arith.addi %mul3A_212, %add3A_288 : i32
        %get3A_290 = arith.index_cast %add3A_289 : i32 to index
        %get3A_291 = tpu.vector_load %arg7[%get3A_290] {strides = array<i32>} : memref<16384xf32, #tpu.memory_space<vmem>>, vector<16xf32>,
        %get3A_292 = vector.shape_cast %get3A_291 : vector<16xf32> to vector<16xf32>
        %add3A_293 = arith.constant 112 : i32
        %add3A_294 = arith.addi %mul3A_212, %add3A_293 : i32
        %get3A_295 = arith.index_cast %add3A_294 : i32 to index
        %get3A_296 = tpu.vector_load %arg8[%get3A_295] {strides = array<i32>} : memref<16384xf32, #tpu.memory_space<vmem>>, vector<16xf32>,
        %get3A_297 = vector.shape_cast %get3A_296 : vector<16xf32> to vector<16xf32>
        %mul3A_298 = arith.mulf %get3A_292, %get3A_297 : vector<16xf32>
        %add3A_299 = arith.addf %mul3A_287, %mul3A_298 : vector<16xf32>
        %add3A_300 = arith.addf %add3A_230, %add3A_253 : vector<16xf32>
        %add3A_301 = arith.addf %add3A_276, %add3A_299 : vector<16xf32>
        %add3A_302 = arith.addf %add3A_300, %add3A_301 : vector<16xf32>
        %swap3A = arith.index_cast %scan3A_210 : i32 to index
        %swap3A_303 = arith.constant 0 : index
        %swap3A_304 = tpu.vector_load %arg9[%swap3A, %swap3A_303] {strides = array<i32>} : memref<128x16xf32, #tpu.memory_space<vmem>>, vector<1x16xf32>,
        %swap3A_305 = vector.shape_cast %swap3A_304 : vector<1x16xf32> to vector<16xf32>
        %swap3A_306 = vector.shape_cast %add3A_302 : vector<16xf32> to vector<1x16xf32>
        tpu.vector_store %arg9[%swap3A, %swap3A_303], %swap3A_306 {strides = array<i32>} : memref<128x16xf32, #tpu.memory_space<vmem>>, vector<1x16xf32>,
      }
      %scan3A_207 = arith.constant 128 : i32
      %mul3A_208 = arith.constant 128 : i32
      %mul3A_209 = arith.muli %add3A_55, %mul3A_208 : i32
      "tpu.region"() ({
        %run_scoped3A = tpu.sem_alloc : memref<!tpu.dma_semaphore, #tpu.memory_space<semaphore_mem>>
        %dma_start3A = arith.constant 0 : i32
        %dma_start3A_210 = tpu.memref_slice %arg4[%mul3A_209, %dma_start3A] : memref<56832x16xf32, #tpu.memory_space<hbm>> -> memref<128x16xf32, #tpu.memory_space<hbm>>
        %dma_start3A_211 = arith.constant 0 : i32
        %dma_start3A_212 = tpu.memref_slice %arg4[%mul3A_209, %dma_start3A_211] : memref<56832x16xf32, #tpu.memory_space<hbm>> -> memref<128x16xf32, #tpu.memory_space<hbm>>
        tpu.enqueue_dma source(%arg9 : memref<128x16xf32, #tpu.memory_space<vmem>>) target(%dma_start3A_212 : memref<128x16xf32, #tpu.memory_space<hbm>>) target_semaphore(%run_scoped3A : memref<!tpu.dma_semaphore, #tpu.memory_space<semaphore_mem>>)
        %dma_wait3A_213 = arith.constant 0 : i32
        %dma_wait3A_214 = tpu.memref_slice %arg4[%mul3A_209, %dma_wait3A_213] : memref<56832x16xf32, #tpu.memory_space<hbm>> -> memref<128x16xf32, #tpu.memory_space<hbm>>
        %dma_wait3A_215 = arith.constant 0 : i32
        %dma_wait3A_216 = tpu.memref_slice %arg4[%mul3A_209, %dma_wait3A_215] : memref<56832x16xf32, #tpu.memory_space<hbm>> -> memref<128x16xf32, #tpu.memory_space<hbm>>
        tpu.wait_dma2 semaphore(%run_scoped3A : memref<!tpu.dma_semaphore, #tpu.memory_space<semaphore_mem>>) src(%arg9 : memref<128x16xf32, #tpu.memory_space<vmem>>) dst(%dma_wait3A_216 : memref<128x16xf32, #tpu.memory_space<hbm>>)
        tpu.yield
      }) : () -> ()
    } else {
    }
    %add3A_61 = arith.constant 160 : i32
    %add3A_62 = arith.addi %add3A, %add3A_61 : i32
    %lt3A_63 = arith.constant 444 : i32
    %lt3A_64 = arith.cmpi slt, %add3A_62, %lt3A_63 : i32
    %convert_element_type3A_65 = arith.extui %lt3A_64 : i1 to i32
    %cond3A_66 = arith.constant 0 : i32
    %cond3A_67 = arith.cmpi ne, %convert_element_type3A_65, %cond3A_66 : i32
    scf.if %cond3A_67 {
      %mul3A_194 = arith.constant 128 : i32
      %mul3A_195 = arith.muli %add3A_62, %mul3A_194 : i32
      %add3A_196 = arith.constant 179968 : i32
      %add3A_197 = arith.addi %add3A_196, %mul3A_195 : i32
      %mul3A_198 = arith.constant 128 : i32
      %mul3A_199 = arith.muli %add3A_197, %mul3A_198 : i32
      %dma_start3A = tpu.memref_slice %arg2[%mul3A_199] : memref<30310400xf32, #tpu.memory_space<hbm>> -> memref<16384xf32, #tpu.memory_space<hbm>>
      %dma_start3A_200 = tpu.memref_slice %arg2[%mul3A_199] : memref<30310400xf32, #tpu.memory_space<hbm>> -> memref<16384xf32, #tpu.memory_space<hbm>>
      tpu.enqueue_dma source(%dma_start3A_200 : memref<16384xf32, #tpu.memory_space<hbm>>) target(%arg7 : memref<16384xf32, #tpu.memory_space<vmem>>) target_semaphore(%arg11 : memref<!tpu.dma_semaphore, #tpu.memory_space<semaphore_mem>>)
      %dma_start3A_201 = tpu.memref_slice %arg3[%mul3A_199] : memref<30310400xf32, #tpu.memory_space<hbm>> -> memref<16384xf32, #tpu.memory_space<hbm>>
      %dma_start3A_202 = tpu.memref_slice %arg3[%mul3A_199] : memref<30310400xf32, #tpu.memory_space<hbm>> -> memref<16384xf32, #tpu.memory_space<hbm>>
      tpu.enqueue_dma source(%dma_start3A_202 : memref<16384xf32, #tpu.memory_space<hbm>>) target(%arg8 : memref<16384xf32, #tpu.memory_space<vmem>>) target_semaphore(%arg11 : memref<!tpu.dma_semaphore, #tpu.memory_space<semaphore_mem>>)
    } else {
    }
    %add3A_68 = arith.constant 128 : i32
    %add3A_69 = arith.addi %add3A, %add3A_68 : i32
    %lt3A_70 = arith.constant 444 : i32
    %lt3A_71 = arith.cmpi slt, %add3A_69, %lt3A_70 : i32
    %convert_element_type3A_72 = arith.extui %lt3A_71 : i1 to i32
    %cond3A_73 = arith.constant 0 : i32
    %cond3A_74 = arith.cmpi ne, %convert_element_type3A_72, %cond3A_73 : i32
    scf.if %cond3A_74 {
      %mul3A_194 = arith.constant 128 : i32
      %mul3A_195 = arith.muli %add3A_69, %mul3A_194 : i32
      %add3A_196 = arith.constant 179968 : i32
      %add3A_197 = arith.addi %add3A_196, %mul3A_195 : i32
      %mul3A_198 = arith.constant 128 : i32
      %mul3A_199 = arith.muli %add3A_197, %mul3A_198 : i32
      %dma_wait3A = tpu.memref_slice %arg2[%mul3A_199] : memref<30310400xf32, #tpu.memory_space<hbm>> -> memref<16384xf32, #tpu.memory_space<hbm>>
      %dma_wait3A_200 = tpu.memref_slice %arg2[%mul3A_199] : memref<30310400xf32, #tpu.memory_space<hbm>> -> memref<16384xf32, #tpu.memory_space<hbm>>
      tpu.wait_dma2 semaphore(%arg10 : memref<!tpu.dma_semaphore, #tpu.memory_space<semaphore_mem>>) src(%dma_wait3A_200 : memref<16384xf32, #tpu.memory_space<hbm>>) dst(%arg5 : memref<16384xf32, #tpu.memory_space<vmem>>)
      %dma_wait3A_201 = tpu.memref_slice %arg3[%mul3A_199] : memref<30310400xf32, #tpu.memory_space<hbm>> -> memref<16384xf32, #tpu.memory_space<hbm>>
      %dma_wait3A_202 = tpu.memref_slice %arg3[%mul3A_199] : memref<30310400xf32, #tpu.memory_space<hbm>> -> memref<16384xf32, #tpu.memory_space<hbm>>
      tpu.wait_dma2 semaphore(%arg10 : memref<!tpu.dma_semaphore, #tpu.memory_space<semaphore_mem>>) src(%dma_wait3A_202 : memref<16384xf32, #tpu.memory_space<hbm>>) dst(%arg6 : memref<16384xf32, #tpu.memory_space<vmem>>)
      %scan3A = arith.constant 0 : i32
      %scan3A_203 = arith.constant 0 : i32
      %scan3A_204 = arith.constant 128 : i32
      %scan3A_205 = arith.addi %scan3A_203, %scan3A_204 : i32
      %scan3A_206 = arith.constant 1 : i32
      scf.for %scan3A_210 = %scan3A_203 to %scan3A_205 step %scan3A_206  : i32 {
        %mul3A_211 = arith.constant 128 : i32
        %mul3A_212 = arith.muli %scan3A_210, %mul3A_211 : i32
        %get3A = arith.index_cast %mul3A_212 : i32 to index
        %get3A_213 = tpu.vector_load %arg5[%get3A] {strides = array<i32>} : memref<16384xf32, #tpu.memory_space<vmem>>, vector<16xf32>,
        %get3A_214 = vector.shape_cast %get3A_213 : vector<16xf32> to vector<16xf32>
        %get3A_215 = arith.index_cast %mul3A_212 : i32 to index
        %get3A_216 = tpu.vector_load %arg6[%get3A_215] {strides = array<i32>} : memref<16384xf32, #tpu.memory_space<vmem>>, vector<16xf32>,
        %get3A_217 = vector.shape_cast %get3A_216 : vector<16xf32> to vector<16xf32>
        %mul3A_218 = arith.mulf %get3A_214, %get3A_217 : vector<16xf32>
        %add3A_219 = arith.constant 16 : i32
        %add3A_220 = arith.addi %mul3A_212, %add3A_219 : i32
        %get3A_221 = arith.index_cast %add3A_220 : i32 to index
        %get3A_222 = tpu.vector_load %arg5[%get3A_221] {strides = array<i32>} : memref<16384xf32, #tpu.memory_space<vmem>>, vector<16xf32>,
        %get3A_223 = vector.shape_cast %get3A_222 : vector<16xf32> to vector<16xf32>
        %add3A_224 = arith.constant 16 : i32
        %add3A_225 = arith.addi %mul3A_212, %add3A_224 : i32
        %get3A_226 = arith.index_cast %add3A_225 : i32 to index
        %get3A_227 = tpu.vector_load %arg6[%get3A_226] {strides = array<i32>} : memref<16384xf32, #tpu.memory_space<vmem>>, vector<16xf32>,
        %get3A_228 = vector.shape_cast %get3A_227 : vector<16xf32> to vector<16xf32>
        %mul3A_229 = arith.mulf %get3A_223, %get3A_228 : vector<16xf32>
        %add3A_230 = arith.addf %mul3A_218, %mul3A_229 : vector<16xf32>
        %add3A_231 = arith.constant 32 : i32
        %add3A_232 = arith.addi %mul3A_212, %add3A_231 : i32
        %get3A_233 = arith.index_cast %add3A_232 : i32 to index
        %get3A_234 = tpu.vector_load %arg5[%get3A_233] {strides = array<i32>} : memref<16384xf32, #tpu.memory_space<vmem>>, vector<16xf32>,
        %get3A_235 = vector.shape_cast %get3A_234 : vector<16xf32> to vector<16xf32>
        %add3A_236 = arith.constant 32 : i32
        %add3A_237 = arith.addi %mul3A_212, %add3A_236 : i32
        %get3A_238 = arith.index_cast %add3A_237 : i32 to index
        %get3A_239 = tpu.vector_load %arg6[%get3A_238] {strides = array<i32>} : memref<16384xf32, #tpu.memory_space<vmem>>, vector<16xf32>,
        %get3A_240 = vector.shape_cast %get3A_239 : vector<16xf32> to vector<16xf32>
        %mul3A_241 = arith.mulf %get3A_235, %get3A_240 : vector<16xf32>
        %add3A_242 = arith.constant 48 : i32
        %add3A_243 = arith.addi %mul3A_212, %add3A_242 : i32
        %get3A_244 = arith.index_cast %add3A_243 : i32 to index
        %get3A_245 = tpu.vector_load %arg5[%get3A_244] {strides = array<i32>} : memref<16384xf32, #tpu.memory_space<vmem>>, vector<16xf32>,
        %get3A_246 = vector.shape_cast %get3A_245 : vector<16xf32> to vector<16xf32>
        %add3A_247 = arith.constant 48 : i32
        %add3A_248 = arith.addi %mul3A_212, %add3A_247 : i32
        %get3A_249 = arith.index_cast %add3A_248 : i32 to index
        %get3A_250 = tpu.vector_load %arg6[%get3A_249] {strides = array<i32>} : memref<16384xf32, #tpu.memory_space<vmem>>, vector<16xf32>,
        %get3A_251 = vector.shape_cast %get3A_250 : vector<16xf32> to vector<16xf32>
        %mul3A_252 = arith.mulf %get3A_246, %get3A_251 : vector<16xf32>
        %add3A_253 = arith.addf %mul3A_241, %mul3A_252 : vector<16xf32>
        %add3A_254 = arith.constant 64 : i32
        %add3A_255 = arith.addi %mul3A_212, %add3A_254 : i32
        %get3A_256 = arith.index_cast %add3A_255 : i32 to index
        %get3A_257 = tpu.vector_load %arg5[%get3A_256] {strides = array<i32>} : memref<16384xf32, #tpu.memory_space<vmem>>, vector<16xf32>,
        %get3A_258 = vector.shape_cast %get3A_257 : vector<16xf32> to vector<16xf32>
        %add3A_259 = arith.constant 64 : i32
        %add3A_260 = arith.addi %mul3A_212, %add3A_259 : i32
        %get3A_261 = arith.index_cast %add3A_260 : i32 to index
        %get3A_262 = tpu.vector_load %arg6[%get3A_261] {strides = array<i32>} : memref<16384xf32, #tpu.memory_space<vmem>>, vector<16xf32>,
        %get3A_263 = vector.shape_cast %get3A_262 : vector<16xf32> to vector<16xf32>
        %mul3A_264 = arith.mulf %get3A_258, %get3A_263 : vector<16xf32>
        %add3A_265 = arith.constant 80 : i32
        %add3A_266 = arith.addi %mul3A_212, %add3A_265 : i32
        %get3A_267 = arith.index_cast %add3A_266 : i32 to index
        %get3A_268 = tpu.vector_load %arg5[%get3A_267] {strides = array<i32>} : memref<16384xf32, #tpu.memory_space<vmem>>, vector<16xf32>,
        %get3A_269 = vector.shape_cast %get3A_268 : vector<16xf32> to vector<16xf32>
        %add3A_270 = arith.constant 80 : i32
        %add3A_271 = arith.addi %mul3A_212, %add3A_270 : i32
        %get3A_272 = arith.index_cast %add3A_271 : i32 to index
        %get3A_273 = tpu.vector_load %arg6[%get3A_272] {strides = array<i32>} : memref<16384xf32, #tpu.memory_space<vmem>>, vector<16xf32>,
        %get3A_274 = vector.shape_cast %get3A_273 : vector<16xf32> to vector<16xf32>
        %mul3A_275 = arith.mulf %get3A_269, %get3A_274 : vector<16xf32>
        %add3A_276 = arith.addf %mul3A_264, %mul3A_275 : vector<16xf32>
        %add3A_277 = arith.constant 96 : i32
        %add3A_278 = arith.addi %mul3A_212, %add3A_277 : i32
        %get3A_279 = arith.index_cast %add3A_278 : i32 to index
        %get3A_280 = tpu.vector_load %arg5[%get3A_279] {strides = array<i32>} : memref<16384xf32, #tpu.memory_space<vmem>>, vector<16xf32>,
        %get3A_281 = vector.shape_cast %get3A_280 : vector<16xf32> to vector<16xf32>
        %add3A_282 = arith.constant 96 : i32
        %add3A_283 = arith.addi %mul3A_212, %add3A_282 : i32
        %get3A_284 = arith.index_cast %add3A_283 : i32 to index
        %get3A_285 = tpu.vector_load %arg6[%get3A_284] {strides = array<i32>} : memref<16384xf32, #tpu.memory_space<vmem>>, vector<16xf32>,
        %get3A_286 = vector.shape_cast %get3A_285 : vector<16xf32> to vector<16xf32>
        %mul3A_287 = arith.mulf %get3A_281, %get3A_286 : vector<16xf32>
        %add3A_288 = arith.constant 112 : i32
        %add3A_289 = arith.addi %mul3A_212, %add3A_288 : i32
        %get3A_290 = arith.index_cast %add3A_289 : i32 to index
        %get3A_291 = tpu.vector_load %arg5[%get3A_290] {strides = array<i32>} : memref<16384xf32, #tpu.memory_space<vmem>>, vector<16xf32>,
        %get3A_292 = vector.shape_cast %get3A_291 : vector<16xf32> to vector<16xf32>
        %add3A_293 = arith.constant 112 : i32
        %add3A_294 = arith.addi %mul3A_212, %add3A_293 : i32
        %get3A_295 = arith.index_cast %add3A_294 : i32 to index
        %get3A_296 = tpu.vector_load %arg6[%get3A_295] {strides = array<i32>} : memref<16384xf32, #tpu.memory_space<vmem>>, vector<16xf32>,
        %get3A_297 = vector.shape_cast %get3A_296 : vector<16xf32> to vector<16xf32>
        %mul3A_298 = arith.mulf %get3A_292, %get3A_297 : vector<16xf32>
        %add3A_299 = arith.addf %mul3A_287, %mul3A_298 : vector<16xf32>
        %add3A_300 = arith.addf %add3A_230, %add3A_253 : vector<16xf32>
        %add3A_301 = arith.addf %add3A_276, %add3A_299 : vector<16xf32>
        %add3A_302 = arith.addf %add3A_300, %add3A_301 : vector<16xf32>
        %swap3A = arith.index_cast %scan3A_210 : i32 to index
        %swap3A_303 = arith.constant 0 : index
        %swap3A_304 = tpu.vector_load %arg9[%swap3A, %swap3A_303] {strides = array<i32>} : memref<128x16xf32, #tpu.memory_space<vmem>>, vector<1x16xf32>,
        %swap3A_305 = vector.shape_cast %swap3A_304 : vector<1x16xf32> to vector<16xf32>
        %swap3A_306 = vector.shape_cast %add3A_302 : vector<16xf32> to vector<1x16xf32>
        tpu.vector_store %arg9[%swap3A, %swap3A_303], %swap3A_306 {strides = array<i32>} : memref<128x16xf32, #tpu.memory_space<vmem>>, vector<1x16xf32>,
      }
      %scan3A_207 = arith.constant 128 : i32
      %mul3A_208 = arith.constant 128 : i32
      %mul3A_209 = arith.muli %add3A_69, %mul3A_208 : i32
      "tpu.region"() ({
        %run_scoped3A = tpu.sem_alloc : memref<!tpu.dma_semaphore, #tpu.memory_space<semaphore_mem>>
        %dma_start3A = arith.constant 0 : i32
        %dma_start3A_210 = tpu.memref_slice %arg4[%mul3A_209, %dma_start3A] : memref<56832x16xf32, #tpu.memory_space<hbm>> -> memref<128x16xf32, #tpu.memory_space<hbm>>
        %dma_start3A_211 = arith.constant 0 : i32
        %dma_start3A_212 = tpu.memref_slice %arg4[%mul3A_209, %dma_start3A_211] : memref<56832x16xf32, #tpu.memory_space<hbm>> -> memref<128x16xf32, #tpu.memory_space<hbm>>
        tpu.enqueue_dma source(%arg9 : memref<128x16xf32, #tpu.memory_space<vmem>>) target(%dma_start3A_212 : memref<128x16xf32, #tpu.memory_space<hbm>>) target_semaphore(%run_scoped3A : memref<!tpu.dma_semaphore, #tpu.memory_space<semaphore_mem>>)
        %dma_wait3A_213 = arith.constant 0 : i32
        %dma_wait3A_214 = tpu.memref_slice %arg4[%mul3A_209, %dma_wait3A_213] : memref<56832x16xf32, #tpu.memory_space<hbm>> -> memref<128x16xf32, #tpu.memory_space<hbm>>
        %dma_wait3A_215 = arith.constant 0 : i32
        %dma_wait3A_216 = tpu.memref_slice %arg4[%mul3A_209, %dma_wait3A_215] : memref<56832x16xf32, #tpu.memory_space<hbm>> -> memref<128x16xf32, #tpu.memory_space<hbm>>
        tpu.wait_dma2 semaphore(%run_scoped3A : memref<!tpu.dma_semaphore, #tpu.memory_space<semaphore_mem>>) src(%arg9 : memref<128x16xf32, #tpu.memory_space<vmem>>) dst(%dma_wait3A_216 : memref<128x16xf32, #tpu.memory_space<hbm>>)
        tpu.yield
      }) : () -> ()
    } else {
    }
    %add3A_75 = arith.constant 192 : i32
    %add3A_76 = arith.addi %add3A, %add3A_75 : i32
    %lt3A_77 = arith.constant 444 : i32
    %lt3A_78 = arith.cmpi slt, %add3A_76, %lt3A_77 : i32
    %convert_element_type3A_79 = arith.extui %lt3A_78 : i1 to i32
    %cond3A_80 = arith.constant 0 : i32
    %cond3A_81 = arith.cmpi ne, %convert_element_type3A_79, %cond3A_80 : i32
    scf.if %cond3A_81 {
      %mul3A_194 = arith.constant 128 : i32
      %mul3A_195 = arith.muli %add3A_76, %mul3A_194 : i32
      %add3A_196 = arith.constant 179968 : i32
      %add3A_197 = arith.addi %add3A_196, %mul3A_195 : i32
      %mul3A_198 = arith.constant 128 : i32
      %mul3A_199 = arith.muli %add3A_197, %mul3A_198 : i32
      %dma_start3A = tpu.memref_slice %arg2[%mul3A_199] : memref<30310400xf32, #tpu.memory_space<hbm>> -> memref<16384xf32, #tpu.memory_space<hbm>>
      %dma_start3A_200 = tpu.memref_slice %arg2[%mul3A_199] : memref<30310400xf32, #tpu.memory_space<hbm>> -> memref<16384xf32, #tpu.memory_space<hbm>>
      tpu.enqueue_dma source(%dma_start3A_200 : memref<16384xf32, #tpu.memory_space<hbm>>) target(%arg5 : memref<16384xf32, #tpu.memory_space<vmem>>) target_semaphore(%arg10 : memref<!tpu.dma_semaphore, #tpu.memory_space<semaphore_mem>>)
      %dma_start3A_201 = tpu.memref_slice %arg3[%mul3A_199] : memref<30310400xf32, #tpu.memory_space<hbm>> -> memref<16384xf32, #tpu.memory_space<hbm>>
      %dma_start3A_202 = tpu.memref_slice %arg3[%mul3A_199] : memref<30310400xf32, #tpu.memory_space<hbm>> -> memref<16384xf32, #tpu.memory_space<hbm>>
      tpu.enqueue_dma source(%dma_start3A_202 : memref<16384xf32, #tpu.memory_space<hbm>>) target(%arg6 : memref<16384xf32, #tpu.memory_space<vmem>>) target_semaphore(%arg10 : memref<!tpu.dma_semaphore, #tpu.memory_space<semaphore_mem>>)
    } else {
    }
    %add3A_82 = arith.constant 160 : i32
    %add3A_83 = arith.addi %add3A, %add3A_82 : i32
    %lt3A_84 = arith.constant 444 : i32
    %lt3A_85 = arith.cmpi slt, %add3A_83, %lt3A_84 : i32
    %convert_element_type3A_86 = arith.extui %lt3A_85 : i1 to i32
    %cond3A_87 = arith.constant 0 : i32
    %cond3A_88 = arith.cmpi ne, %convert_element_type3A_86, %cond3A_87 : i32
    scf.if %cond3A_88 {
      %mul3A_194 = arith.constant 128 : i32
      %mul3A_195 = arith.muli %add3A_83, %mul3A_194 : i32
      %add3A_196 = arith.constant 179968 : i32
      %add3A_197 = arith.addi %add3A_196, %mul3A_195 : i32
      %mul3A_198 = arith.constant 128 : i32
      %mul3A_199 = arith.muli %add3A_197, %mul3A_198 : i32
      %dma_wait3A = tpu.memref_slice %arg2[%mul3A_199] : memref<30310400xf32, #tpu.memory_space<hbm>> -> memref<16384xf32, #tpu.memory_space<hbm>>
      %dma_wait3A_200 = tpu.memref_slice %arg2[%mul3A_199] : memref<30310400xf32, #tpu.memory_space<hbm>> -> memref<16384xf32, #tpu.memory_space<hbm>>
      tpu.wait_dma2 semaphore(%arg11 : memref<!tpu.dma_semaphore, #tpu.memory_space<semaphore_mem>>) src(%dma_wait3A_200 : memref<16384xf32, #tpu.memory_space<hbm>>) dst(%arg7 : memref<16384xf32, #tpu.memory_space<vmem>>)
      %dma_wait3A_201 = tpu.memref_slice %arg3[%mul3A_199] : memref<30310400xf32, #tpu.memory_space<hbm>> -> memref<16384xf32, #tpu.memory_space<hbm>>
      %dma_wait3A_202 = tpu.memref_slice %arg3[%mul3A_199] : memref<30310400xf32, #tpu.memory_space<hbm>> -> memref<16384xf32, #tpu.memory_space<hbm>>
      tpu.wait_dma2 semaphore(%arg11 : memref<!tpu.dma_semaphore, #tpu.memory_space<semaphore_mem>>) src(%dma_wait3A_202 : memref<16384xf32, #tpu.memory_space<hbm>>) dst(%arg8 : memref<16384xf32, #tpu.memory_space<vmem>>)
      %scan3A = arith.constant 0 : i32
      %scan3A_203 = arith.constant 0 : i32
      %scan3A_204 = arith.constant 128 : i32
      %scan3A_205 = arith.addi %scan3A_203, %scan3A_204 : i32
      %scan3A_206 = arith.constant 1 : i32
      scf.for %scan3A_210 = %scan3A_203 to %scan3A_205 step %scan3A_206  : i32 {
        %mul3A_211 = arith.constant 128 : i32
        %mul3A_212 = arith.muli %scan3A_210, %mul3A_211 : i32
        %get3A = arith.index_cast %mul3A_212 : i32 to index
        %get3A_213 = tpu.vector_load %arg7[%get3A] {strides = array<i32>} : memref<16384xf32, #tpu.memory_space<vmem>>, vector<16xf32>,
        %get3A_214 = vector.shape_cast %get3A_213 : vector<16xf32> to vector<16xf32>
        %get3A_215 = arith.index_cast %mul3A_212 : i32 to index
        %get3A_216 = tpu.vector_load %arg8[%get3A_215] {strides = array<i32>} : memref<16384xf32, #tpu.memory_space<vmem>>, vector<16xf32>,
        %get3A_217 = vector.shape_cast %get3A_216 : vector<16xf32> to vector<16xf32>
        %mul3A_218 = arith.mulf %get3A_214, %get3A_217 : vector<16xf32>
        %add3A_219 = arith.constant 16 : i32
        %add3A_220 = arith.addi %mul3A_212, %add3A_219 : i32
        %get3A_221 = arith.index_cast %add3A_220 : i32 to index
        %get3A_222 = tpu.vector_load %arg7[%get3A_221] {strides = array<i32>} : memref<16384xf32, #tpu.memory_space<vmem>>, vector<16xf32>,
        %get3A_223 = vector.shape_cast %get3A_222 : vector<16xf32> to vector<16xf32>
        %add3A_224 = arith.constant 16 : i32
        %add3A_225 = arith.addi %mul3A_212, %add3A_224 : i32
        %get3A_226 = arith.index_cast %add3A_225 : i32 to index
        %get3A_227 = tpu.vector_load %arg8[%get3A_226] {strides = array<i32>} : memref<16384xf32, #tpu.memory_space<vmem>>, vector<16xf32>,
        %get3A_228 = vector.shape_cast %get3A_227 : vector<16xf32> to vector<16xf32>
        %mul3A_229 = arith.mulf %get3A_223, %get3A_228 : vector<16xf32>
        %add3A_230 = arith.addf %mul3A_218, %mul3A_229 : vector<16xf32>
        %add3A_231 = arith.constant 32 : i32
        %add3A_232 = arith.addi %mul3A_212, %add3A_231 : i32
        %get3A_233 = arith.index_cast %add3A_232 : i32 to index
        %get3A_234 = tpu.vector_load %arg7[%get3A_233] {strides = array<i32>} : memref<16384xf32, #tpu.memory_space<vmem>>, vector<16xf32>,
        %get3A_235 = vector.shape_cast %get3A_234 : vector<16xf32> to vector<16xf32>
        %add3A_236 = arith.constant 32 : i32
        %add3A_237 = arith.addi %mul3A_212, %add3A_236 : i32
        %get3A_238 = arith.index_cast %add3A_237 : i32 to index
        %get3A_239 = tpu.vector_load %arg8[%get3A_238] {strides = array<i32>} : memref<16384xf32, #tpu.memory_space<vmem>>, vector<16xf32>,
        %get3A_240 = vector.shape_cast %get3A_239 : vector<16xf32> to vector<16xf32>
        %mul3A_241 = arith.mulf %get3A_235, %get3A_240 : vector<16xf32>
        %add3A_242 = arith.constant 48 : i32
        %add3A_243 = arith.addi %mul3A_212, %add3A_242 : i32
        %get3A_244 = arith.index_cast %add3A_243 : i32 to index
        %get3A_245 = tpu.vector_load %arg7[%get3A_244] {strides = array<i32>} : memref<16384xf32, #tpu.memory_space<vmem>>, vector<16xf32>,
        %get3A_246 = vector.shape_cast %get3A_245 : vector<16xf32> to vector<16xf32>
        %add3A_247 = arith.constant 48 : i32
        %add3A_248 = arith.addi %mul3A_212, %add3A_247 : i32
        %get3A_249 = arith.index_cast %add3A_248 : i32 to index
        %get3A_250 = tpu.vector_load %arg8[%get3A_249] {strides = array<i32>} : memref<16384xf32, #tpu.memory_space<vmem>>, vector<16xf32>,
        %get3A_251 = vector.shape_cast %get3A_250 : vector<16xf32> to vector<16xf32>
        %mul3A_252 = arith.mulf %get3A_246, %get3A_251 : vector<16xf32>
        %add3A_253 = arith.addf %mul3A_241, %mul3A_252 : vector<16xf32>
        %add3A_254 = arith.constant 64 : i32
        %add3A_255 = arith.addi %mul3A_212, %add3A_254 : i32
        %get3A_256 = arith.index_cast %add3A_255 : i32 to index
        %get3A_257 = tpu.vector_load %arg7[%get3A_256] {strides = array<i32>} : memref<16384xf32, #tpu.memory_space<vmem>>, vector<16xf32>,
        %get3A_258 = vector.shape_cast %get3A_257 : vector<16xf32> to vector<16xf32>
        %add3A_259 = arith.constant 64 : i32
        %add3A_260 = arith.addi %mul3A_212, %add3A_259 : i32
        %get3A_261 = arith.index_cast %add3A_260 : i32 to index
        %get3A_262 = tpu.vector_load %arg8[%get3A_261] {strides = array<i32>} : memref<16384xf32, #tpu.memory_space<vmem>>, vector<16xf32>,
        %get3A_263 = vector.shape_cast %get3A_262 : vector<16xf32> to vector<16xf32>
        %mul3A_264 = arith.mulf %get3A_258, %get3A_263 : vector<16xf32>
        %add3A_265 = arith.constant 80 : i32
        %add3A_266 = arith.addi %mul3A_212, %add3A_265 : i32
        %get3A_267 = arith.index_cast %add3A_266 : i32 to index
        %get3A_268 = tpu.vector_load %arg7[%get3A_267] {strides = array<i32>} : memref<16384xf32, #tpu.memory_space<vmem>>, vector<16xf32>,
        %get3A_269 = vector.shape_cast %get3A_268 : vector<16xf32> to vector<16xf32>
        %add3A_270 = arith.constant 80 : i32
        %add3A_271 = arith.addi %mul3A_212, %add3A_270 : i32
        %get3A_272 = arith.index_cast %add3A_271 : i32 to index
        %get3A_273 = tpu.vector_load %arg8[%get3A_272] {strides = array<i32>} : memref<16384xf32, #tpu.memory_space<vmem>>, vector<16xf32>,
        %get3A_274 = vector.shape_cast %get3A_273 : vector<16xf32> to vector<16xf32>
        %mul3A_275 = arith.mulf %get3A_269, %get3A_274 : vector<16xf32>
        %add3A_276 = arith.addf %mul3A_264, %mul3A_275 : vector<16xf32>
        %add3A_277 = arith.constant 96 : i32
        %add3A_278 = arith.addi %mul3A_212, %add3A_277 : i32
        %get3A_279 = arith.index_cast %add3A_278 : i32 to index
        %get3A_280 = tpu.vector_load %arg7[%get3A_279] {strides = array<i32>} : memref<16384xf32, #tpu.memory_space<vmem>>, vector<16xf32>,
        %get3A_281 = vector.shape_cast %get3A_280 : vector<16xf32> to vector<16xf32>
        %add3A_282 = arith.constant 96 : i32
        %add3A_283 = arith.addi %mul3A_212, %add3A_282 : i32
        %get3A_284 = arith.index_cast %add3A_283 : i32 to index
        %get3A_285 = tpu.vector_load %arg8[%get3A_284] {strides = array<i32>} : memref<16384xf32, #tpu.memory_space<vmem>>, vector<16xf32>,
        %get3A_286 = vector.shape_cast %get3A_285 : vector<16xf32> to vector<16xf32>
        %mul3A_287 = arith.mulf %get3A_281, %get3A_286 : vector<16xf32>
        %add3A_288 = arith.constant 112 : i32
        %add3A_289 = arith.addi %mul3A_212, %add3A_288 : i32
        %get3A_290 = arith.index_cast %add3A_289 : i32 to index
        %get3A_291 = tpu.vector_load %arg7[%get3A_290] {strides = array<i32>} : memref<16384xf32, #tpu.memory_space<vmem>>, vector<16xf32>,
        %get3A_292 = vector.shape_cast %get3A_291 : vector<16xf32> to vector<16xf32>
        %add3A_293 = arith.constant 112 : i32
        %add3A_294 = arith.addi %mul3A_212, %add3A_293 : i32
        %get3A_295 = arith.index_cast %add3A_294 : i32 to index
        %get3A_296 = tpu.vector_load %arg8[%get3A_295] {strides = array<i32>} : memref<16384xf32, #tpu.memory_space<vmem>>, vector<16xf32>,
        %get3A_297 = vector.shape_cast %get3A_296 : vector<16xf32> to vector<16xf32>
        %mul3A_298 = arith.mulf %get3A_292, %get3A_297 : vector<16xf32>
        %add3A_299 = arith.addf %mul3A_287, %mul3A_298 : vector<16xf32>
        %add3A_300 = arith.addf %add3A_230, %add3A_253 : vector<16xf32>
        %add3A_301 = arith.addf %add3A_276, %add3A_299 : vector<16xf32>
        %add3A_302 = arith.addf %add3A_300, %add3A_301 : vector<16xf32>
        %swap3A = arith.index_cast %scan3A_210 : i32 to index
        %swap3A_303 = arith.constant 0 : index
        %swap3A_304 = tpu.vector_load %arg9[%swap3A, %swap3A_303] {strides = array<i32>} : memref<128x16xf32, #tpu.memory_space<vmem>>, vector<1x16xf32>,
        %swap3A_305 = vector.shape_cast %swap3A_304 : vector<1x16xf32> to vector<16xf32>
        %swap3A_306 = vector.shape_cast %add3A_302 : vector<16xf32> to vector<1x16xf32>
        tpu.vector_store %arg9[%swap3A, %swap3A_303], %swap3A_306 {strides = array<i32>} : memref<128x16xf32, #tpu.memory_space<vmem>>, vector<1x16xf32>,
      }
      %scan3A_207 = arith.constant 128 : i32
      %mul3A_208 = arith.constant 128 : i32
      %mul3A_209 = arith.muli %add3A_83, %mul3A_208 : i32
      "tpu.region"() ({
        %run_scoped3A = tpu.sem_alloc : memref<!tpu.dma_semaphore, #tpu.memory_space<semaphore_mem>>
        %dma_start3A = arith.constant 0 : i32
        %dma_start3A_210 = tpu.memref_slice %arg4[%mul3A_209, %dma_start3A] : memref<56832x16xf32, #tpu.memory_space<hbm>> -> memref<128x16xf32, #tpu.memory_space<hbm>>
        %dma_start3A_211 = arith.constant 0 : i32
        %dma_start3A_212 = tpu.memref_slice %arg4[%mul3A_209, %dma_start3A_211] : memref<56832x16xf32, #tpu.memory_space<hbm>> -> memref<128x16xf32, #tpu.memory_space<hbm>>
        tpu.enqueue_dma source(%arg9 : memref<128x16xf32, #tpu.memory_space<vmem>>) target(%dma_start3A_212 : memref<128x16xf32, #tpu.memory_space<hbm>>) target_semaphore(%run_scoped3A : memref<!tpu.dma_semaphore, #tpu.memory_space<semaphore_mem>>)
        %dma_wait3A_213 = arith.constant 0 : i32
        %dma_wait3A_214 = tpu.memref_slice %arg4[%mul3A_209, %dma_wait3A_213] : memref<56832x16xf32, #tpu.memory_space<hbm>> -> memref<128x16xf32, #tpu.memory_space<hbm>>
        %dma_wait3A_215 = arith.constant 0 : i32
        %dma_wait3A_216 = tpu.memref_slice %arg4[%mul3A_209, %dma_wait3A_215] : memref<56832x16xf32, #tpu.memory_space<hbm>> -> memref<128x16xf32, #tpu.memory_space<hbm>>
        tpu.wait_dma2 semaphore(%run_scoped3A : memref<!tpu.dma_semaphore, #tpu.memory_space<semaphore_mem>>) src(%arg9 : memref<128x16xf32, #tpu.memory_space<vmem>>) dst(%dma_wait3A_216 : memref<128x16xf32, #tpu.memory_space<hbm>>)
        tpu.yield
      }) : () -> ()
    } else {
    }
    %add3A_89 = arith.constant 224 : i32
    %add3A_90 = arith.addi %add3A, %add3A_89 : i32
    %lt3A_91 = arith.constant 444 : i32
    %lt3A_92 = arith.cmpi slt, %add3A_90, %lt3A_91 : i32
    %convert_element_type3A_93 = arith.extui %lt3A_92 : i1 to i32
    %cond3A_94 = arith.constant 0 : i32
    %cond3A_95 = arith.cmpi ne, %convert_element_type3A_93, %cond3A_94 : i32
    scf.if %cond3A_95 {
      %mul3A_194 = arith.constant 128 : i32
      %mul3A_195 = arith.muli %add3A_90, %mul3A_194 : i32
      %add3A_196 = arith.constant 179968 : i32
      %add3A_197 = arith.addi %add3A_196, %mul3A_195 : i32
      %mul3A_198 = arith.constant 128 : i32
      %mul3A_199 = arith.muli %add3A_197, %mul3A_198 : i32
      %dma_start3A = tpu.memref_slice %arg2[%mul3A_199] : memref<30310400xf32, #tpu.memory_space<hbm>> -> memref<16384xf32, #tpu.memory_space<hbm>>
      %dma_start3A_200 = tpu.memref_slice %arg2[%mul3A_199] : memref<30310400xf32, #tpu.memory_space<hbm>> -> memref<16384xf32, #tpu.memory_space<hbm>>
      tpu.enqueue_dma source(%dma_start3A_200 : memref<16384xf32, #tpu.memory_space<hbm>>) target(%arg7 : memref<16384xf32, #tpu.memory_space<vmem>>) target_semaphore(%arg11 : memref<!tpu.dma_semaphore, #tpu.memory_space<semaphore_mem>>)
      %dma_start3A_201 = tpu.memref_slice %arg3[%mul3A_199] : memref<30310400xf32, #tpu.memory_space<hbm>> -> memref<16384xf32, #tpu.memory_space<hbm>>
      %dma_start3A_202 = tpu.memref_slice %arg3[%mul3A_199] : memref<30310400xf32, #tpu.memory_space<hbm>> -> memref<16384xf32, #tpu.memory_space<hbm>>
      tpu.enqueue_dma source(%dma_start3A_202 : memref<16384xf32, #tpu.memory_space<hbm>>) target(%arg8 : memref<16384xf32, #tpu.memory_space<vmem>>) target_semaphore(%arg11 : memref<!tpu.dma_semaphore, #tpu.memory_space<semaphore_mem>>)
    } else {
    }
    %add3A_96 = arith.constant 192 : i32
    %add3A_97 = arith.addi %add3A, %add3A_96 : i32
    %lt3A_98 = arith.constant 444 : i32
    %lt3A_99 = arith.cmpi slt, %add3A_97, %lt3A_98 : i32
    %convert_element_type3A_100 = arith.extui %lt3A_99 : i1 to i32
    %cond3A_101 = arith.constant 0 : i32
    %cond3A_102 = arith.cmpi ne, %convert_element_type3A_100, %cond3A_101 : i32
    scf.if %cond3A_102 {
      %mul3A_194 = arith.constant 128 : i32
      %mul3A_195 = arith.muli %add3A_97, %mul3A_194 : i32
      %add3A_196 = arith.constant 179968 : i32
      %add3A_197 = arith.addi %add3A_196, %mul3A_195 : i32
      %mul3A_198 = arith.constant 128 : i32
      %mul3A_199 = arith.muli %add3A_197, %mul3A_198 : i32
      %dma_wait3A = tpu.memref_slice %arg2[%mul3A_199] : memref<30310400xf32, #tpu.memory_space<hbm>> -> memref<16384xf32, #tpu.memory_space<hbm>>
      %dma_wait3A_200 = tpu.memref_slice %arg2[%mul3A_199] : memref<30310400xf32, #tpu.memory_space<hbm>> -> memref<16384xf32, #tpu.memory_space<hbm>>
      tpu.wait_dma2 semaphore(%arg10 : memref<!tpu.dma_semaphore, #tpu.memory_space<semaphore_mem>>) src(%dma_wait3A_200 : memref<16384xf32, #tpu.memory_space<hbm>>) dst(%arg5 : memref<16384xf32, #tpu.memory_space<vmem>>)
      %dma_wait3A_201 = tpu.memref_slice %arg3[%mul3A_199] : memref<30310400xf32, #tpu.memory_space<hbm>> -> memref<16384xf32, #tpu.memory_space<hbm>>
      %dma_wait3A_202 = tpu.memref_slice %arg3[%mul3A_199] : memref<30310400xf32, #tpu.memory_space<hbm>> -> memref<16384xf32, #tpu.memory_space<hbm>>
      tpu.wait_dma2 semaphore(%arg10 : memref<!tpu.dma_semaphore, #tpu.memory_space<semaphore_mem>>) src(%dma_wait3A_202 : memref<16384xf32, #tpu.memory_space<hbm>>) dst(%arg6 : memref<16384xf32, #tpu.memory_space<vmem>>)
      %scan3A = arith.constant 0 : i32
      %scan3A_203 = arith.constant 0 : i32
      %scan3A_204 = arith.constant 128 : i32
      %scan3A_205 = arith.addi %scan3A_203, %scan3A_204 : i32
      %scan3A_206 = arith.constant 1 : i32
      scf.for %scan3A_210 = %scan3A_203 to %scan3A_205 step %scan3A_206  : i32 {
        %mul3A_211 = arith.constant 128 : i32
        %mul3A_212 = arith.muli %scan3A_210, %mul3A_211 : i32
        %get3A = arith.index_cast %mul3A_212 : i32 to index
        %get3A_213 = tpu.vector_load %arg5[%get3A] {strides = array<i32>} : memref<16384xf32, #tpu.memory_space<vmem>>, vector<16xf32>,
        %get3A_214 = vector.shape_cast %get3A_213 : vector<16xf32> to vector<16xf32>
        %get3A_215 = arith.index_cast %mul3A_212 : i32 to index
        %get3A_216 = tpu.vector_load %arg6[%get3A_215] {strides = array<i32>} : memref<16384xf32, #tpu.memory_space<vmem>>, vector<16xf32>,
        %get3A_217 = vector.shape_cast %get3A_216 : vector<16xf32> to vector<16xf32>
        %mul3A_218 = arith.mulf %get3A_214, %get3A_217 : vector<16xf32>
        %add3A_219 = arith.constant 16 : i32
        %add3A_220 = arith.addi %mul3A_212, %add3A_219 : i32
        %get3A_221 = arith.index_cast %add3A_220 : i32 to index
        %get3A_222 = tpu.vector_load %arg5[%get3A_221] {strides = array<i32>} : memref<16384xf32, #tpu.memory_space<vmem>>, vector<16xf32>,
        %get3A_223 = vector.shape_cast %get3A_222 : vector<16xf32> to vector<16xf32>
        %add3A_224 = arith.constant 16 : i32
        %add3A_225 = arith.addi %mul3A_212, %add3A_224 : i32
        %get3A_226 = arith.index_cast %add3A_225 : i32 to index
        %get3A_227 = tpu.vector_load %arg6[%get3A_226] {strides = array<i32>} : memref<16384xf32, #tpu.memory_space<vmem>>, vector<16xf32>,
        %get3A_228 = vector.shape_cast %get3A_227 : vector<16xf32> to vector<16xf32>
        %mul3A_229 = arith.mulf %get3A_223, %get3A_228 : vector<16xf32>
        %add3A_230 = arith.addf %mul3A_218, %mul3A_229 : vector<16xf32>
        %add3A_231 = arith.constant 32 : i32
        %add3A_232 = arith.addi %mul3A_212, %add3A_231 : i32
        %get3A_233 = arith.index_cast %add3A_232 : i32 to index
        %get3A_234 = tpu.vector_load %arg5[%get3A_233] {strides = array<i32>} : memref<16384xf32, #tpu.memory_space<vmem>>, vector<16xf32>,
        %get3A_235 = vector.shape_cast %get3A_234 : vector<16xf32> to vector<16xf32>
        %add3A_236 = arith.constant 32 : i32
        %add3A_237 = arith.addi %mul3A_212, %add3A_236 : i32
        %get3A_238 = arith.index_cast %add3A_237 : i32 to index
        %get3A_239 = tpu.vector_load %arg6[%get3A_238] {strides = array<i32>} : memref<16384xf32, #tpu.memory_space<vmem>>, vector<16xf32>,
        %get3A_240 = vector.shape_cast %get3A_239 : vector<16xf32> to vector<16xf32>
        %mul3A_241 = arith.mulf %get3A_235, %get3A_240 : vector<16xf32>
        %add3A_242 = arith.constant 48 : i32
        %add3A_243 = arith.addi %mul3A_212, %add3A_242 : i32
        %get3A_244 = arith.index_cast %add3A_243 : i32 to index
        %get3A_245 = tpu.vector_load %arg5[%get3A_244] {strides = array<i32>} : memref<16384xf32, #tpu.memory_space<vmem>>, vector<16xf32>,
        %get3A_246 = vector.shape_cast %get3A_245 : vector<16xf32> to vector<16xf32>
        %add3A_247 = arith.constant 48 : i32
        %add3A_248 = arith.addi %mul3A_212, %add3A_247 : i32
        %get3A_249 = arith.index_cast %add3A_248 : i32 to index
        %get3A_250 = tpu.vector_load %arg6[%get3A_249] {strides = array<i32>} : memref<16384xf32, #tpu.memory_space<vmem>>, vector<16xf32>,
        %get3A_251 = vector.shape_cast %get3A_250 : vector<16xf32> to vector<16xf32>
        %mul3A_252 = arith.mulf %get3A_246, %get3A_251 : vector<16xf32>
        %add3A_253 = arith.addf %mul3A_241, %mul3A_252 : vector<16xf32>
        %add3A_254 = arith.constant 64 : i32
        %add3A_255 = arith.addi %mul3A_212, %add3A_254 : i32
        %get3A_256 = arith.index_cast %add3A_255 : i32 to index
        %get3A_257 = tpu.vector_load %arg5[%get3A_256] {strides = array<i32>} : memref<16384xf32, #tpu.memory_space<vmem>>, vector<16xf32>,
        %get3A_258 = vector.shape_cast %get3A_257 : vector<16xf32> to vector<16xf32>
        %add3A_259 = arith.constant 64 : i32
        %add3A_260 = arith.addi %mul3A_212, %add3A_259 : i32
        %get3A_261 = arith.index_cast %add3A_260 : i32 to index
        %get3A_262 = tpu.vector_load %arg6[%get3A_261] {strides = array<i32>} : memref<16384xf32, #tpu.memory_space<vmem>>, vector<16xf32>,
        %get3A_263 = vector.shape_cast %get3A_262 : vector<16xf32> to vector<16xf32>
        %mul3A_264 = arith.mulf %get3A_258, %get3A_263 : vector<16xf32>
        %add3A_265 = arith.constant 80 : i32
        %add3A_266 = arith.addi %mul3A_212, %add3A_265 : i32
        %get3A_267 = arith.index_cast %add3A_266 : i32 to index
        %get3A_268 = tpu.vector_load %arg5[%get3A_267] {strides = array<i32>} : memref<16384xf32, #tpu.memory_space<vmem>>, vector<16xf32>,
        %get3A_269 = vector.shape_cast %get3A_268 : vector<16xf32> to vector<16xf32>
        %add3A_270 = arith.constant 80 : i32
        %add3A_271 = arith.addi %mul3A_212, %add3A_270 : i32
        %get3A_272 = arith.index_cast %add3A_271 : i32 to index
        %get3A_273 = tpu.vector_load %arg6[%get3A_272] {strides = array<i32>} : memref<16384xf32, #tpu.memory_space<vmem>>, vector<16xf32>,
        %get3A_274 = vector.shape_cast %get3A_273 : vector<16xf32> to vector<16xf32>
        %mul3A_275 = arith.mulf %get3A_269, %get3A_274 : vector<16xf32>
        %add3A_276 = arith.addf %mul3A_264, %mul3A_275 : vector<16xf32>
        %add3A_277 = arith.constant 96 : i32
        %add3A_278 = arith.addi %mul3A_212, %add3A_277 : i32
        %get3A_279 = arith.index_cast %add3A_278 : i32 to index
        %get3A_280 = tpu.vector_load %arg5[%get3A_279] {strides = array<i32>} : memref<16384xf32, #tpu.memory_space<vmem>>, vector<16xf32>,
        %get3A_281 = vector.shape_cast %get3A_280 : vector<16xf32> to vector<16xf32>
        %add3A_282 = arith.constant 96 : i32
        %add3A_283 = arith.addi %mul3A_212, %add3A_282 : i32
        %get3A_284 = arith.index_cast %add3A_283 : i32 to index
        %get3A_285 = tpu.vector_load %arg6[%get3A_284] {strides = array<i32>} : memref<16384xf32, #tpu.memory_space<vmem>>, vector<16xf32>,
        %get3A_286 = vector.shape_cast %get3A_285 : vector<16xf32> to vector<16xf32>
        %mul3A_287 = arith.mulf %get3A_281, %get3A_286 : vector<16xf32>
        %add3A_288 = arith.constant 112 : i32
        %add3A_289 = arith.addi %mul3A_212, %add3A_288 : i32
        %get3A_290 = arith.index_cast %add3A_289 : i32 to index
        %get3A_291 = tpu.vector_load %arg5[%get3A_290] {strides = array<i32>} : memref<16384xf32, #tpu.memory_space<vmem>>, vector<16xf32>,
        %get3A_292 = vector.shape_cast %get3A_291 : vector<16xf32> to vector<16xf32>
        %add3A_293 = arith.constant 112 : i32
        %add3A_294 = arith.addi %mul3A_212, %add3A_293 : i32
        %get3A_295 = arith.index_cast %add3A_294 : i32 to index
        %get3A_296 = tpu.vector_load %arg6[%get3A_295] {strides = array<i32>} : memref<16384xf32, #tpu.memory_space<vmem>>, vector<16xf32>,
        %get3A_297 = vector.shape_cast %get3A_296 : vector<16xf32> to vector<16xf32>
        %mul3A_298 = arith.mulf %get3A_292, %get3A_297 : vector<16xf32>
        %add3A_299 = arith.addf %mul3A_287, %mul3A_298 : vector<16xf32>
        %add3A_300 = arith.addf %add3A_230, %add3A_253 : vector<16xf32>
        %add3A_301 = arith.addf %add3A_276, %add3A_299 : vector<16xf32>
        %add3A_302 = arith.addf %add3A_300, %add3A_301 : vector<16xf32>
        %swap3A = arith.index_cast %scan3A_210 : i32 to index
        %swap3A_303 = arith.constant 0 : index
        %swap3A_304 = tpu.vector_load %arg9[%swap3A, %swap3A_303] {strides = array<i32>} : memref<128x16xf32, #tpu.memory_space<vmem>>, vector<1x16xf32>,
        %swap3A_305 = vector.shape_cast %swap3A_304 : vector<1x16xf32> to vector<16xf32>
        %swap3A_306 = vector.shape_cast %add3A_302 : vector<16xf32> to vector<1x16xf32>
        tpu.vector_store %arg9[%swap3A, %swap3A_303], %swap3A_306 {strides = array<i32>} : memref<128x16xf32, #tpu.memory_space<vmem>>, vector<1x16xf32>,
      }
      %scan3A_207 = arith.constant 128 : i32
      %mul3A_208 = arith.constant 128 : i32
      %mul3A_209 = arith.muli %add3A_97, %mul3A_208 : i32
      "tpu.region"() ({
        %run_scoped3A = tpu.sem_alloc : memref<!tpu.dma_semaphore, #tpu.memory_space<semaphore_mem>>
        %dma_start3A = arith.constant 0 : i32
        %dma_start3A_210 = tpu.memref_slice %arg4[%mul3A_209, %dma_start3A] : memref<56832x16xf32, #tpu.memory_space<hbm>> -> memref<128x16xf32, #tpu.memory_space<hbm>>
        %dma_start3A_211 = arith.constant 0 : i32
        %dma_start3A_212 = tpu.memref_slice %arg4[%mul3A_209, %dma_start3A_211] : memref<56832x16xf32, #tpu.memory_space<hbm>> -> memref<128x16xf32, #tpu.memory_space<hbm>>
        tpu.enqueue_dma source(%arg9 : memref<128x16xf32, #tpu.memory_space<vmem>>) target(%dma_start3A_212 : memref<128x16xf32, #tpu.memory_space<hbm>>) target_semaphore(%run_scoped3A : memref<!tpu.dma_semaphore, #tpu.memory_space<semaphore_mem>>)
        %dma_wait3A_213 = arith.constant 0 : i32
        %dma_wait3A_214 = tpu.memref_slice %arg4[%mul3A_209, %dma_wait3A_213] : memref<56832x16xf32, #tpu.memory_space<hbm>> -> memref<128x16xf32, #tpu.memory_space<hbm>>
        %dma_wait3A_215 = arith.constant 0 : i32
        %dma_wait3A_216 = tpu.memref_slice %arg4[%mul3A_209, %dma_wait3A_215] : memref<56832x16xf32, #tpu.memory_space<hbm>> -> memref<128x16xf32, #tpu.memory_space<hbm>>
        tpu.wait_dma2 semaphore(%run_scoped3A : memref<!tpu.dma_semaphore, #tpu.memory_space<semaphore_mem>>) src(%arg9 : memref<128x16xf32, #tpu.memory_space<vmem>>) dst(%dma_wait3A_216 : memref<128x16xf32, #tpu.memory_space<hbm>>)
        tpu.yield
      }) : () -> ()
    } else {
    }
    %add3A_103 = arith.constant 256 : i32
    %add3A_104 = arith.addi %add3A, %add3A_103 : i32
    %lt3A_105 = arith.constant 444 : i32
    %lt3A_106 = arith.cmpi slt, %add3A_104, %lt3A_105 : i32
    %convert_element_type3A_107 = arith.extui %lt3A_106 : i1 to i32
    %cond3A_108 = arith.constant 0 : i32
    %cond3A_109 = arith.cmpi ne, %convert_element_type3A_107, %cond3A_108 : i32
    scf.if %cond3A_109 {
      %mul3A_194 = arith.constant 128 : i32
      %mul3A_195 = arith.muli %add3A_104, %mul3A_194 : i32
      %add3A_196 = arith.constant 179968 : i32
      %add3A_197 = arith.addi %add3A_196, %mul3A_195 : i32
      %mul3A_198 = arith.constant 128 : i32
      %mul3A_199 = arith.muli %add3A_197, %mul3A_198 : i32
      %dma_start3A = tpu.memref_slice %arg2[%mul3A_199] : memref<30310400xf32, #tpu.memory_space<hbm>> -> memref<16384xf32, #tpu.memory_space<hbm>>
      %dma_start3A_200 = tpu.memref_slice %arg2[%mul3A_199] : memref<30310400xf32, #tpu.memory_space<hbm>> -> memref<16384xf32, #tpu.memory_space<hbm>>
      tpu.enqueue_dma source(%dma_start3A_200 : memref<16384xf32, #tpu.memory_space<hbm>>) target(%arg5 : memref<16384xf32, #tpu.memory_space<vmem>>) target_semaphore(%arg10 : memref<!tpu.dma_semaphore, #tpu.memory_space<semaphore_mem>>)
      %dma_start3A_201 = tpu.memref_slice %arg3[%mul3A_199] : memref<30310400xf32, #tpu.memory_space<hbm>> -> memref<16384xf32, #tpu.memory_space<hbm>>
      %dma_start3A_202 = tpu.memref_slice %arg3[%mul3A_199] : memref<30310400xf32, #tpu.memory_space<hbm>> -> memref<16384xf32, #tpu.memory_space<hbm>>
      tpu.enqueue_dma source(%dma_start3A_202 : memref<16384xf32, #tpu.memory_space<hbm>>) target(%arg6 : memref<16384xf32, #tpu.memory_space<vmem>>) target_semaphore(%arg10 : memref<!tpu.dma_semaphore, #tpu.memory_space<semaphore_mem>>)
    } else {
    }
    %add3A_110 = arith.constant 224 : i32
    %add3A_111 = arith.addi %add3A, %add3A_110 : i32
    %lt3A_112 = arith.constant 444 : i32
    %lt3A_113 = arith.cmpi slt, %add3A_111, %lt3A_112 : i32
    %convert_element_type3A_114 = arith.extui %lt3A_113 : i1 to i32
    %cond3A_115 = arith.constant 0 : i32
    %cond3A_116 = arith.cmpi ne, %convert_element_type3A_114, %cond3A_115 : i32
    scf.if %cond3A_116 {
      %mul3A_194 = arith.constant 128 : i32
      %mul3A_195 = arith.muli %add3A_111, %mul3A_194 : i32
      %add3A_196 = arith.constant 179968 : i32
      %add3A_197 = arith.addi %add3A_196, %mul3A_195 : i32
      %mul3A_198 = arith.constant 128 : i32
      %mul3A_199 = arith.muli %add3A_197, %mul3A_198 : i32
      %dma_wait3A = tpu.memref_slice %arg2[%mul3A_199] : memref<30310400xf32, #tpu.memory_space<hbm>> -> memref<16384xf32, #tpu.memory_space<hbm>>
      %dma_wait3A_200 = tpu.memref_slice %arg2[%mul3A_199] : memref<30310400xf32, #tpu.memory_space<hbm>> -> memref<16384xf32, #tpu.memory_space<hbm>>
      tpu.wait_dma2 semaphore(%arg11 : memref<!tpu.dma_semaphore, #tpu.memory_space<semaphore_mem>>) src(%dma_wait3A_200 : memref<16384xf32, #tpu.memory_space<hbm>>) dst(%arg7 : memref<16384xf32, #tpu.memory_space<vmem>>)
      %dma_wait3A_201 = tpu.memref_slice %arg3[%mul3A_199] : memref<30310400xf32, #tpu.memory_space<hbm>> -> memref<16384xf32, #tpu.memory_space<hbm>>
      %dma_wait3A_202 = tpu.memref_slice %arg3[%mul3A_199] : memref<30310400xf32, #tpu.memory_space<hbm>> -> memref<16384xf32, #tpu.memory_space<hbm>>
      tpu.wait_dma2 semaphore(%arg11 : memref<!tpu.dma_semaphore, #tpu.memory_space<semaphore_mem>>) src(%dma_wait3A_202 : memref<16384xf32, #tpu.memory_space<hbm>>) dst(%arg8 : memref<16384xf32, #tpu.memory_space<vmem>>)
      %scan3A = arith.constant 0 : i32
      %scan3A_203 = arith.constant 0 : i32
      %scan3A_204 = arith.constant 128 : i32
      %scan3A_205 = arith.addi %scan3A_203, %scan3A_204 : i32
      %scan3A_206 = arith.constant 1 : i32
      scf.for %scan3A_210 = %scan3A_203 to %scan3A_205 step %scan3A_206  : i32 {
        %mul3A_211 = arith.constant 128 : i32
        %mul3A_212 = arith.muli %scan3A_210, %mul3A_211 : i32
        %get3A = arith.index_cast %mul3A_212 : i32 to index
        %get3A_213 = tpu.vector_load %arg7[%get3A] {strides = array<i32>} : memref<16384xf32, #tpu.memory_space<vmem>>, vector<16xf32>,
        %get3A_214 = vector.shape_cast %get3A_213 : vector<16xf32> to vector<16xf32>
        %get3A_215 = arith.index_cast %mul3A_212 : i32 to index
        %get3A_216 = tpu.vector_load %arg8[%get3A_215] {strides = array<i32>} : memref<16384xf32, #tpu.memory_space<vmem>>, vector<16xf32>,
        %get3A_217 = vector.shape_cast %get3A_216 : vector<16xf32> to vector<16xf32>
        %mul3A_218 = arith.mulf %get3A_214, %get3A_217 : vector<16xf32>
        %add3A_219 = arith.constant 16 : i32
        %add3A_220 = arith.addi %mul3A_212, %add3A_219 : i32
        %get3A_221 = arith.index_cast %add3A_220 : i32 to index
        %get3A_222 = tpu.vector_load %arg7[%get3A_221] {strides = array<i32>} : memref<16384xf32, #tpu.memory_space<vmem>>, vector<16xf32>,
        %get3A_223 = vector.shape_cast %get3A_222 : vector<16xf32> to vector<16xf32>
        %add3A_224 = arith.constant 16 : i32
        %add3A_225 = arith.addi %mul3A_212, %add3A_224 : i32
        %get3A_226 = arith.index_cast %add3A_225 : i32 to index
        %get3A_227 = tpu.vector_load %arg8[%get3A_226] {strides = array<i32>} : memref<16384xf32, #tpu.memory_space<vmem>>, vector<16xf32>,
        %get3A_228 = vector.shape_cast %get3A_227 : vector<16xf32> to vector<16xf32>
        %mul3A_229 = arith.mulf %get3A_223, %get3A_228 : vector<16xf32>
        %add3A_230 = arith.addf %mul3A_218, %mul3A_229 : vector<16xf32>
        %add3A_231 = arith.constant 32 : i32
        %add3A_232 = arith.addi %mul3A_212, %add3A_231 : i32
        %get3A_233 = arith.index_cast %add3A_232 : i32 to index
        %get3A_234 = tpu.vector_load %arg7[%get3A_233] {strides = array<i32>} : memref<16384xf32, #tpu.memory_space<vmem>>, vector<16xf32>,
        %get3A_235 = vector.shape_cast %get3A_234 : vector<16xf32> to vector<16xf32>
        %add3A_236 = arith.constant 32 : i32
        %add3A_237 = arith.addi %mul3A_212, %add3A_236 : i32
        %get3A_238 = arith.index_cast %add3A_237 : i32 to index
        %get3A_239 = tpu.vector_load %arg8[%get3A_238] {strides = array<i32>} : memref<16384xf32, #tpu.memory_space<vmem>>, vector<16xf32>,
        %get3A_240 = vector.shape_cast %get3A_239 : vector<16xf32> to vector<16xf32>
        %mul3A_241 = arith.mulf %get3A_235, %get3A_240 : vector<16xf32>
        %add3A_242 = arith.constant 48 : i32
        %add3A_243 = arith.addi %mul3A_212, %add3A_242 : i32
        %get3A_244 = arith.index_cast %add3A_243 : i32 to index
        %get3A_245 = tpu.vector_load %arg7[%get3A_244] {strides = array<i32>} : memref<16384xf32, #tpu.memory_space<vmem>>, vector<16xf32>,
        %get3A_246 = vector.shape_cast %get3A_245 : vector<16xf32> to vector<16xf32>
        %add3A_247 = arith.constant 48 : i32
        %add3A_248 = arith.addi %mul3A_212, %add3A_247 : i32
        %get3A_249 = arith.index_cast %add3A_248 : i32 to index
        %get3A_250 = tpu.vector_load %arg8[%get3A_249] {strides = array<i32>} : memref<16384xf32, #tpu.memory_space<vmem>>, vector<16xf32>,
        %get3A_251 = vector.shape_cast %get3A_250 : vector<16xf32> to vector<16xf32>
        %mul3A_252 = arith.mulf %get3A_246, %get3A_251 : vector<16xf32>
        %add3A_253 = arith.addf %mul3A_241, %mul3A_252 : vector<16xf32>
        %add3A_254 = arith.constant 64 : i32
        %add3A_255 = arith.addi %mul3A_212, %add3A_254 : i32
        %get3A_256 = arith.index_cast %add3A_255 : i32 to index
        %get3A_257 = tpu.vector_load %arg7[%get3A_256] {strides = array<i32>} : memref<16384xf32, #tpu.memory_space<vmem>>, vector<16xf32>,
        %get3A_258 = vector.shape_cast %get3A_257 : vector<16xf32> to vector<16xf32>
        %add3A_259 = arith.constant 64 : i32
        %add3A_260 = arith.addi %mul3A_212, %add3A_259 : i32
        %get3A_261 = arith.index_cast %add3A_260 : i32 to index
        %get3A_262 = tpu.vector_load %arg8[%get3A_261] {strides = array<i32>} : memref<16384xf32, #tpu.memory_space<vmem>>, vector<16xf32>,
        %get3A_263 = vector.shape_cast %get3A_262 : vector<16xf32> to vector<16xf32>
        %mul3A_264 = arith.mulf %get3A_258, %get3A_263 : vector<16xf32>
        %add3A_265 = arith.constant 80 : i32
        %add3A_266 = arith.addi %mul3A_212, %add3A_265 : i32
        %get3A_267 = arith.index_cast %add3A_266 : i32 to index
        %get3A_268 = tpu.vector_load %arg7[%get3A_267] {strides = array<i32>} : memref<16384xf32, #tpu.memory_space<vmem>>, vector<16xf32>,
        %get3A_269 = vector.shape_cast %get3A_268 : vector<16xf32> to vector<16xf32>
        %add3A_270 = arith.constant 80 : i32
        %add3A_271 = arith.addi %mul3A_212, %add3A_270 : i32
        %get3A_272 = arith.index_cast %add3A_271 : i32 to index
        %get3A_273 = tpu.vector_load %arg8[%get3A_272] {strides = array<i32>} : memref<16384xf32, #tpu.memory_space<vmem>>, vector<16xf32>,
        %get3A_274 = vector.shape_cast %get3A_273 : vector<16xf32> to vector<16xf32>
        %mul3A_275 = arith.mulf %get3A_269, %get3A_274 : vector<16xf32>
        %add3A_276 = arith.addf %mul3A_264, %mul3A_275 : vector<16xf32>
        %add3A_277 = arith.constant 96 : i32
        %add3A_278 = arith.addi %mul3A_212, %add3A_277 : i32
        %get3A_279 = arith.index_cast %add3A_278 : i32 to index
        %get3A_280 = tpu.vector_load %arg7[%get3A_279] {strides = array<i32>} : memref<16384xf32, #tpu.memory_space<vmem>>, vector<16xf32>,
        %get3A_281 = vector.shape_cast %get3A_280 : vector<16xf32> to vector<16xf32>
        %add3A_282 = arith.constant 96 : i32
        %add3A_283 = arith.addi %mul3A_212, %add3A_282 : i32
        %get3A_284 = arith.index_cast %add3A_283 : i32 to index
        %get3A_285 = tpu.vector_load %arg8[%get3A_284] {strides = array<i32>} : memref<16384xf32, #tpu.memory_space<vmem>>, vector<16xf32>,
        %get3A_286 = vector.shape_cast %get3A_285 : vector<16xf32> to vector<16xf32>
        %mul3A_287 = arith.mulf %get3A_281, %get3A_286 : vector<16xf32>
        %add3A_288 = arith.constant 112 : i32
        %add3A_289 = arith.addi %mul3A_212, %add3A_288 : i32
        %get3A_290 = arith.index_cast %add3A_289 : i32 to index
        %get3A_291 = tpu.vector_load %arg7[%get3A_290] {strides = array<i32>} : memref<16384xf32, #tpu.memory_space<vmem>>, vector<16xf32>,
        %get3A_292 = vector.shape_cast %get3A_291 : vector<16xf32> to vector<16xf32>
        %add3A_293 = arith.constant 112 : i32
        %add3A_294 = arith.addi %mul3A_212, %add3A_293 : i32
        %get3A_295 = arith.index_cast %add3A_294 : i32 to index
        %get3A_296 = tpu.vector_load %arg8[%get3A_295] {strides = array<i32>} : memref<16384xf32, #tpu.memory_space<vmem>>, vector<16xf32>,
        %get3A_297 = vector.shape_cast %get3A_296 : vector<16xf32> to vector<16xf32>
        %mul3A_298 = arith.mulf %get3A_292, %get3A_297 : vector<16xf32>
        %add3A_299 = arith.addf %mul3A_287, %mul3A_298 : vector<16xf32>
        %add3A_300 = arith.addf %add3A_230, %add3A_253 : vector<16xf32>
        %add3A_301 = arith.addf %add3A_276, %add3A_299 : vector<16xf32>
        %add3A_302 = arith.addf %add3A_300, %add3A_301 : vector<16xf32>
        %swap3A = arith.index_cast %scan3A_210 : i32 to index
        %swap3A_303 = arith.constant 0 : index
        %swap3A_304 = tpu.vector_load %arg9[%swap3A, %swap3A_303] {strides = array<i32>} : memref<128x16xf32, #tpu.memory_space<vmem>>, vector<1x16xf32>,
        %swap3A_305 = vector.shape_cast %swap3A_304 : vector<1x16xf32> to vector<16xf32>
        %swap3A_306 = vector.shape_cast %add3A_302 : vector<16xf32> to vector<1x16xf32>
        tpu.vector_store %arg9[%swap3A, %swap3A_303], %swap3A_306 {strides = array<i32>} : memref<128x16xf32, #tpu.memory_space<vmem>>, vector<1x16xf32>,
      }
      %scan3A_207 = arith.constant 128 : i32
      %mul3A_208 = arith.constant 128 : i32
      %mul3A_209 = arith.muli %add3A_111, %mul3A_208 : i32
      "tpu.region"() ({
        %run_scoped3A = tpu.sem_alloc : memref<!tpu.dma_semaphore, #tpu.memory_space<semaphore_mem>>
        %dma_start3A = arith.constant 0 : i32
        %dma_start3A_210 = tpu.memref_slice %arg4[%mul3A_209, %dma_start3A] : memref<56832x16xf32, #tpu.memory_space<hbm>> -> memref<128x16xf32, #tpu.memory_space<hbm>>
        %dma_start3A_211 = arith.constant 0 : i32
        %dma_start3A_212 = tpu.memref_slice %arg4[%mul3A_209, %dma_start3A_211] : memref<56832x16xf32, #tpu.memory_space<hbm>> -> memref<128x16xf32, #tpu.memory_space<hbm>>
        tpu.enqueue_dma source(%arg9 : memref<128x16xf32, #tpu.memory_space<vmem>>) target(%dma_start3A_212 : memref<128x16xf32, #tpu.memory_space<hbm>>) target_semaphore(%run_scoped3A : memref<!tpu.dma_semaphore, #tpu.memory_space<semaphore_mem>>)
        %dma_wait3A_213 = arith.constant 0 : i32
        %dma_wait3A_214 = tpu.memref_slice %arg4[%mul3A_209, %dma_wait3A_213] : memref<56832x16xf32, #tpu.memory_space<hbm>> -> memref<128x16xf32, #tpu.memory_space<hbm>>
        %dma_wait3A_215 = arith.constant 0 : i32
        %dma_wait3A_216 = tpu.memref_slice %arg4[%mul3A_209, %dma_wait3A_215] : memref<56832x16xf32, #tpu.memory_space<hbm>> -> memref<128x16xf32, #tpu.memory_space<hbm>>
        tpu.wait_dma2 semaphore(%run_scoped3A : memref<!tpu.dma_semaphore, #tpu.memory_space<semaphore_mem>>) src(%arg9 : memref<128x16xf32, #tpu.memory_space<vmem>>) dst(%dma_wait3A_216 : memref<128x16xf32, #tpu.memory_space<hbm>>)
        tpu.yield
      }) : () -> ()
    } else {
    }
    %add3A_117 = arith.constant 288 : i32
    %add3A_118 = arith.addi %add3A, %add3A_117 : i32
    %lt3A_119 = arith.constant 444 : i32
    %lt3A_120 = arith.cmpi slt, %add3A_118, %lt3A_119 : i32
    %convert_element_type3A_121 = arith.extui %lt3A_120 : i1 to i32
    %cond3A_122 = arith.constant 0 : i32
    %cond3A_123 = arith.cmpi ne, %convert_element_type3A_121, %cond3A_122 : i32
    scf.if %cond3A_123 {
      %mul3A_194 = arith.constant 128 : i32
      %mul3A_195 = arith.muli %add3A_118, %mul3A_194 : i32
      %add3A_196 = arith.constant 179968 : i32
      %add3A_197 = arith.addi %add3A_196, %mul3A_195 : i32
      %mul3A_198 = arith.constant 128 : i32
      %mul3A_199 = arith.muli %add3A_197, %mul3A_198 : i32
      %dma_start3A = tpu.memref_slice %arg2[%mul3A_199] : memref<30310400xf32, #tpu.memory_space<hbm>> -> memref<16384xf32, #tpu.memory_space<hbm>>
      %dma_start3A_200 = tpu.memref_slice %arg2[%mul3A_199] : memref<30310400xf32, #tpu.memory_space<hbm>> -> memref<16384xf32, #tpu.memory_space<hbm>>
      tpu.enqueue_dma source(%dma_start3A_200 : memref<16384xf32, #tpu.memory_space<hbm>>) target(%arg7 : memref<16384xf32, #tpu.memory_space<vmem>>) target_semaphore(%arg11 : memref<!tpu.dma_semaphore, #tpu.memory_space<semaphore_mem>>)
      %dma_start3A_201 = tpu.memref_slice %arg3[%mul3A_199] : memref<30310400xf32, #tpu.memory_space<hbm>> -> memref<16384xf32, #tpu.memory_space<hbm>>
      %dma_start3A_202 = tpu.memref_slice %arg3[%mul3A_199] : memref<30310400xf32, #tpu.memory_space<hbm>> -> memref<16384xf32, #tpu.memory_space<hbm>>
      tpu.enqueue_dma source(%dma_start3A_202 : memref<16384xf32, #tpu.memory_space<hbm>>) target(%arg8 : memref<16384xf32, #tpu.memory_space<vmem>>) target_semaphore(%arg11 : memref<!tpu.dma_semaphore, #tpu.memory_space<semaphore_mem>>)
    } else {
    }
    %add3A_124 = arith.constant 256 : i32
    %add3A_125 = arith.addi %add3A, %add3A_124 : i32
    %lt3A_126 = arith.constant 444 : i32
    %lt3A_127 = arith.cmpi slt, %add3A_125, %lt3A_126 : i32
    %convert_element_type3A_128 = arith.extui %lt3A_127 : i1 to i32
    %cond3A_129 = arith.constant 0 : i32
    %cond3A_130 = arith.cmpi ne, %convert_element_type3A_128, %cond3A_129 : i32
    scf.if %cond3A_130 {
      %mul3A_194 = arith.constant 128 : i32
      %mul3A_195 = arith.muli %add3A_125, %mul3A_194 : i32
      %add3A_196 = arith.constant 179968 : i32
      %add3A_197 = arith.addi %add3A_196, %mul3A_195 : i32
      %mul3A_198 = arith.constant 128 : i32
      %mul3A_199 = arith.muli %add3A_197, %mul3A_198 : i32
      %dma_wait3A = tpu.memref_slice %arg2[%mul3A_199] : memref<30310400xf32, #tpu.memory_space<hbm>> -> memref<16384xf32, #tpu.memory_space<hbm>>
      %dma_wait3A_200 = tpu.memref_slice %arg2[%mul3A_199] : memref<30310400xf32, #tpu.memory_space<hbm>> -> memref<16384xf32, #tpu.memory_space<hbm>>
      tpu.wait_dma2 semaphore(%arg10 : memref<!tpu.dma_semaphore, #tpu.memory_space<semaphore_mem>>) src(%dma_wait3A_200 : memref<16384xf32, #tpu.memory_space<hbm>>) dst(%arg5 : memref<16384xf32, #tpu.memory_space<vmem>>)
      %dma_wait3A_201 = tpu.memref_slice %arg3[%mul3A_199] : memref<30310400xf32, #tpu.memory_space<hbm>> -> memref<16384xf32, #tpu.memory_space<hbm>>
      %dma_wait3A_202 = tpu.memref_slice %arg3[%mul3A_199] : memref<30310400xf32, #tpu.memory_space<hbm>> -> memref<16384xf32, #tpu.memory_space<hbm>>
      tpu.wait_dma2 semaphore(%arg10 : memref<!tpu.dma_semaphore, #tpu.memory_space<semaphore_mem>>) src(%dma_wait3A_202 : memref<16384xf32, #tpu.memory_space<hbm>>) dst(%arg6 : memref<16384xf32, #tpu.memory_space<vmem>>)
      %scan3A = arith.constant 0 : i32
      %scan3A_203 = arith.constant 0 : i32
      %scan3A_204 = arith.constant 128 : i32
      %scan3A_205 = arith.addi %scan3A_203, %scan3A_204 : i32
      %scan3A_206 = arith.constant 1 : i32
      scf.for %scan3A_210 = %scan3A_203 to %scan3A_205 step %scan3A_206  : i32 {
        %mul3A_211 = arith.constant 128 : i32
        %mul3A_212 = arith.muli %scan3A_210, %mul3A_211 : i32
        %get3A = arith.index_cast %mul3A_212 : i32 to index
        %get3A_213 = tpu.vector_load %arg5[%get3A] {strides = array<i32>} : memref<16384xf32, #tpu.memory_space<vmem>>, vector<16xf32>,
        %get3A_214 = vector.shape_cast %get3A_213 : vector<16xf32> to vector<16xf32>
        %get3A_215 = arith.index_cast %mul3A_212 : i32 to index
        %get3A_216 = tpu.vector_load %arg6[%get3A_215] {strides = array<i32>} : memref<16384xf32, #tpu.memory_space<vmem>>, vector<16xf32>,
        %get3A_217 = vector.shape_cast %get3A_216 : vector<16xf32> to vector<16xf32>
        %mul3A_218 = arith.mulf %get3A_214, %get3A_217 : vector<16xf32>
        %add3A_219 = arith.constant 16 : i32
        %add3A_220 = arith.addi %mul3A_212, %add3A_219 : i32
        %get3A_221 = arith.index_cast %add3A_220 : i32 to index
        %get3A_222 = tpu.vector_load %arg5[%get3A_221] {strides = array<i32>} : memref<16384xf32, #tpu.memory_space<vmem>>, vector<16xf32>,
        %get3A_223 = vector.shape_cast %get3A_222 : vector<16xf32> to vector<16xf32>
        %add3A_224 = arith.constant 16 : i32
        %add3A_225 = arith.addi %mul3A_212, %add3A_224 : i32
        %get3A_226 = arith.index_cast %add3A_225 : i32 to index
        %get3A_227 = tpu.vector_load %arg6[%get3A_226] {strides = array<i32>} : memref<16384xf32, #tpu.memory_space<vmem>>, vector<16xf32>,
        %get3A_228 = vector.shape_cast %get3A_227 : vector<16xf32> to vector<16xf32>
        %mul3A_229 = arith.mulf %get3A_223, %get3A_228 : vector<16xf32>
        %add3A_230 = arith.addf %mul3A_218, %mul3A_229 : vector<16xf32>
        %add3A_231 = arith.constant 32 : i32
        %add3A_232 = arith.addi %mul3A_212, %add3A_231 : i32
        %get3A_233 = arith.index_cast %add3A_232 : i32 to index
        %get3A_234 = tpu.vector_load %arg5[%get3A_233] {strides = array<i32>} : memref<16384xf32, #tpu.memory_space<vmem>>, vector<16xf32>,
        %get3A_235 = vector.shape_cast %get3A_234 : vector<16xf32> to vector<16xf32>
        %add3A_236 = arith.constant 32 : i32
        %add3A_237 = arith.addi %mul3A_212, %add3A_236 : i32
        %get3A_238 = arith.index_cast %add3A_237 : i32 to index
        %get3A_239 = tpu.vector_load %arg6[%get3A_238] {strides = array<i32>} : memref<16384xf32, #tpu.memory_space<vmem>>, vector<16xf32>,
        %get3A_240 = vector.shape_cast %get3A_239 : vector<16xf32> to vector<16xf32>
        %mul3A_241 = arith.mulf %get3A_235, %get3A_240 : vector<16xf32>
        %add3A_242 = arith.constant 48 : i32
        %add3A_243 = arith.addi %mul3A_212, %add3A_242 : i32
        %get3A_244 = arith.index_cast %add3A_243 : i32 to index
        %get3A_245 = tpu.vector_load %arg5[%get3A_244] {strides = array<i32>} : memref<16384xf32, #tpu.memory_space<vmem>>, vector<16xf32>,
        %get3A_246 = vector.shape_cast %get3A_245 : vector<16xf32> to vector<16xf32>
        %add3A_247 = arith.constant 48 : i32
        %add3A_248 = arith.addi %mul3A_212, %add3A_247 : i32
        %get3A_249 = arith.index_cast %add3A_248 : i32 to index
        %get3A_250 = tpu.vector_load %arg6[%get3A_249] {strides = array<i32>} : memref<16384xf32, #tpu.memory_space<vmem>>, vector<16xf32>,
        %get3A_251 = vector.shape_cast %get3A_250 : vector<16xf32> to vector<16xf32>
        %mul3A_252 = arith.mulf %get3A_246, %get3A_251 : vector<16xf32>
        %add3A_253 = arith.addf %mul3A_241, %mul3A_252 : vector<16xf32>
        %add3A_254 = arith.constant 64 : i32
        %add3A_255 = arith.addi %mul3A_212, %add3A_254 : i32
        %get3A_256 = arith.index_cast %add3A_255 : i32 to index
        %get3A_257 = tpu.vector_load %arg5[%get3A_256] {strides = array<i32>} : memref<16384xf32, #tpu.memory_space<vmem>>, vector<16xf32>,
        %get3A_258 = vector.shape_cast %get3A_257 : vector<16xf32> to vector<16xf32>
        %add3A_259 = arith.constant 64 : i32
        %add3A_260 = arith.addi %mul3A_212, %add3A_259 : i32
        %get3A_261 = arith.index_cast %add3A_260 : i32 to index
        %get3A_262 = tpu.vector_load %arg6[%get3A_261] {strides = array<i32>} : memref<16384xf32, #tpu.memory_space<vmem>>, vector<16xf32>,
        %get3A_263 = vector.shape_cast %get3A_262 : vector<16xf32> to vector<16xf32>
        %mul3A_264 = arith.mulf %get3A_258, %get3A_263 : vector<16xf32>
        %add3A_265 = arith.constant 80 : i32
        %add3A_266 = arith.addi %mul3A_212, %add3A_265 : i32
        %get3A_267 = arith.index_cast %add3A_266 : i32 to index
        %get3A_268 = tpu.vector_load %arg5[%get3A_267] {strides = array<i32>} : memref<16384xf32, #tpu.memory_space<vmem>>, vector<16xf32>,
        %get3A_269 = vector.shape_cast %get3A_268 : vector<16xf32> to vector<16xf32>
        %add3A_270 = arith.constant 80 : i32
        %add3A_271 = arith.addi %mul3A_212, %add3A_270 : i32
        %get3A_272 = arith.index_cast %add3A_271 : i32 to index
        %get3A_273 = tpu.vector_load %arg6[%get3A_272] {strides = array<i32>} : memref<16384xf32, #tpu.memory_space<vmem>>, vector<16xf32>,
        %get3A_274 = vector.shape_cast %get3A_273 : vector<16xf32> to vector<16xf32>
        %mul3A_275 = arith.mulf %get3A_269, %get3A_274 : vector<16xf32>
        %add3A_276 = arith.addf %mul3A_264, %mul3A_275 : vector<16xf32>
        %add3A_277 = arith.constant 96 : i32
        %add3A_278 = arith.addi %mul3A_212, %add3A_277 : i32
        %get3A_279 = arith.index_cast %add3A_278 : i32 to index
        %get3A_280 = tpu.vector_load %arg5[%get3A_279] {strides = array<i32>} : memref<16384xf32, #tpu.memory_space<vmem>>, vector<16xf32>,
        %get3A_281 = vector.shape_cast %get3A_280 : vector<16xf32> to vector<16xf32>
        %add3A_282 = arith.constant 96 : i32
        %add3A_283 = arith.addi %mul3A_212, %add3A_282 : i32
        %get3A_284 = arith.index_cast %add3A_283 : i32 to index
        %get3A_285 = tpu.vector_load %arg6[%get3A_284] {strides = array<i32>} : memref<16384xf32, #tpu.memory_space<vmem>>, vector<16xf32>,
        %get3A_286 = vector.shape_cast %get3A_285 : vector<16xf32> to vector<16xf32>
        %mul3A_287 = arith.mulf %get3A_281, %get3A_286 : vector<16xf32>
        %add3A_288 = arith.constant 112 : i32
        %add3A_289 = arith.addi %mul3A_212, %add3A_288 : i32
        %get3A_290 = arith.index_cast %add3A_289 : i32 to index
        %get3A_291 = tpu.vector_load %arg5[%get3A_290] {strides = array<i32>} : memref<16384xf32, #tpu.memory_space<vmem>>, vector<16xf32>,
        %get3A_292 = vector.shape_cast %get3A_291 : vector<16xf32> to vector<16xf32>
        %add3A_293 = arith.constant 112 : i32
        %add3A_294 = arith.addi %mul3A_212, %add3A_293 : i32
        %get3A_295 = arith.index_cast %add3A_294 : i32 to index
        %get3A_296 = tpu.vector_load %arg6[%get3A_295] {strides = array<i32>} : memref<16384xf32, #tpu.memory_space<vmem>>, vector<16xf32>,
        %get3A_297 = vector.shape_cast %get3A_296 : vector<16xf32> to vector<16xf32>
        %mul3A_298 = arith.mulf %get3A_292, %get3A_297 : vector<16xf32>
        %add3A_299 = arith.addf %mul3A_287, %mul3A_298 : vector<16xf32>
        %add3A_300 = arith.addf %add3A_230, %add3A_253 : vector<16xf32>
        %add3A_301 = arith.addf %add3A_276, %add3A_299 : vector<16xf32>
        %add3A_302 = arith.addf %add3A_300, %add3A_301 : vector<16xf32>
        %swap3A = arith.index_cast %scan3A_210 : i32 to index
        %swap3A_303 = arith.constant 0 : index
        %swap3A_304 = tpu.vector_load %arg9[%swap3A, %swap3A_303] {strides = array<i32>} : memref<128x16xf32, #tpu.memory_space<vmem>>, vector<1x16xf32>,
        %swap3A_305 = vector.shape_cast %swap3A_304 : vector<1x16xf32> to vector<16xf32>
        %swap3A_306 = vector.shape_cast %add3A_302 : vector<16xf32> to vector<1x16xf32>
        tpu.vector_store %arg9[%swap3A, %swap3A_303], %swap3A_306 {strides = array<i32>} : memref<128x16xf32, #tpu.memory_space<vmem>>, vector<1x16xf32>,
      }
      %scan3A_207 = arith.constant 128 : i32
      %mul3A_208 = arith.constant 128 : i32
      %mul3A_209 = arith.muli %add3A_125, %mul3A_208 : i32
      "tpu.region"() ({
        %run_scoped3A = tpu.sem_alloc : memref<!tpu.dma_semaphore, #tpu.memory_space<semaphore_mem>>
        %dma_start3A = arith.constant 0 : i32
        %dma_start3A_210 = tpu.memref_slice %arg4[%mul3A_209, %dma_start3A] : memref<56832x16xf32, #tpu.memory_space<hbm>> -> memref<128x16xf32, #tpu.memory_space<hbm>>
        %dma_start3A_211 = arith.constant 0 : i32
        %dma_start3A_212 = tpu.memref_slice %arg4[%mul3A_209, %dma_start3A_211] : memref<56832x16xf32, #tpu.memory_space<hbm>> -> memref<128x16xf32, #tpu.memory_space<hbm>>
        tpu.enqueue_dma source(%arg9 : memref<128x16xf32, #tpu.memory_space<vmem>>) target(%dma_start3A_212 : memref<128x16xf32, #tpu.memory_space<hbm>>) target_semaphore(%run_scoped3A : memref<!tpu.dma_semaphore, #tpu.memory_space<semaphore_mem>>)
        %dma_wait3A_213 = arith.constant 0 : i32
        %dma_wait3A_214 = tpu.memref_slice %arg4[%mul3A_209, %dma_wait3A_213] : memref<56832x16xf32, #tpu.memory_space<hbm>> -> memref<128x16xf32, #tpu.memory_space<hbm>>
        %dma_wait3A_215 = arith.constant 0 : i32
        %dma_wait3A_216 = tpu.memref_slice %arg4[%mul3A_209, %dma_wait3A_215] : memref<56832x16xf32, #tpu.memory_space<hbm>> -> memref<128x16xf32, #tpu.memory_space<hbm>>
        tpu.wait_dma2 semaphore(%run_scoped3A : memref<!tpu.dma_semaphore, #tpu.memory_space<semaphore_mem>>) src(%arg9 : memref<128x16xf32, #tpu.memory_space<vmem>>) dst(%dma_wait3A_216 : memref<128x16xf32, #tpu.memory_space<hbm>>)
        tpu.yield
      }) : () -> ()
    } else {
    }
    %add3A_131 = arith.constant 320 : i32
    %add3A_132 = arith.addi %add3A, %add3A_131 : i32
    %lt3A_133 = arith.constant 444 : i32
    %lt3A_134 = arith.cmpi slt, %add3A_132, %lt3A_133 : i32
    %convert_element_type3A_135 = arith.extui %lt3A_134 : i1 to i32
    %cond3A_136 = arith.constant 0 : i32
    %cond3A_137 = arith.cmpi ne, %convert_element_type3A_135, %cond3A_136 : i32
    scf.if %cond3A_137 {
      %mul3A_194 = arith.constant 128 : i32
      %mul3A_195 = arith.muli %add3A_132, %mul3A_194 : i32
      %add3A_196 = arith.constant 179968 : i32
      %add3A_197 = arith.addi %add3A_196, %mul3A_195 : i32
      %mul3A_198 = arith.constant 128 : i32
      %mul3A_199 = arith.muli %add3A_197, %mul3A_198 : i32
      %dma_start3A = tpu.memref_slice %arg2[%mul3A_199] : memref<30310400xf32, #tpu.memory_space<hbm>> -> memref<16384xf32, #tpu.memory_space<hbm>>
      %dma_start3A_200 = tpu.memref_slice %arg2[%mul3A_199] : memref<30310400xf32, #tpu.memory_space<hbm>> -> memref<16384xf32, #tpu.memory_space<hbm>>
      tpu.enqueue_dma source(%dma_start3A_200 : memref<16384xf32, #tpu.memory_space<hbm>>) target(%arg5 : memref<16384xf32, #tpu.memory_space<vmem>>) target_semaphore(%arg10 : memref<!tpu.dma_semaphore, #tpu.memory_space<semaphore_mem>>)
      %dma_start3A_201 = tpu.memref_slice %arg3[%mul3A_199] : memref<30310400xf32, #tpu.memory_space<hbm>> -> memref<16384xf32, #tpu.memory_space<hbm>>
      %dma_start3A_202 = tpu.memref_slice %arg3[%mul3A_199] : memref<30310400xf32, #tpu.memory_space<hbm>> -> memref<16384xf32, #tpu.memory_space<hbm>>
      tpu.enqueue_dma source(%dma_start3A_202 : memref<16384xf32, #tpu.memory_space<hbm>>) target(%arg6 : memref<16384xf32, #tpu.memory_space<vmem>>) target_semaphore(%arg10 : memref<!tpu.dma_semaphore, #tpu.memory_space<semaphore_mem>>)
    } else {
    }
    %add3A_138 = arith.constant 288 : i32
    %add3A_139 = arith.addi %add3A, %add3A_138 : i32
    %lt3A_140 = arith.constant 444 : i32
    %lt3A_141 = arith.cmpi slt, %add3A_139, %lt3A_140 : i32
    %convert_element_type3A_142 = arith.extui %lt3A_141 : i1 to i32
    %cond3A_143 = arith.constant 0 : i32
    %cond3A_144 = arith.cmpi ne, %convert_element_type3A_142, %cond3A_143 : i32
    scf.if %cond3A_144 {
      %mul3A_194 = arith.constant 128 : i32
      %mul3A_195 = arith.muli %add3A_139, %mul3A_194 : i32
      %add3A_196 = arith.constant 179968 : i32
      %add3A_197 = arith.addi %add3A_196, %mul3A_195 : i32
      %mul3A_198 = arith.constant 128 : i32
      %mul3A_199 = arith.muli %add3A_197, %mul3A_198 : i32
      %dma_wait3A = tpu.memref_slice %arg2[%mul3A_199] : memref<30310400xf32, #tpu.memory_space<hbm>> -> memref<16384xf32, #tpu.memory_space<hbm>>
      %dma_wait3A_200 = tpu.memref_slice %arg2[%mul3A_199] : memref<30310400xf32, #tpu.memory_space<hbm>> -> memref<16384xf32, #tpu.memory_space<hbm>>
      tpu.wait_dma2 semaphore(%arg11 : memref<!tpu.dma_semaphore, #tpu.memory_space<semaphore_mem>>) src(%dma_wait3A_200 : memref<16384xf32, #tpu.memory_space<hbm>>) dst(%arg7 : memref<16384xf32, #tpu.memory_space<vmem>>)
      %dma_wait3A_201 = tpu.memref_slice %arg3[%mul3A_199] : memref<30310400xf32, #tpu.memory_space<hbm>> -> memref<16384xf32, #tpu.memory_space<hbm>>
      %dma_wait3A_202 = tpu.memref_slice %arg3[%mul3A_199] : memref<30310400xf32, #tpu.memory_space<hbm>> -> memref<16384xf32, #tpu.memory_space<hbm>>
      tpu.wait_dma2 semaphore(%arg11 : memref<!tpu.dma_semaphore, #tpu.memory_space<semaphore_mem>>) src(%dma_wait3A_202 : memref<16384xf32, #tpu.memory_space<hbm>>) dst(%arg8 : memref<16384xf32, #tpu.memory_space<vmem>>)
      %scan3A = arith.constant 0 : i32
      %scan3A_203 = arith.constant 0 : i32
      %scan3A_204 = arith.constant 128 : i32
      %scan3A_205 = arith.addi %scan3A_203, %scan3A_204 : i32
      %scan3A_206 = arith.constant 1 : i32
      scf.for %scan3A_210 = %scan3A_203 to %scan3A_205 step %scan3A_206  : i32 {
        %mul3A_211 = arith.constant 128 : i32
        %mul3A_212 = arith.muli %scan3A_210, %mul3A_211 : i32
        %get3A = arith.index_cast %mul3A_212 : i32 to index
        %get3A_213 = tpu.vector_load %arg7[%get3A] {strides = array<i32>} : memref<16384xf32, #tpu.memory_space<vmem>>, vector<16xf32>,
        %get3A_214 = vector.shape_cast %get3A_213 : vector<16xf32> to vector<16xf32>
        %get3A_215 = arith.index_cast %mul3A_212 : i32 to index
        %get3A_216 = tpu.vector_load %arg8[%get3A_215] {strides = array<i32>} : memref<16384xf32, #tpu.memory_space<vmem>>, vector<16xf32>,
        %get3A_217 = vector.shape_cast %get3A_216 : vector<16xf32> to vector<16xf32>
        %mul3A_218 = arith.mulf %get3A_214, %get3A_217 : vector<16xf32>
        %add3A_219 = arith.constant 16 : i32
        %add3A_220 = arith.addi %mul3A_212, %add3A_219 : i32
        %get3A_221 = arith.index_cast %add3A_220 : i32 to index
        %get3A_222 = tpu.vector_load %arg7[%get3A_221] {strides = array<i32>} : memref<16384xf32, #tpu.memory_space<vmem>>, vector<16xf32>,
        %get3A_223 = vector.shape_cast %get3A_222 : vector<16xf32> to vector<16xf32>
        %add3A_224 = arith.constant 16 : i32
        %add3A_225 = arith.addi %mul3A_212, %add3A_224 : i32
        %get3A_226 = arith.index_cast %add3A_225 : i32 to index
        %get3A_227 = tpu.vector_load %arg8[%get3A_226] {strides = array<i32>} : memref<16384xf32, #tpu.memory_space<vmem>>, vector<16xf32>,
        %get3A_228 = vector.shape_cast %get3A_227 : vector<16xf32> to vector<16xf32>
        %mul3A_229 = arith.mulf %get3A_223, %get3A_228 : vector<16xf32>
        %add3A_230 = arith.addf %mul3A_218, %mul3A_229 : vector<16xf32>
        %add3A_231 = arith.constant 32 : i32
        %add3A_232 = arith.addi %mul3A_212, %add3A_231 : i32
        %get3A_233 = arith.index_cast %add3A_232 : i32 to index
        %get3A_234 = tpu.vector_load %arg7[%get3A_233] {strides = array<i32>} : memref<16384xf32, #tpu.memory_space<vmem>>, vector<16xf32>,
        %get3A_235 = vector.shape_cast %get3A_234 : vector<16xf32> to vector<16xf32>
        %add3A_236 = arith.constant 32 : i32
        %add3A_237 = arith.addi %mul3A_212, %add3A_236 : i32
        %get3A_238 = arith.index_cast %add3A_237 : i32 to index
        %get3A_239 = tpu.vector_load %arg8[%get3A_238] {strides = array<i32>} : memref<16384xf32, #tpu.memory_space<vmem>>, vector<16xf32>,
        %get3A_240 = vector.shape_cast %get3A_239 : vector<16xf32> to vector<16xf32>
        %mul3A_241 = arith.mulf %get3A_235, %get3A_240 : vector<16xf32>
        %add3A_242 = arith.constant 48 : i32
        %add3A_243 = arith.addi %mul3A_212, %add3A_242 : i32
        %get3A_244 = arith.index_cast %add3A_243 : i32 to index
        %get3A_245 = tpu.vector_load %arg7[%get3A_244] {strides = array<i32>} : memref<16384xf32, #tpu.memory_space<vmem>>, vector<16xf32>,
        %get3A_246 = vector.shape_cast %get3A_245 : vector<16xf32> to vector<16xf32>
        %add3A_247 = arith.constant 48 : i32
        %add3A_248 = arith.addi %mul3A_212, %add3A_247 : i32
        %get3A_249 = arith.index_cast %add3A_248 : i32 to index
        %get3A_250 = tpu.vector_load %arg8[%get3A_249] {strides = array<i32>} : memref<16384xf32, #tpu.memory_space<vmem>>, vector<16xf32>,
        %get3A_251 = vector.shape_cast %get3A_250 : vector<16xf32> to vector<16xf32>
        %mul3A_252 = arith.mulf %get3A_246, %get3A_251 : vector<16xf32>
        %add3A_253 = arith.addf %mul3A_241, %mul3A_252 : vector<16xf32>
        %add3A_254 = arith.constant 64 : i32
        %add3A_255 = arith.addi %mul3A_212, %add3A_254 : i32
        %get3A_256 = arith.index_cast %add3A_255 : i32 to index
        %get3A_257 = tpu.vector_load %arg7[%get3A_256] {strides = array<i32>} : memref<16384xf32, #tpu.memory_space<vmem>>, vector<16xf32>,
        %get3A_258 = vector.shape_cast %get3A_257 : vector<16xf32> to vector<16xf32>
        %add3A_259 = arith.constant 64 : i32
        %add3A_260 = arith.addi %mul3A_212, %add3A_259 : i32
        %get3A_261 = arith.index_cast %add3A_260 : i32 to index
        %get3A_262 = tpu.vector_load %arg8[%get3A_261] {strides = array<i32>} : memref<16384xf32, #tpu.memory_space<vmem>>, vector<16xf32>,
        %get3A_263 = vector.shape_cast %get3A_262 : vector<16xf32> to vector<16xf32>
        %mul3A_264 = arith.mulf %get3A_258, %get3A_263 : vector<16xf32>
        %add3A_265 = arith.constant 80 : i32
        %add3A_266 = arith.addi %mul3A_212, %add3A_265 : i32
        %get3A_267 = arith.index_cast %add3A_266 : i32 to index
        %get3A_268 = tpu.vector_load %arg7[%get3A_267] {strides = array<i32>} : memref<16384xf32, #tpu.memory_space<vmem>>, vector<16xf32>,
        %get3A_269 = vector.shape_cast %get3A_268 : vector<16xf32> to vector<16xf32>
        %add3A_270 = arith.constant 80 : i32
        %add3A_271 = arith.addi %mul3A_212, %add3A_270 : i32
        %get3A_272 = arith.index_cast %add3A_271 : i32 to index
        %get3A_273 = tpu.vector_load %arg8[%get3A_272] {strides = array<i32>} : memref<16384xf32, #tpu.memory_space<vmem>>, vector<16xf32>,
        %get3A_274 = vector.shape_cast %get3A_273 : vector<16xf32> to vector<16xf32>
        %mul3A_275 = arith.mulf %get3A_269, %get3A_274 : vector<16xf32>
        %add3A_276 = arith.addf %mul3A_264, %mul3A_275 : vector<16xf32>
        %add3A_277 = arith.constant 96 : i32
        %add3A_278 = arith.addi %mul3A_212, %add3A_277 : i32
        %get3A_279 = arith.index_cast %add3A_278 : i32 to index
        %get3A_280 = tpu.vector_load %arg7[%get3A_279] {strides = array<i32>} : memref<16384xf32, #tpu.memory_space<vmem>>, vector<16xf32>,
        %get3A_281 = vector.shape_cast %get3A_280 : vector<16xf32> to vector<16xf32>
        %add3A_282 = arith.constant 96 : i32
        %add3A_283 = arith.addi %mul3A_212, %add3A_282 : i32
        %get3A_284 = arith.index_cast %add3A_283 : i32 to index
        %get3A_285 = tpu.vector_load %arg8[%get3A_284] {strides = array<i32>} : memref<16384xf32, #tpu.memory_space<vmem>>, vector<16xf32>,
        %get3A_286 = vector.shape_cast %get3A_285 : vector<16xf32> to vector<16xf32>
        %mul3A_287 = arith.mulf %get3A_281, %get3A_286 : vector<16xf32>
        %add3A_288 = arith.constant 112 : i32
        %add3A_289 = arith.addi %mul3A_212, %add3A_288 : i32
        %get3A_290 = arith.index_cast %add3A_289 : i32 to index
        %get3A_291 = tpu.vector_load %arg7[%get3A_290] {strides = array<i32>} : memref<16384xf32, #tpu.memory_space<vmem>>, vector<16xf32>,
        %get3A_292 = vector.shape_cast %get3A_291 : vector<16xf32> to vector<16xf32>
        %add3A_293 = arith.constant 112 : i32
        %add3A_294 = arith.addi %mul3A_212, %add3A_293 : i32
        %get3A_295 = arith.index_cast %add3A_294 : i32 to index
        %get3A_296 = tpu.vector_load %arg8[%get3A_295] {strides = array<i32>} : memref<16384xf32, #tpu.memory_space<vmem>>, vector<16xf32>,
        %get3A_297 = vector.shape_cast %get3A_296 : vector<16xf32> to vector<16xf32>
        %mul3A_298 = arith.mulf %get3A_292, %get3A_297 : vector<16xf32>
        %add3A_299 = arith.addf %mul3A_287, %mul3A_298 : vector<16xf32>
        %add3A_300 = arith.addf %add3A_230, %add3A_253 : vector<16xf32>
        %add3A_301 = arith.addf %add3A_276, %add3A_299 : vector<16xf32>
        %add3A_302 = arith.addf %add3A_300, %add3A_301 : vector<16xf32>
        %swap3A = arith.index_cast %scan3A_210 : i32 to index
        %swap3A_303 = arith.constant 0 : index
        %swap3A_304 = tpu.vector_load %arg9[%swap3A, %swap3A_303] {strides = array<i32>} : memref<128x16xf32, #tpu.memory_space<vmem>>, vector<1x16xf32>,
        %swap3A_305 = vector.shape_cast %swap3A_304 : vector<1x16xf32> to vector<16xf32>
        %swap3A_306 = vector.shape_cast %add3A_302 : vector<16xf32> to vector<1x16xf32>
        tpu.vector_store %arg9[%swap3A, %swap3A_303], %swap3A_306 {strides = array<i32>} : memref<128x16xf32, #tpu.memory_space<vmem>>, vector<1x16xf32>,
      }
      %scan3A_207 = arith.constant 128 : i32
      %mul3A_208 = arith.constant 128 : i32
      %mul3A_209 = arith.muli %add3A_139, %mul3A_208 : i32
      "tpu.region"() ({
        %run_scoped3A = tpu.sem_alloc : memref<!tpu.dma_semaphore, #tpu.memory_space<semaphore_mem>>
        %dma_start3A = arith.constant 0 : i32
        %dma_start3A_210 = tpu.memref_slice %arg4[%mul3A_209, %dma_start3A] : memref<56832x16xf32, #tpu.memory_space<hbm>> -> memref<128x16xf32, #tpu.memory_space<hbm>>
        %dma_start3A_211 = arith.constant 0 : i32
        %dma_start3A_212 = tpu.memref_slice %arg4[%mul3A_209, %dma_start3A_211] : memref<56832x16xf32, #tpu.memory_space<hbm>> -> memref<128x16xf32, #tpu.memory_space<hbm>>
        tpu.enqueue_dma source(%arg9 : memref<128x16xf32, #tpu.memory_space<vmem>>) target(%dma_start3A_212 : memref<128x16xf32, #tpu.memory_space<hbm>>) target_semaphore(%run_scoped3A : memref<!tpu.dma_semaphore, #tpu.memory_space<semaphore_mem>>)
        %dma_wait3A_213 = arith.constant 0 : i32
        %dma_wait3A_214 = tpu.memref_slice %arg4[%mul3A_209, %dma_wait3A_213] : memref<56832x16xf32, #tpu.memory_space<hbm>> -> memref<128x16xf32, #tpu.memory_space<hbm>>
        %dma_wait3A_215 = arith.constant 0 : i32
        %dma_wait3A_216 = tpu.memref_slice %arg4[%mul3A_209, %dma_wait3A_215] : memref<56832x16xf32, #tpu.memory_space<hbm>> -> memref<128x16xf32, #tpu.memory_space<hbm>>
        tpu.wait_dma2 semaphore(%run_scoped3A : memref<!tpu.dma_semaphore, #tpu.memory_space<semaphore_mem>>) src(%arg9 : memref<128x16xf32, #tpu.memory_space<vmem>>) dst(%dma_wait3A_216 : memref<128x16xf32, #tpu.memory_space<hbm>>)
        tpu.yield
      }) : () -> ()
    } else {
    }
    %add3A_145 = arith.constant 352 : i32
    %add3A_146 = arith.addi %add3A, %add3A_145 : i32
    %lt3A_147 = arith.constant 444 : i32
    %lt3A_148 = arith.cmpi slt, %add3A_146, %lt3A_147 : i32
    %convert_element_type3A_149 = arith.extui %lt3A_148 : i1 to i32
    %cond3A_150 = arith.constant 0 : i32
    %cond3A_151 = arith.cmpi ne, %convert_element_type3A_149, %cond3A_150 : i32
    scf.if %cond3A_151 {
      %mul3A_194 = arith.constant 128 : i32
      %mul3A_195 = arith.muli %add3A_146, %mul3A_194 : i32
      %add3A_196 = arith.constant 179968 : i32
      %add3A_197 = arith.addi %add3A_196, %mul3A_195 : i32
      %mul3A_198 = arith.constant 128 : i32
      %mul3A_199 = arith.muli %add3A_197, %mul3A_198 : i32
      %dma_start3A = tpu.memref_slice %arg2[%mul3A_199] : memref<30310400xf32, #tpu.memory_space<hbm>> -> memref<16384xf32, #tpu.memory_space<hbm>>
      %dma_start3A_200 = tpu.memref_slice %arg2[%mul3A_199] : memref<30310400xf32, #tpu.memory_space<hbm>> -> memref<16384xf32, #tpu.memory_space<hbm>>
      tpu.enqueue_dma source(%dma_start3A_200 : memref<16384xf32, #tpu.memory_space<hbm>>) target(%arg7 : memref<16384xf32, #tpu.memory_space<vmem>>) target_semaphore(%arg11 : memref<!tpu.dma_semaphore, #tpu.memory_space<semaphore_mem>>)
      %dma_start3A_201 = tpu.memref_slice %arg3[%mul3A_199] : memref<30310400xf32, #tpu.memory_space<hbm>> -> memref<16384xf32, #tpu.memory_space<hbm>>
      %dma_start3A_202 = tpu.memref_slice %arg3[%mul3A_199] : memref<30310400xf32, #tpu.memory_space<hbm>> -> memref<16384xf32, #tpu.memory_space<hbm>>
      tpu.enqueue_dma source(%dma_start3A_202 : memref<16384xf32, #tpu.memory_space<hbm>>) target(%arg8 : memref<16384xf32, #tpu.memory_space<vmem>>) target_semaphore(%arg11 : memref<!tpu.dma_semaphore, #tpu.memory_space<semaphore_mem>>)
    } else {
    }
    %add3A_152 = arith.constant 320 : i32
    %add3A_153 = arith.addi %add3A, %add3A_152 : i32
    %lt3A_154 = arith.constant 444 : i32
    %lt3A_155 = arith.cmpi slt, %add3A_153, %lt3A_154 : i32
    %convert_element_type3A_156 = arith.extui %lt3A_155 : i1 to i32
    %cond3A_157 = arith.constant 0 : i32
    %cond3A_158 = arith.cmpi ne, %convert_element_type3A_156, %cond3A_157 : i32
    scf.if %cond3A_158 {
      %mul3A_194 = arith.constant 128 : i32
      %mul3A_195 = arith.muli %add3A_153, %mul3A_194 : i32
      %add3A_196 = arith.constant 179968 : i32
      %add3A_197 = arith.addi %add3A_196, %mul3A_195 : i32
      %mul3A_198 = arith.constant 128 : i32
      %mul3A_199 = arith.muli %add3A_197, %mul3A_198 : i32
      %dma_wait3A = tpu.memref_slice %arg2[%mul3A_199] : memref<30310400xf32, #tpu.memory_space<hbm>> -> memref<16384xf32, #tpu.memory_space<hbm>>
      %dma_wait3A_200 = tpu.memref_slice %arg2[%mul3A_199] : memref<30310400xf32, #tpu.memory_space<hbm>> -> memref<16384xf32, #tpu.memory_space<hbm>>
      tpu.wait_dma2 semaphore(%arg10 : memref<!tpu.dma_semaphore, #tpu.memory_space<semaphore_mem>>) src(%dma_wait3A_200 : memref<16384xf32, #tpu.memory_space<hbm>>) dst(%arg5 : memref<16384xf32, #tpu.memory_space<vmem>>)
      %dma_wait3A_201 = tpu.memref_slice %arg3[%mul3A_199] : memref<30310400xf32, #tpu.memory_space<hbm>> -> memref<16384xf32, #tpu.memory_space<hbm>>
      %dma_wait3A_202 = tpu.memref_slice %arg3[%mul3A_199] : memref<30310400xf32, #tpu.memory_space<hbm>> -> memref<16384xf32, #tpu.memory_space<hbm>>
      tpu.wait_dma2 semaphore(%arg10 : memref<!tpu.dma_semaphore, #tpu.memory_space<semaphore_mem>>) src(%dma_wait3A_202 : memref<16384xf32, #tpu.memory_space<hbm>>) dst(%arg6 : memref<16384xf32, #tpu.memory_space<vmem>>)
      %scan3A = arith.constant 0 : i32
      %scan3A_203 = arith.constant 0 : i32
      %scan3A_204 = arith.constant 128 : i32
      %scan3A_205 = arith.addi %scan3A_203, %scan3A_204 : i32
      %scan3A_206 = arith.constant 1 : i32
      scf.for %scan3A_210 = %scan3A_203 to %scan3A_205 step %scan3A_206  : i32 {
        %mul3A_211 = arith.constant 128 : i32
        %mul3A_212 = arith.muli %scan3A_210, %mul3A_211 : i32
        %get3A = arith.index_cast %mul3A_212 : i32 to index
        %get3A_213 = tpu.vector_load %arg5[%get3A] {strides = array<i32>} : memref<16384xf32, #tpu.memory_space<vmem>>, vector<16xf32>,
        %get3A_214 = vector.shape_cast %get3A_213 : vector<16xf32> to vector<16xf32>
        %get3A_215 = arith.index_cast %mul3A_212 : i32 to index
        %get3A_216 = tpu.vector_load %arg6[%get3A_215] {strides = array<i32>} : memref<16384xf32, #tpu.memory_space<vmem>>, vector<16xf32>,
        %get3A_217 = vector.shape_cast %get3A_216 : vector<16xf32> to vector<16xf32>
        %mul3A_218 = arith.mulf %get3A_214, %get3A_217 : vector<16xf32>
        %add3A_219 = arith.constant 16 : i32
        %add3A_220 = arith.addi %mul3A_212, %add3A_219 : i32
        %get3A_221 = arith.index_cast %add3A_220 : i32 to index
        %get3A_222 = tpu.vector_load %arg5[%get3A_221] {strides = array<i32>} : memref<16384xf32, #tpu.memory_space<vmem>>, vector<16xf32>,
        %get3A_223 = vector.shape_cast %get3A_222 : vector<16xf32> to vector<16xf32>
        %add3A_224 = arith.constant 16 : i32
        %add3A_225 = arith.addi %mul3A_212, %add3A_224 : i32
        %get3A_226 = arith.index_cast %add3A_225 : i32 to index
        %get3A_227 = tpu.vector_load %arg6[%get3A_226] {strides = array<i32>} : memref<16384xf32, #tpu.memory_space<vmem>>, vector<16xf32>,
        %get3A_228 = vector.shape_cast %get3A_227 : vector<16xf32> to vector<16xf32>
        %mul3A_229 = arith.mulf %get3A_223, %get3A_228 : vector<16xf32>
        %add3A_230 = arith.addf %mul3A_218, %mul3A_229 : vector<16xf32>
        %add3A_231 = arith.constant 32 : i32
        %add3A_232 = arith.addi %mul3A_212, %add3A_231 : i32
        %get3A_233 = arith.index_cast %add3A_232 : i32 to index
        %get3A_234 = tpu.vector_load %arg5[%get3A_233] {strides = array<i32>} : memref<16384xf32, #tpu.memory_space<vmem>>, vector<16xf32>,
        %get3A_235 = vector.shape_cast %get3A_234 : vector<16xf32> to vector<16xf32>
        %add3A_236 = arith.constant 32 : i32
        %add3A_237 = arith.addi %mul3A_212, %add3A_236 : i32
        %get3A_238 = arith.index_cast %add3A_237 : i32 to index
        %get3A_239 = tpu.vector_load %arg6[%get3A_238] {strides = array<i32>} : memref<16384xf32, #tpu.memory_space<vmem>>, vector<16xf32>,
        %get3A_240 = vector.shape_cast %get3A_239 : vector<16xf32> to vector<16xf32>
        %mul3A_241 = arith.mulf %get3A_235, %get3A_240 : vector<16xf32>
        %add3A_242 = arith.constant 48 : i32
        %add3A_243 = arith.addi %mul3A_212, %add3A_242 : i32
        %get3A_244 = arith.index_cast %add3A_243 : i32 to index
        %get3A_245 = tpu.vector_load %arg5[%get3A_244] {strides = array<i32>} : memref<16384xf32, #tpu.memory_space<vmem>>, vector<16xf32>,
        %get3A_246 = vector.shape_cast %get3A_245 : vector<16xf32> to vector<16xf32>
        %add3A_247 = arith.constant 48 : i32
        %add3A_248 = arith.addi %mul3A_212, %add3A_247 : i32
        %get3A_249 = arith.index_cast %add3A_248 : i32 to index
        %get3A_250 = tpu.vector_load %arg6[%get3A_249] {strides = array<i32>} : memref<16384xf32, #tpu.memory_space<vmem>>, vector<16xf32>,
        %get3A_251 = vector.shape_cast %get3A_250 : vector<16xf32> to vector<16xf32>
        %mul3A_252 = arith.mulf %get3A_246, %get3A_251 : vector<16xf32>
        %add3A_253 = arith.addf %mul3A_241, %mul3A_252 : vector<16xf32>
        %add3A_254 = arith.constant 64 : i32
        %add3A_255 = arith.addi %mul3A_212, %add3A_254 : i32
        %get3A_256 = arith.index_cast %add3A_255 : i32 to index
        %get3A_257 = tpu.vector_load %arg5[%get3A_256] {strides = array<i32>} : memref<16384xf32, #tpu.memory_space<vmem>>, vector<16xf32>,
        %get3A_258 = vector.shape_cast %get3A_257 : vector<16xf32> to vector<16xf32>
        %add3A_259 = arith.constant 64 : i32
        %add3A_260 = arith.addi %mul3A_212, %add3A_259 : i32
        %get3A_261 = arith.index_cast %add3A_260 : i32 to index
        %get3A_262 = tpu.vector_load %arg6[%get3A_261] {strides = array<i32>} : memref<16384xf32, #tpu.memory_space<vmem>>, vector<16xf32>,
        %get3A_263 = vector.shape_cast %get3A_262 : vector<16xf32> to vector<16xf32>
        %mul3A_264 = arith.mulf %get3A_258, %get3A_263 : vector<16xf32>
        %add3A_265 = arith.constant 80 : i32
        %add3A_266 = arith.addi %mul3A_212, %add3A_265 : i32
        %get3A_267 = arith.index_cast %add3A_266 : i32 to index
        %get3A_268 = tpu.vector_load %arg5[%get3A_267] {strides = array<i32>} : memref<16384xf32, #tpu.memory_space<vmem>>, vector<16xf32>,
        %get3A_269 = vector.shape_cast %get3A_268 : vector<16xf32> to vector<16xf32>
        %add3A_270 = arith.constant 80 : i32
        %add3A_271 = arith.addi %mul3A_212, %add3A_270 : i32
        %get3A_272 = arith.index_cast %add3A_271 : i32 to index
        %get3A_273 = tpu.vector_load %arg6[%get3A_272] {strides = array<i32>} : memref<16384xf32, #tpu.memory_space<vmem>>, vector<16xf32>,
        %get3A_274 = vector.shape_cast %get3A_273 : vector<16xf32> to vector<16xf32>
        %mul3A_275 = arith.mulf %get3A_269, %get3A_274 : vector<16xf32>
        %add3A_276 = arith.addf %mul3A_264, %mul3A_275 : vector<16xf32>
        %add3A_277 = arith.constant 96 : i32
        %add3A_278 = arith.addi %mul3A_212, %add3A_277 : i32
        %get3A_279 = arith.index_cast %add3A_278 : i32 to index
        %get3A_280 = tpu.vector_load %arg5[%get3A_279] {strides = array<i32>} : memref<16384xf32, #tpu.memory_space<vmem>>, vector<16xf32>,
        %get3A_281 = vector.shape_cast %get3A_280 : vector<16xf32> to vector<16xf32>
        %add3A_282 = arith.constant 96 : i32
        %add3A_283 = arith.addi %mul3A_212, %add3A_282 : i32
        %get3A_284 = arith.index_cast %add3A_283 : i32 to index
        %get3A_285 = tpu.vector_load %arg6[%get3A_284] {strides = array<i32>} : memref<16384xf32, #tpu.memory_space<vmem>>, vector<16xf32>,
        %get3A_286 = vector.shape_cast %get3A_285 : vector<16xf32> to vector<16xf32>
        %mul3A_287 = arith.mulf %get3A_281, %get3A_286 : vector<16xf32>
        %add3A_288 = arith.constant 112 : i32
        %add3A_289 = arith.addi %mul3A_212, %add3A_288 : i32
        %get3A_290 = arith.index_cast %add3A_289 : i32 to index
        %get3A_291 = tpu.vector_load %arg5[%get3A_290] {strides = array<i32>} : memref<16384xf32, #tpu.memory_space<vmem>>, vector<16xf32>,
        %get3A_292 = vector.shape_cast %get3A_291 : vector<16xf32> to vector<16xf32>
        %add3A_293 = arith.constant 112 : i32
        %add3A_294 = arith.addi %mul3A_212, %add3A_293 : i32
        %get3A_295 = arith.index_cast %add3A_294 : i32 to index
        %get3A_296 = tpu.vector_load %arg6[%get3A_295] {strides = array<i32>} : memref<16384xf32, #tpu.memory_space<vmem>>, vector<16xf32>,
        %get3A_297 = vector.shape_cast %get3A_296 : vector<16xf32> to vector<16xf32>
        %mul3A_298 = arith.mulf %get3A_292, %get3A_297 : vector<16xf32>
        %add3A_299 = arith.addf %mul3A_287, %mul3A_298 : vector<16xf32>
        %add3A_300 = arith.addf %add3A_230, %add3A_253 : vector<16xf32>
        %add3A_301 = arith.addf %add3A_276, %add3A_299 : vector<16xf32>
        %add3A_302 = arith.addf %add3A_300, %add3A_301 : vector<16xf32>
        %swap3A = arith.index_cast %scan3A_210 : i32 to index
        %swap3A_303 = arith.constant 0 : index
        %swap3A_304 = tpu.vector_load %arg9[%swap3A, %swap3A_303] {strides = array<i32>} : memref<128x16xf32, #tpu.memory_space<vmem>>, vector<1x16xf32>,
        %swap3A_305 = vector.shape_cast %swap3A_304 : vector<1x16xf32> to vector<16xf32>
        %swap3A_306 = vector.shape_cast %add3A_302 : vector<16xf32> to vector<1x16xf32>
        tpu.vector_store %arg9[%swap3A, %swap3A_303], %swap3A_306 {strides = array<i32>} : memref<128x16xf32, #tpu.memory_space<vmem>>, vector<1x16xf32>,
      }
      %scan3A_207 = arith.constant 128 : i32
      %mul3A_208 = arith.constant 128 : i32
      %mul3A_209 = arith.muli %add3A_153, %mul3A_208 : i32
      "tpu.region"() ({
        %run_scoped3A = tpu.sem_alloc : memref<!tpu.dma_semaphore, #tpu.memory_space<semaphore_mem>>
        %dma_start3A = arith.constant 0 : i32
        %dma_start3A_210 = tpu.memref_slice %arg4[%mul3A_209, %dma_start3A] : memref<56832x16xf32, #tpu.memory_space<hbm>> -> memref<128x16xf32, #tpu.memory_space<hbm>>
        %dma_start3A_211 = arith.constant 0 : i32
        %dma_start3A_212 = tpu.memref_slice %arg4[%mul3A_209, %dma_start3A_211] : memref<56832x16xf32, #tpu.memory_space<hbm>> -> memref<128x16xf32, #tpu.memory_space<hbm>>
        tpu.enqueue_dma source(%arg9 : memref<128x16xf32, #tpu.memory_space<vmem>>) target(%dma_start3A_212 : memref<128x16xf32, #tpu.memory_space<hbm>>) target_semaphore(%run_scoped3A : memref<!tpu.dma_semaphore, #tpu.memory_space<semaphore_mem>>)
        %dma_wait3A_213 = arith.constant 0 : i32
        %dma_wait3A_214 = tpu.memref_slice %arg4[%mul3A_209, %dma_wait3A_213] : memref<56832x16xf32, #tpu.memory_space<hbm>> -> memref<128x16xf32, #tpu.memory_space<hbm>>
        %dma_wait3A_215 = arith.constant 0 : i32
        %dma_wait3A_216 = tpu.memref_slice %arg4[%mul3A_209, %dma_wait3A_215] : memref<56832x16xf32, #tpu.memory_space<hbm>> -> memref<128x16xf32, #tpu.memory_space<hbm>>
        tpu.wait_dma2 semaphore(%run_scoped3A : memref<!tpu.dma_semaphore, #tpu.memory_space<semaphore_mem>>) src(%arg9 : memref<128x16xf32, #tpu.memory_space<vmem>>) dst(%dma_wait3A_216 : memref<128x16xf32, #tpu.memory_space<hbm>>)
        tpu.yield
      }) : () -> ()
    } else {
    }
    %add3A_159 = arith.constant 384 : i32
    %add3A_160 = arith.addi %add3A, %add3A_159 : i32
    %lt3A_161 = arith.constant 444 : i32
    %lt3A_162 = arith.cmpi slt, %add3A_160, %lt3A_161 : i32
    %convert_element_type3A_163 = arith.extui %lt3A_162 : i1 to i32
    %cond3A_164 = arith.constant 0 : i32
    %cond3A_165 = arith.cmpi ne, %convert_element_type3A_163, %cond3A_164 : i32
    scf.if %cond3A_165 {
      %mul3A_194 = arith.constant 128 : i32
      %mul3A_195 = arith.muli %add3A_160, %mul3A_194 : i32
      %add3A_196 = arith.constant 179968 : i32
      %add3A_197 = arith.addi %add3A_196, %mul3A_195 : i32
      %mul3A_198 = arith.constant 128 : i32
      %mul3A_199 = arith.muli %add3A_197, %mul3A_198 : i32
      %dma_start3A = tpu.memref_slice %arg2[%mul3A_199] : memref<30310400xf32, #tpu.memory_space<hbm>> -> memref<16384xf32, #tpu.memory_space<hbm>>
      %dma_start3A_200 = tpu.memref_slice %arg2[%mul3A_199] : memref<30310400xf32, #tpu.memory_space<hbm>> -> memref<16384xf32, #tpu.memory_space<hbm>>
      tpu.enqueue_dma source(%dma_start3A_200 : memref<16384xf32, #tpu.memory_space<hbm>>) target(%arg5 : memref<16384xf32, #tpu.memory_space<vmem>>) target_semaphore(%arg10 : memref<!tpu.dma_semaphore, #tpu.memory_space<semaphore_mem>>)
      %dma_start3A_201 = tpu.memref_slice %arg3[%mul3A_199] : memref<30310400xf32, #tpu.memory_space<hbm>> -> memref<16384xf32, #tpu.memory_space<hbm>>
      %dma_start3A_202 = tpu.memref_slice %arg3[%mul3A_199] : memref<30310400xf32, #tpu.memory_space<hbm>> -> memref<16384xf32, #tpu.memory_space<hbm>>
      tpu.enqueue_dma source(%dma_start3A_202 : memref<16384xf32, #tpu.memory_space<hbm>>) target(%arg6 : memref<16384xf32, #tpu.memory_space<vmem>>) target_semaphore(%arg10 : memref<!tpu.dma_semaphore, #tpu.memory_space<semaphore_mem>>)
    } else {
    }
    %add3A_166 = arith.constant 352 : i32
    %add3A_167 = arith.addi %add3A, %add3A_166 : i32
    %lt3A_168 = arith.constant 444 : i32
    %lt3A_169 = arith.cmpi slt, %add3A_167, %lt3A_168 : i32
    %convert_element_type3A_170 = arith.extui %lt3A_169 : i1 to i32
    %cond3A_171 = arith.constant 0 : i32
    %cond3A_172 = arith.cmpi ne, %convert_element_type3A_170, %cond3A_171 : i32
    scf.if %cond3A_172 {
      %mul3A_194 = arith.constant 128 : i32
      %mul3A_195 = arith.muli %add3A_167, %mul3A_194 : i32
      %add3A_196 = arith.constant 179968 : i32
      %add3A_197 = arith.addi %add3A_196, %mul3A_195 : i32
      %mul3A_198 = arith.constant 128 : i32
      %mul3A_199 = arith.muli %add3A_197, %mul3A_198 : i32
      %dma_wait3A = tpu.memref_slice %arg2[%mul3A_199] : memref<30310400xf32, #tpu.memory_space<hbm>> -> memref<16384xf32, #tpu.memory_space<hbm>>
      %dma_wait3A_200 = tpu.memref_slice %arg2[%mul3A_199] : memref<30310400xf32, #tpu.memory_space<hbm>> -> memref<16384xf32, #tpu.memory_space<hbm>>
      tpu.wait_dma2 semaphore(%arg11 : memref<!tpu.dma_semaphore, #tpu.memory_space<semaphore_mem>>) src(%dma_wait3A_200 : memref<16384xf32, #tpu.memory_space<hbm>>) dst(%arg7 : memref<16384xf32, #tpu.memory_space<vmem>>)
      %dma_wait3A_201 = tpu.memref_slice %arg3[%mul3A_199] : memref<30310400xf32, #tpu.memory_space<hbm>> -> memref<16384xf32, #tpu.memory_space<hbm>>
      %dma_wait3A_202 = tpu.memref_slice %arg3[%mul3A_199] : memref<30310400xf32, #tpu.memory_space<hbm>> -> memref<16384xf32, #tpu.memory_space<hbm>>
      tpu.wait_dma2 semaphore(%arg11 : memref<!tpu.dma_semaphore, #tpu.memory_space<semaphore_mem>>) src(%dma_wait3A_202 : memref<16384xf32, #tpu.memory_space<hbm>>) dst(%arg8 : memref<16384xf32, #tpu.memory_space<vmem>>)
      %scan3A = arith.constant 0 : i32
      %scan3A_203 = arith.constant 0 : i32
      %scan3A_204 = arith.constant 128 : i32
      %scan3A_205 = arith.addi %scan3A_203, %scan3A_204 : i32
      %scan3A_206 = arith.constant 1 : i32
      scf.for %scan3A_210 = %scan3A_203 to %scan3A_205 step %scan3A_206  : i32 {
        %mul3A_211 = arith.constant 128 : i32
        %mul3A_212 = arith.muli %scan3A_210, %mul3A_211 : i32
        %get3A = arith.index_cast %mul3A_212 : i32 to index
        %get3A_213 = tpu.vector_load %arg7[%get3A] {strides = array<i32>} : memref<16384xf32, #tpu.memory_space<vmem>>, vector<16xf32>,
        %get3A_214 = vector.shape_cast %get3A_213 : vector<16xf32> to vector<16xf32>
        %get3A_215 = arith.index_cast %mul3A_212 : i32 to index
        %get3A_216 = tpu.vector_load %arg8[%get3A_215] {strides = array<i32>} : memref<16384xf32, #tpu.memory_space<vmem>>, vector<16xf32>,
        %get3A_217 = vector.shape_cast %get3A_216 : vector<16xf32> to vector<16xf32>
        %mul3A_218 = arith.mulf %get3A_214, %get3A_217 : vector<16xf32>
        %add3A_219 = arith.constant 16 : i32
        %add3A_220 = arith.addi %mul3A_212, %add3A_219 : i32
        %get3A_221 = arith.index_cast %add3A_220 : i32 to index
        %get3A_222 = tpu.vector_load %arg7[%get3A_221] {strides = array<i32>} : memref<16384xf32, #tpu.memory_space<vmem>>, vector<16xf32>,
        %get3A_223 = vector.shape_cast %get3A_222 : vector<16xf32> to vector<16xf32>
        %add3A_224 = arith.constant 16 : i32
        %add3A_225 = arith.addi %mul3A_212, %add3A_224 : i32
        %get3A_226 = arith.index_cast %add3A_225 : i32 to index
        %get3A_227 = tpu.vector_load %arg8[%get3A_226] {strides = array<i32>} : memref<16384xf32, #tpu.memory_space<vmem>>, vector<16xf32>,
        %get3A_228 = vector.shape_cast %get3A_227 : vector<16xf32> to vector<16xf32>
        %mul3A_229 = arith.mulf %get3A_223, %get3A_228 : vector<16xf32>
        %add3A_230 = arith.addf %mul3A_218, %mul3A_229 : vector<16xf32>
        %add3A_231 = arith.constant 32 : i32
        %add3A_232 = arith.addi %mul3A_212, %add3A_231 : i32
        %get3A_233 = arith.index_cast %add3A_232 : i32 to index
        %get3A_234 = tpu.vector_load %arg7[%get3A_233] {strides = array<i32>} : memref<16384xf32, #tpu.memory_space<vmem>>, vector<16xf32>,
        %get3A_235 = vector.shape_cast %get3A_234 : vector<16xf32> to vector<16xf32>
        %add3A_236 = arith.constant 32 : i32
        %add3A_237 = arith.addi %mul3A_212, %add3A_236 : i32
        %get3A_238 = arith.index_cast %add3A_237 : i32 to index
        %get3A_239 = tpu.vector_load %arg8[%get3A_238] {strides = array<i32>} : memref<16384xf32, #tpu.memory_space<vmem>>, vector<16xf32>,
        %get3A_240 = vector.shape_cast %get3A_239 : vector<16xf32> to vector<16xf32>
        %mul3A_241 = arith.mulf %get3A_235, %get3A_240 : vector<16xf32>
        %add3A_242 = arith.constant 48 : i32
        %add3A_243 = arith.addi %mul3A_212, %add3A_242 : i32
        %get3A_244 = arith.index_cast %add3A_243 : i32 to index
        %get3A_245 = tpu.vector_load %arg7[%get3A_244] {strides = array<i32>} : memref<16384xf32, #tpu.memory_space<vmem>>, vector<16xf32>,
        %get3A_246 = vector.shape_cast %get3A_245 : vector<16xf32> to vector<16xf32>
        %add3A_247 = arith.constant 48 : i32
        %add3A_248 = arith.addi %mul3A_212, %add3A_247 : i32
        %get3A_249 = arith.index_cast %add3A_248 : i32 to index
        %get3A_250 = tpu.vector_load %arg8[%get3A_249] {strides = array<i32>} : memref<16384xf32, #tpu.memory_space<vmem>>, vector<16xf32>,
        %get3A_251 = vector.shape_cast %get3A_250 : vector<16xf32> to vector<16xf32>
        %mul3A_252 = arith.mulf %get3A_246, %get3A_251 : vector<16xf32>
        %add3A_253 = arith.addf %mul3A_241, %mul3A_252 : vector<16xf32>
        %add3A_254 = arith.constant 64 : i32
        %add3A_255 = arith.addi %mul3A_212, %add3A_254 : i32
        %get3A_256 = arith.index_cast %add3A_255 : i32 to index
        %get3A_257 = tpu.vector_load %arg7[%get3A_256] {strides = array<i32>} : memref<16384xf32, #tpu.memory_space<vmem>>, vector<16xf32>,
        %get3A_258 = vector.shape_cast %get3A_257 : vector<16xf32> to vector<16xf32>
        %add3A_259 = arith.constant 64 : i32
        %add3A_260 = arith.addi %mul3A_212, %add3A_259 : i32
        %get3A_261 = arith.index_cast %add3A_260 : i32 to index
        %get3A_262 = tpu.vector_load %arg8[%get3A_261] {strides = array<i32>} : memref<16384xf32, #tpu.memory_space<vmem>>, vector<16xf32>,
        %get3A_263 = vector.shape_cast %get3A_262 : vector<16xf32> to vector<16xf32>
        %mul3A_264 = arith.mulf %get3A_258, %get3A_263 : vector<16xf32>
        %add3A_265 = arith.constant 80 : i32
        %add3A_266 = arith.addi %mul3A_212, %add3A_265 : i32
        %get3A_267 = arith.index_cast %add3A_266 : i32 to index
        %get3A_268 = tpu.vector_load %arg7[%get3A_267] {strides = array<i32>} : memref<16384xf32, #tpu.memory_space<vmem>>, vector<16xf32>,
        %get3A_269 = vector.shape_cast %get3A_268 : vector<16xf32> to vector<16xf32>
        %add3A_270 = arith.constant 80 : i32
        %add3A_271 = arith.addi %mul3A_212, %add3A_270 : i32
        %get3A_272 = arith.index_cast %add3A_271 : i32 to index
        %get3A_273 = tpu.vector_load %arg8[%get3A_272] {strides = array<i32>} : memref<16384xf32, #tpu.memory_space<vmem>>, vector<16xf32>,
        %get3A_274 = vector.shape_cast %get3A_273 : vector<16xf32> to vector<16xf32>
        %mul3A_275 = arith.mulf %get3A_269, %get3A_274 : vector<16xf32>
        %add3A_276 = arith.addf %mul3A_264, %mul3A_275 : vector<16xf32>
        %add3A_277 = arith.constant 96 : i32
        %add3A_278 = arith.addi %mul3A_212, %add3A_277 : i32
        %get3A_279 = arith.index_cast %add3A_278 : i32 to index
        %get3A_280 = tpu.vector_load %arg7[%get3A_279] {strides = array<i32>} : memref<16384xf32, #tpu.memory_space<vmem>>, vector<16xf32>,
        %get3A_281 = vector.shape_cast %get3A_280 : vector<16xf32> to vector<16xf32>
        %add3A_282 = arith.constant 96 : i32
        %add3A_283 = arith.addi %mul3A_212, %add3A_282 : i32
        %get3A_284 = arith.index_cast %add3A_283 : i32 to index
        %get3A_285 = tpu.vector_load %arg8[%get3A_284] {strides = array<i32>} : memref<16384xf32, #tpu.memory_space<vmem>>, vector<16xf32>,
        %get3A_286 = vector.shape_cast %get3A_285 : vector<16xf32> to vector<16xf32>
        %mul3A_287 = arith.mulf %get3A_281, %get3A_286 : vector<16xf32>
        %add3A_288 = arith.constant 112 : i32
        %add3A_289 = arith.addi %mul3A_212, %add3A_288 : i32
        %get3A_290 = arith.index_cast %add3A_289 : i32 to index
        %get3A_291 = tpu.vector_load %arg7[%get3A_290] {strides = array<i32>} : memref<16384xf32, #tpu.memory_space<vmem>>, vector<16xf32>,
        %get3A_292 = vector.shape_cast %get3A_291 : vector<16xf32> to vector<16xf32>
        %add3A_293 = arith.constant 112 : i32
        %add3A_294 = arith.addi %mul3A_212, %add3A_293 : i32
        %get3A_295 = arith.index_cast %add3A_294 : i32 to index
        %get3A_296 = tpu.vector_load %arg8[%get3A_295] {strides = array<i32>} : memref<16384xf32, #tpu.memory_space<vmem>>, vector<16xf32>,
        %get3A_297 = vector.shape_cast %get3A_296 : vector<16xf32> to vector<16xf32>
        %mul3A_298 = arith.mulf %get3A_292, %get3A_297 : vector<16xf32>
        %add3A_299 = arith.addf %mul3A_287, %mul3A_298 : vector<16xf32>
        %add3A_300 = arith.addf %add3A_230, %add3A_253 : vector<16xf32>
        %add3A_301 = arith.addf %add3A_276, %add3A_299 : vector<16xf32>
        %add3A_302 = arith.addf %add3A_300, %add3A_301 : vector<16xf32>
        %swap3A = arith.index_cast %scan3A_210 : i32 to index
        %swap3A_303 = arith.constant 0 : index
        %swap3A_304 = tpu.vector_load %arg9[%swap3A, %swap3A_303] {strides = array<i32>} : memref<128x16xf32, #tpu.memory_space<vmem>>, vector<1x16xf32>,
        %swap3A_305 = vector.shape_cast %swap3A_304 : vector<1x16xf32> to vector<16xf32>
        %swap3A_306 = vector.shape_cast %add3A_302 : vector<16xf32> to vector<1x16xf32>
        tpu.vector_store %arg9[%swap3A, %swap3A_303], %swap3A_306 {strides = array<i32>} : memref<128x16xf32, #tpu.memory_space<vmem>>, vector<1x16xf32>,
      }
      %scan3A_207 = arith.constant 128 : i32
      %mul3A_208 = arith.constant 128 : i32
      %mul3A_209 = arith.muli %add3A_167, %mul3A_208 : i32
      "tpu.region"() ({
        %run_scoped3A = tpu.sem_alloc : memref<!tpu.dma_semaphore, #tpu.memory_space<semaphore_mem>>
        %dma_start3A = arith.constant 0 : i32
        %dma_start3A_210 = tpu.memref_slice %arg4[%mul3A_209, %dma_start3A] : memref<56832x16xf32, #tpu.memory_space<hbm>> -> memref<128x16xf32, #tpu.memory_space<hbm>>
        %dma_start3A_211 = arith.constant 0 : i32
        %dma_start3A_212 = tpu.memref_slice %arg4[%mul3A_209, %dma_start3A_211] : memref<56832x16xf32, #tpu.memory_space<hbm>> -> memref<128x16xf32, #tpu.memory_space<hbm>>
        tpu.enqueue_dma source(%arg9 : memref<128x16xf32, #tpu.memory_space<vmem>>) target(%dma_start3A_212 : memref<128x16xf32, #tpu.memory_space<hbm>>) target_semaphore(%run_scoped3A : memref<!tpu.dma_semaphore, #tpu.memory_space<semaphore_mem>>)
        %dma_wait3A_213 = arith.constant 0 : i32
        %dma_wait3A_214 = tpu.memref_slice %arg4[%mul3A_209, %dma_wait3A_213] : memref<56832x16xf32, #tpu.memory_space<hbm>> -> memref<128x16xf32, #tpu.memory_space<hbm>>
        %dma_wait3A_215 = arith.constant 0 : i32
        %dma_wait3A_216 = tpu.memref_slice %arg4[%mul3A_209, %dma_wait3A_215] : memref<56832x16xf32, #tpu.memory_space<hbm>> -> memref<128x16xf32, #tpu.memory_space<hbm>>
        tpu.wait_dma2 semaphore(%run_scoped3A : memref<!tpu.dma_semaphore, #tpu.memory_space<semaphore_mem>>) src(%arg9 : memref<128x16xf32, #tpu.memory_space<vmem>>) dst(%dma_wait3A_216 : memref<128x16xf32, #tpu.memory_space<hbm>>)
        tpu.yield
      }) : () -> ()
    } else {
    }
    %add3A_173 = arith.constant 416 : i32
    %add3A_174 = arith.addi %add3A, %add3A_173 : i32
    %lt3A_175 = arith.constant 444 : i32
    %lt3A_176 = arith.cmpi slt, %add3A_174, %lt3A_175 : i32
    %convert_element_type3A_177 = arith.extui %lt3A_176 : i1 to i32
    %cond3A_178 = arith.constant 0 : i32
    %cond3A_179 = arith.cmpi ne, %convert_element_type3A_177, %cond3A_178 : i32
    scf.if %cond3A_179 {
      %mul3A_194 = arith.constant 128 : i32
      %mul3A_195 = arith.muli %add3A_174, %mul3A_194 : i32
      %add3A_196 = arith.constant 179968 : i32
      %add3A_197 = arith.addi %add3A_196, %mul3A_195 : i32
      %mul3A_198 = arith.constant 128 : i32
      %mul3A_199 = arith.muli %add3A_197, %mul3A_198 : i32
      %dma_start3A = tpu.memref_slice %arg2[%mul3A_199] : memref<30310400xf32, #tpu.memory_space<hbm>> -> memref<16384xf32, #tpu.memory_space<hbm>>
      %dma_start3A_200 = tpu.memref_slice %arg2[%mul3A_199] : memref<30310400xf32, #tpu.memory_space<hbm>> -> memref<16384xf32, #tpu.memory_space<hbm>>
      tpu.enqueue_dma source(%dma_start3A_200 : memref<16384xf32, #tpu.memory_space<hbm>>) target(%arg7 : memref<16384xf32, #tpu.memory_space<vmem>>) target_semaphore(%arg11 : memref<!tpu.dma_semaphore, #tpu.memory_space<semaphore_mem>>)
      %dma_start3A_201 = tpu.memref_slice %arg3[%mul3A_199] : memref<30310400xf32, #tpu.memory_space<hbm>> -> memref<16384xf32, #tpu.memory_space<hbm>>
      %dma_start3A_202 = tpu.memref_slice %arg3[%mul3A_199] : memref<30310400xf32, #tpu.memory_space<hbm>> -> memref<16384xf32, #tpu.memory_space<hbm>>
      tpu.enqueue_dma source(%dma_start3A_202 : memref<16384xf32, #tpu.memory_space<hbm>>) target(%arg8 : memref<16384xf32, #tpu.memory_space<vmem>>) target_semaphore(%arg11 : memref<!tpu.dma_semaphore, #tpu.memory_space<semaphore_mem>>)
    } else {
    }
    %add3A_180 = arith.constant 384 : i32
    %add3A_181 = arith.addi %add3A, %add3A_180 : i32
    %lt3A_182 = arith.constant 444 : i32
    %lt3A_183 = arith.cmpi slt, %add3A_181, %lt3A_182 : i32
    %convert_element_type3A_184 = arith.extui %lt3A_183 : i1 to i32
    %cond3A_185 = arith.constant 0 : i32
    %cond3A_186 = arith.cmpi ne, %convert_element_type3A_184, %cond3A_185 : i32
    scf.if %cond3A_186 {
      %mul3A_194 = arith.constant 128 : i32
      %mul3A_195 = arith.muli %add3A_181, %mul3A_194 : i32
      %add3A_196 = arith.constant 179968 : i32
      %add3A_197 = arith.addi %add3A_196, %mul3A_195 : i32
      %mul3A_198 = arith.constant 128 : i32
      %mul3A_199 = arith.muli %add3A_197, %mul3A_198 : i32
      %dma_wait3A = tpu.memref_slice %arg2[%mul3A_199] : memref<30310400xf32, #tpu.memory_space<hbm>> -> memref<16384xf32, #tpu.memory_space<hbm>>
      %dma_wait3A_200 = tpu.memref_slice %arg2[%mul3A_199] : memref<30310400xf32, #tpu.memory_space<hbm>> -> memref<16384xf32, #tpu.memory_space<hbm>>
      tpu.wait_dma2 semaphore(%arg10 : memref<!tpu.dma_semaphore, #tpu.memory_space<semaphore_mem>>) src(%dma_wait3A_200 : memref<16384xf32, #tpu.memory_space<hbm>>) dst(%arg5 : memref<16384xf32, #tpu.memory_space<vmem>>)
      %dma_wait3A_201 = tpu.memref_slice %arg3[%mul3A_199] : memref<30310400xf32, #tpu.memory_space<hbm>> -> memref<16384xf32, #tpu.memory_space<hbm>>
      %dma_wait3A_202 = tpu.memref_slice %arg3[%mul3A_199] : memref<30310400xf32, #tpu.memory_space<hbm>> -> memref<16384xf32, #tpu.memory_space<hbm>>
      tpu.wait_dma2 semaphore(%arg10 : memref<!tpu.dma_semaphore, #tpu.memory_space<semaphore_mem>>) src(%dma_wait3A_202 : memref<16384xf32, #tpu.memory_space<hbm>>) dst(%arg6 : memref<16384xf32, #tpu.memory_space<vmem>>)
      %scan3A = arith.constant 0 : i32
      %scan3A_203 = arith.constant 0 : i32
      %scan3A_204 = arith.constant 128 : i32
      %scan3A_205 = arith.addi %scan3A_203, %scan3A_204 : i32
      %scan3A_206 = arith.constant 1 : i32
      scf.for %scan3A_210 = %scan3A_203 to %scan3A_205 step %scan3A_206  : i32 {
        %mul3A_211 = arith.constant 128 : i32
        %mul3A_212 = arith.muli %scan3A_210, %mul3A_211 : i32
        %get3A = arith.index_cast %mul3A_212 : i32 to index
        %get3A_213 = tpu.vector_load %arg5[%get3A] {strides = array<i32>} : memref<16384xf32, #tpu.memory_space<vmem>>, vector<16xf32>,
        %get3A_214 = vector.shape_cast %get3A_213 : vector<16xf32> to vector<16xf32>
        %get3A_215 = arith.index_cast %mul3A_212 : i32 to index
        %get3A_216 = tpu.vector_load %arg6[%get3A_215] {strides = array<i32>} : memref<16384xf32, #tpu.memory_space<vmem>>, vector<16xf32>,
        %get3A_217 = vector.shape_cast %get3A_216 : vector<16xf32> to vector<16xf32>
        %mul3A_218 = arith.mulf %get3A_214, %get3A_217 : vector<16xf32>
        %add3A_219 = arith.constant 16 : i32
        %add3A_220 = arith.addi %mul3A_212, %add3A_219 : i32
        %get3A_221 = arith.index_cast %add3A_220 : i32 to index
        %get3A_222 = tpu.vector_load %arg5[%get3A_221] {strides = array<i32>} : memref<16384xf32, #tpu.memory_space<vmem>>, vector<16xf32>,
        %get3A_223 = vector.shape_cast %get3A_222 : vector<16xf32> to vector<16xf32>
        %add3A_224 = arith.constant 16 : i32
        %add3A_225 = arith.addi %mul3A_212, %add3A_224 : i32
        %get3A_226 = arith.index_cast %add3A_225 : i32 to index
        %get3A_227 = tpu.vector_load %arg6[%get3A_226] {strides = array<i32>} : memref<16384xf32, #tpu.memory_space<vmem>>, vector<16xf32>,
        %get3A_228 = vector.shape_cast %get3A_227 : vector<16xf32> to vector<16xf32>
        %mul3A_229 = arith.mulf %get3A_223, %get3A_228 : vector<16xf32>
        %add3A_230 = arith.addf %mul3A_218, %mul3A_229 : vector<16xf32>
        %add3A_231 = arith.constant 32 : i32
        %add3A_232 = arith.addi %mul3A_212, %add3A_231 : i32
        %get3A_233 = arith.index_cast %add3A_232 : i32 to index
        %get3A_234 = tpu.vector_load %arg5[%get3A_233] {strides = array<i32>} : memref<16384xf32, #tpu.memory_space<vmem>>, vector<16xf32>,
        %get3A_235 = vector.shape_cast %get3A_234 : vector<16xf32> to vector<16xf32>
        %add3A_236 = arith.constant 32 : i32
        %add3A_237 = arith.addi %mul3A_212, %add3A_236 : i32
        %get3A_238 = arith.index_cast %add3A_237 : i32 to index
        %get3A_239 = tpu.vector_load %arg6[%get3A_238] {strides = array<i32>} : memref<16384xf32, #tpu.memory_space<vmem>>, vector<16xf32>,
        %get3A_240 = vector.shape_cast %get3A_239 : vector<16xf32> to vector<16xf32>
        %mul3A_241 = arith.mulf %get3A_235, %get3A_240 : vector<16xf32>
        %add3A_242 = arith.constant 48 : i32
        %add3A_243 = arith.addi %mul3A_212, %add3A_242 : i32
        %get3A_244 = arith.index_cast %add3A_243 : i32 to index
        %get3A_245 = tpu.vector_load %arg5[%get3A_244] {strides = array<i32>} : memref<16384xf32, #tpu.memory_space<vmem>>, vector<16xf32>,
        %get3A_246 = vector.shape_cast %get3A_245 : vector<16xf32> to vector<16xf32>
        %add3A_247 = arith.constant 48 : i32
        %add3A_248 = arith.addi %mul3A_212, %add3A_247 : i32
        %get3A_249 = arith.index_cast %add3A_248 : i32 to index
        %get3A_250 = tpu.vector_load %arg6[%get3A_249] {strides = array<i32>} : memref<16384xf32, #tpu.memory_space<vmem>>, vector<16xf32>,
        %get3A_251 = vector.shape_cast %get3A_250 : vector<16xf32> to vector<16xf32>
        %mul3A_252 = arith.mulf %get3A_246, %get3A_251 : vector<16xf32>
        %add3A_253 = arith.addf %mul3A_241, %mul3A_252 : vector<16xf32>
        %add3A_254 = arith.constant 64 : i32
        %add3A_255 = arith.addi %mul3A_212, %add3A_254 : i32
        %get3A_256 = arith.index_cast %add3A_255 : i32 to index
        %get3A_257 = tpu.vector_load %arg5[%get3A_256] {strides = array<i32>} : memref<16384xf32, #tpu.memory_space<vmem>>, vector<16xf32>,
        %get3A_258 = vector.shape_cast %get3A_257 : vector<16xf32> to vector<16xf32>
        %add3A_259 = arith.constant 64 : i32
        %add3A_260 = arith.addi %mul3A_212, %add3A_259 : i32
        %get3A_261 = arith.index_cast %add3A_260 : i32 to index
        %get3A_262 = tpu.vector_load %arg6[%get3A_261] {strides = array<i32>} : memref<16384xf32, #tpu.memory_space<vmem>>, vector<16xf32>,
        %get3A_263 = vector.shape_cast %get3A_262 : vector<16xf32> to vector<16xf32>
        %mul3A_264 = arith.mulf %get3A_258, %get3A_263 : vector<16xf32>
        %add3A_265 = arith.constant 80 : i32
        %add3A_266 = arith.addi %mul3A_212, %add3A_265 : i32
        %get3A_267 = arith.index_cast %add3A_266 : i32 to index
        %get3A_268 = tpu.vector_load %arg5[%get3A_267] {strides = array<i32>} : memref<16384xf32, #tpu.memory_space<vmem>>, vector<16xf32>,
        %get3A_269 = vector.shape_cast %get3A_268 : vector<16xf32> to vector<16xf32>
        %add3A_270 = arith.constant 80 : i32
        %add3A_271 = arith.addi %mul3A_212, %add3A_270 : i32
        %get3A_272 = arith.index_cast %add3A_271 : i32 to index
        %get3A_273 = tpu.vector_load %arg6[%get3A_272] {strides = array<i32>} : memref<16384xf32, #tpu.memory_space<vmem>>, vector<16xf32>,
        %get3A_274 = vector.shape_cast %get3A_273 : vector<16xf32> to vector<16xf32>
        %mul3A_275 = arith.mulf %get3A_269, %get3A_274 : vector<16xf32>
        %add3A_276 = arith.addf %mul3A_264, %mul3A_275 : vector<16xf32>
        %add3A_277 = arith.constant 96 : i32
        %add3A_278 = arith.addi %mul3A_212, %add3A_277 : i32
        %get3A_279 = arith.index_cast %add3A_278 : i32 to index
        %get3A_280 = tpu.vector_load %arg5[%get3A_279] {strides = array<i32>} : memref<16384xf32, #tpu.memory_space<vmem>>, vector<16xf32>,
        %get3A_281 = vector.shape_cast %get3A_280 : vector<16xf32> to vector<16xf32>
        %add3A_282 = arith.constant 96 : i32
        %add3A_283 = arith.addi %mul3A_212, %add3A_282 : i32
        %get3A_284 = arith.index_cast %add3A_283 : i32 to index
        %get3A_285 = tpu.vector_load %arg6[%get3A_284] {strides = array<i32>} : memref<16384xf32, #tpu.memory_space<vmem>>, vector<16xf32>,
        %get3A_286 = vector.shape_cast %get3A_285 : vector<16xf32> to vector<16xf32>
        %mul3A_287 = arith.mulf %get3A_281, %get3A_286 : vector<16xf32>
        %add3A_288 = arith.constant 112 : i32
        %add3A_289 = arith.addi %mul3A_212, %add3A_288 : i32
        %get3A_290 = arith.index_cast %add3A_289 : i32 to index
        %get3A_291 = tpu.vector_load %arg5[%get3A_290] {strides = array<i32>} : memref<16384xf32, #tpu.memory_space<vmem>>, vector<16xf32>,
        %get3A_292 = vector.shape_cast %get3A_291 : vector<16xf32> to vector<16xf32>
        %add3A_293 = arith.constant 112 : i32
        %add3A_294 = arith.addi %mul3A_212, %add3A_293 : i32
        %get3A_295 = arith.index_cast %add3A_294 : i32 to index
        %get3A_296 = tpu.vector_load %arg6[%get3A_295] {strides = array<i32>} : memref<16384xf32, #tpu.memory_space<vmem>>, vector<16xf32>,
        %get3A_297 = vector.shape_cast %get3A_296 : vector<16xf32> to vector<16xf32>
        %mul3A_298 = arith.mulf %get3A_292, %get3A_297 : vector<16xf32>
        %add3A_299 = arith.addf %mul3A_287, %mul3A_298 : vector<16xf32>
        %add3A_300 = arith.addf %add3A_230, %add3A_253 : vector<16xf32>
        %add3A_301 = arith.addf %add3A_276, %add3A_299 : vector<16xf32>
        %add3A_302 = arith.addf %add3A_300, %add3A_301 : vector<16xf32>
        %swap3A = arith.index_cast %scan3A_210 : i32 to index
        %swap3A_303 = arith.constant 0 : index
        %swap3A_304 = tpu.vector_load %arg9[%swap3A, %swap3A_303] {strides = array<i32>} : memref<128x16xf32, #tpu.memory_space<vmem>>, vector<1x16xf32>,
        %swap3A_305 = vector.shape_cast %swap3A_304 : vector<1x16xf32> to vector<16xf32>
        %swap3A_306 = vector.shape_cast %add3A_302 : vector<16xf32> to vector<1x16xf32>
        tpu.vector_store %arg9[%swap3A, %swap3A_303], %swap3A_306 {strides = array<i32>} : memref<128x16xf32, #tpu.memory_space<vmem>>, vector<1x16xf32>,
      }
      %scan3A_207 = arith.constant 128 : i32
      %mul3A_208 = arith.constant 128 : i32
      %mul3A_209 = arith.muli %add3A_181, %mul3A_208 : i32
      "tpu.region"() ({
        %run_scoped3A = tpu.sem_alloc : memref<!tpu.dma_semaphore, #tpu.memory_space<semaphore_mem>>
        %dma_start3A = arith.constant 0 : i32
        %dma_start3A_210 = tpu.memref_slice %arg4[%mul3A_209, %dma_start3A] : memref<56832x16xf32, #tpu.memory_space<hbm>> -> memref<128x16xf32, #tpu.memory_space<hbm>>
        %dma_start3A_211 = arith.constant 0 : i32
        %dma_start3A_212 = tpu.memref_slice %arg4[%mul3A_209, %dma_start3A_211] : memref<56832x16xf32, #tpu.memory_space<hbm>> -> memref<128x16xf32, #tpu.memory_space<hbm>>
        tpu.enqueue_dma source(%arg9 : memref<128x16xf32, #tpu.memory_space<vmem>>) target(%dma_start3A_212 : memref<128x16xf32, #tpu.memory_space<hbm>>) target_semaphore(%run_scoped3A : memref<!tpu.dma_semaphore, #tpu.memory_space<semaphore_mem>>)
        %dma_wait3A_213 = arith.constant 0 : i32
        %dma_wait3A_214 = tpu.memref_slice %arg4[%mul3A_209, %dma_wait3A_213] : memref<56832x16xf32, #tpu.memory_space<hbm>> -> memref<128x16xf32, #tpu.memory_space<hbm>>
        %dma_wait3A_215 = arith.constant 0 : i32
        %dma_wait3A_216 = tpu.memref_slice %arg4[%mul3A_209, %dma_wait3A_215] : memref<56832x16xf32, #tpu.memory_space<hbm>> -> memref<128x16xf32, #tpu.memory_space<hbm>>
        tpu.wait_dma2 semaphore(%run_scoped3A : memref<!tpu.dma_semaphore, #tpu.memory_space<semaphore_mem>>) src(%arg9 : memref<128x16xf32, #tpu.memory_space<vmem>>) dst(%dma_wait3A_216 : memref<128x16xf32, #tpu.memory_space<hbm>>)
        tpu.yield
      }) : () -> ()
    } else {
    }
    %add3A_187 = arith.constant 416 : i32
    %add3A_188 = arith.addi %add3A, %add3A_187 : i32
    %lt3A_189 = arith.constant 444 : i32
    %lt3A_190 = arith.cmpi slt, %add3A_188, %lt3A_189 : i32
    %convert_element_type3A_191 = arith.extui %lt3A_190 : i1 to i32
    %cond3A_192 = arith.constant 0 : i32
    %cond3A_193 = arith.cmpi ne, %convert_element_type3A_191, %cond3A_192 : i32
    scf.if %cond3A_193 {
      %mul3A_194 = arith.constant 128 : i32
      %mul3A_195 = arith.muli %add3A_188, %mul3A_194 : i32
      %add3A_196 = arith.constant 179968 : i32
      %add3A_197 = arith.addi %add3A_196, %mul3A_195 : i32
      %mul3A_198 = arith.constant 128 : i32
      %mul3A_199 = arith.muli %add3A_197, %mul3A_198 : i32
      %dma_wait3A = tpu.memref_slice %arg2[%mul3A_199] : memref<30310400xf32, #tpu.memory_space<hbm>> -> memref<16384xf32, #tpu.memory_space<hbm>>
      %dma_wait3A_200 = tpu.memref_slice %arg2[%mul3A_199] : memref<30310400xf32, #tpu.memory_space<hbm>> -> memref<16384xf32, #tpu.memory_space<hbm>>
      tpu.wait_dma2 semaphore(%arg11 : memref<!tpu.dma_semaphore, #tpu.memory_space<semaphore_mem>>) src(%dma_wait3A_200 : memref<16384xf32, #tpu.memory_space<hbm>>) dst(%arg7 : memref<16384xf32, #tpu.memory_space<vmem>>)
      %dma_wait3A_201 = tpu.memref_slice %arg3[%mul3A_199] : memref<30310400xf32, #tpu.memory_space<hbm>> -> memref<16384xf32, #tpu.memory_space<hbm>>
      %dma_wait3A_202 = tpu.memref_slice %arg3[%mul3A_199] : memref<30310400xf32, #tpu.memory_space<hbm>> -> memref<16384xf32, #tpu.memory_space<hbm>>
      tpu.wait_dma2 semaphore(%arg11 : memref<!tpu.dma_semaphore, #tpu.memory_space<semaphore_mem>>) src(%dma_wait3A_202 : memref<16384xf32, #tpu.memory_space<hbm>>) dst(%arg8 : memref<16384xf32, #tpu.memory_space<vmem>>)
      %scan3A = arith.constant 0 : i32
      %scan3A_203 = arith.constant 0 : i32
      %scan3A_204 = arith.constant 128 : i32
      %scan3A_205 = arith.addi %scan3A_203, %scan3A_204 : i32
      %scan3A_206 = arith.constant 1 : i32
      scf.for %scan3A_210 = %scan3A_203 to %scan3A_205 step %scan3A_206  : i32 {
        %mul3A_211 = arith.constant 128 : i32
        %mul3A_212 = arith.muli %scan3A_210, %mul3A_211 : i32
        %get3A = arith.index_cast %mul3A_212 : i32 to index
        %get3A_213 = tpu.vector_load %arg7[%get3A] {strides = array<i32>} : memref<16384xf32, #tpu.memory_space<vmem>>, vector<16xf32>,
        %get3A_214 = vector.shape_cast %get3A_213 : vector<16xf32> to vector<16xf32>
        %get3A_215 = arith.index_cast %mul3A_212 : i32 to index
        %get3A_216 = tpu.vector_load %arg8[%get3A_215] {strides = array<i32>} : memref<16384xf32, #tpu.memory_space<vmem>>, vector<16xf32>,
        %get3A_217 = vector.shape_cast %get3A_216 : vector<16xf32> to vector<16xf32>
        %mul3A_218 = arith.mulf %get3A_214, %get3A_217 : vector<16xf32>
        %add3A_219 = arith.constant 16 : i32
        %add3A_220 = arith.addi %mul3A_212, %add3A_219 : i32
        %get3A_221 = arith.index_cast %add3A_220 : i32 to index
        %get3A_222 = tpu.vector_load %arg7[%get3A_221] {strides = array<i32>} : memref<16384xf32, #tpu.memory_space<vmem>>, vector<16xf32>,
        %get3A_223 = vector.shape_cast %get3A_222 : vector<16xf32> to vector<16xf32>
        %add3A_224 = arith.constant 16 : i32
        %add3A_225 = arith.addi %mul3A_212, %add3A_224 : i32
        %get3A_226 = arith.index_cast %add3A_225 : i32 to index
        %get3A_227 = tpu.vector_load %arg8[%get3A_226] {strides = array<i32>} : memref<16384xf32, #tpu.memory_space<vmem>>, vector<16xf32>,
        %get3A_228 = vector.shape_cast %get3A_227 : vector<16xf32> to vector<16xf32>
        %mul3A_229 = arith.mulf %get3A_223, %get3A_228 : vector<16xf32>
        %add3A_230 = arith.addf %mul3A_218, %mul3A_229 : vector<16xf32>
        %add3A_231 = arith.constant 32 : i32
        %add3A_232 = arith.addi %mul3A_212, %add3A_231 : i32
        %get3A_233 = arith.index_cast %add3A_232 : i32 to index
        %get3A_234 = tpu.vector_load %arg7[%get3A_233] {strides = array<i32>} : memref<16384xf32, #tpu.memory_space<vmem>>, vector<16xf32>,
        %get3A_235 = vector.shape_cast %get3A_234 : vector<16xf32> to vector<16xf32>
        %add3A_236 = arith.constant 32 : i32
        %add3A_237 = arith.addi %mul3A_212, %add3A_236 : i32
        %get3A_238 = arith.index_cast %add3A_237 : i32 to index
        %get3A_239 = tpu.vector_load %arg8[%get3A_238] {strides = array<i32>} : memref<16384xf32, #tpu.memory_space<vmem>>, vector<16xf32>,
        %get3A_240 = vector.shape_cast %get3A_239 : vector<16xf32> to vector<16xf32>
        %mul3A_241 = arith.mulf %get3A_235, %get3A_240 : vector<16xf32>
        %add3A_242 = arith.constant 48 : i32
        %add3A_243 = arith.addi %mul3A_212, %add3A_242 : i32
        %get3A_244 = arith.index_cast %add3A_243 : i32 to index
        %get3A_245 = tpu.vector_load %arg7[%get3A_244] {strides = array<i32>} : memref<16384xf32, #tpu.memory_space<vmem>>, vector<16xf32>,
        %get3A_246 = vector.shape_cast %get3A_245 : vector<16xf32> to vector<16xf32>
        %add3A_247 = arith.constant 48 : i32
        %add3A_248 = arith.addi %mul3A_212, %add3A_247 : i32
        %get3A_249 = arith.index_cast %add3A_248 : i32 to index
        %get3A_250 = tpu.vector_load %arg8[%get3A_249] {strides = array<i32>} : memref<16384xf32, #tpu.memory_space<vmem>>, vector<16xf32>,
        %get3A_251 = vector.shape_cast %get3A_250 : vector<16xf32> to vector<16xf32>
        %mul3A_252 = arith.mulf %get3A_246, %get3A_251 : vector<16xf32>
        %add3A_253 = arith.addf %mul3A_241, %mul3A_252 : vector<16xf32>
        %add3A_254 = arith.constant 64 : i32
        %add3A_255 = arith.addi %mul3A_212, %add3A_254 : i32
        %get3A_256 = arith.index_cast %add3A_255 : i32 to index
        %get3A_257 = tpu.vector_load %arg7[%get3A_256] {strides = array<i32>} : memref<16384xf32, #tpu.memory_space<vmem>>, vector<16xf32>,
        %get3A_258 = vector.shape_cast %get3A_257 : vector<16xf32> to vector<16xf32>
        %add3A_259 = arith.constant 64 : i32
        %add3A_260 = arith.addi %mul3A_212, %add3A_259 : i32
        %get3A_261 = arith.index_cast %add3A_260 : i32 to index
        %get3A_262 = tpu.vector_load %arg8[%get3A_261] {strides = array<i32>} : memref<16384xf32, #tpu.memory_space<vmem>>, vector<16xf32>,
        %get3A_263 = vector.shape_cast %get3A_262 : vector<16xf32> to vector<16xf32>
        %mul3A_264 = arith.mulf %get3A_258, %get3A_263 : vector<16xf32>
        %add3A_265 = arith.constant 80 : i32
        %add3A_266 = arith.addi %mul3A_212, %add3A_265 : i32
        %get3A_267 = arith.index_cast %add3A_266 : i32 to index
        %get3A_268 = tpu.vector_load %arg7[%get3A_267] {strides = array<i32>} : memref<16384xf32, #tpu.memory_space<vmem>>, vector<16xf32>,
        %get3A_269 = vector.shape_cast %get3A_268 : vector<16xf32> to vector<16xf32>
        %add3A_270 = arith.constant 80 : i32
        %add3A_271 = arith.addi %mul3A_212, %add3A_270 : i32
        %get3A_272 = arith.index_cast %add3A_271 : i32 to index
        %get3A_273 = tpu.vector_load %arg8[%get3A_272] {strides = array<i32>} : memref<16384xf32, #tpu.memory_space<vmem>>, vector<16xf32>,
        %get3A_274 = vector.shape_cast %get3A_273 : vector<16xf32> to vector<16xf32>
        %mul3A_275 = arith.mulf %get3A_269, %get3A_274 : vector<16xf32>
        %add3A_276 = arith.addf %mul3A_264, %mul3A_275 : vector<16xf32>
        %add3A_277 = arith.constant 96 : i32
        %add3A_278 = arith.addi %mul3A_212, %add3A_277 : i32
        %get3A_279 = arith.index_cast %add3A_278 : i32 to index
        %get3A_280 = tpu.vector_load %arg7[%get3A_279] {strides = array<i32>} : memref<16384xf32, #tpu.memory_space<vmem>>, vector<16xf32>,
        %get3A_281 = vector.shape_cast %get3A_280 : vector<16xf32> to vector<16xf32>
        %add3A_282 = arith.constant 96 : i32
        %add3A_283 = arith.addi %mul3A_212, %add3A_282 : i32
        %get3A_284 = arith.index_cast %add3A_283 : i32 to index
        %get3A_285 = tpu.vector_load %arg8[%get3A_284] {strides = array<i32>} : memref<16384xf32, #tpu.memory_space<vmem>>, vector<16xf32>,
        %get3A_286 = vector.shape_cast %get3A_285 : vector<16xf32> to vector<16xf32>
        %mul3A_287 = arith.mulf %get3A_281, %get3A_286 : vector<16xf32>
        %add3A_288 = arith.constant 112 : i32
        %add3A_289 = arith.addi %mul3A_212, %add3A_288 : i32
        %get3A_290 = arith.index_cast %add3A_289 : i32 to index
        %get3A_291 = tpu.vector_load %arg7[%get3A_290] {strides = array<i32>} : memref<16384xf32, #tpu.memory_space<vmem>>, vector<16xf32>,
        %get3A_292 = vector.shape_cast %get3A_291 : vector<16xf32> to vector<16xf32>
        %add3A_293 = arith.constant 112 : i32
        %add3A_294 = arith.addi %mul3A_212, %add3A_293 : i32
        %get3A_295 = arith.index_cast %add3A_294 : i32 to index
        %get3A_296 = tpu.vector_load %arg8[%get3A_295] {strides = array<i32>} : memref<16384xf32, #tpu.memory_space<vmem>>, vector<16xf32>,
        %get3A_297 = vector.shape_cast %get3A_296 : vector<16xf32> to vector<16xf32>
        %mul3A_298 = arith.mulf %get3A_292, %get3A_297 : vector<16xf32>
        %add3A_299 = arith.addf %mul3A_287, %mul3A_298 : vector<16xf32>
        %add3A_300 = arith.addf %add3A_230, %add3A_253 : vector<16xf32>
        %add3A_301 = arith.addf %add3A_276, %add3A_299 : vector<16xf32>
        %add3A_302 = arith.addf %add3A_300, %add3A_301 : vector<16xf32>
        %swap3A = arith.index_cast %scan3A_210 : i32 to index
        %swap3A_303 = arith.constant 0 : index
        %swap3A_304 = tpu.vector_load %arg9[%swap3A, %swap3A_303] {strides = array<i32>} : memref<128x16xf32, #tpu.memory_space<vmem>>, vector<1x16xf32>,
        %swap3A_305 = vector.shape_cast %swap3A_304 : vector<1x16xf32> to vector<16xf32>
        %swap3A_306 = vector.shape_cast %add3A_302 : vector<16xf32> to vector<1x16xf32>
        tpu.vector_store %arg9[%swap3A, %swap3A_303], %swap3A_306 {strides = array<i32>} : memref<128x16xf32, #tpu.memory_space<vmem>>, vector<1x16xf32>,
      }
      %scan3A_207 = arith.constant 128 : i32
      %mul3A_208 = arith.constant 128 : i32
      %mul3A_209 = arith.muli %add3A_188, %mul3A_208 : i32
      "tpu.region"() ({
        %run_scoped3A = tpu.sem_alloc : memref<!tpu.dma_semaphore, #tpu.memory_space<semaphore_mem>>
        %dma_start3A = arith.constant 0 : i32
        %dma_start3A_210 = tpu.memref_slice %arg4[%mul3A_209, %dma_start3A] : memref<56832x16xf32, #tpu.memory_space<hbm>> -> memref<128x16xf32, #tpu.memory_space<hbm>>
        %dma_start3A_211 = arith.constant 0 : i32
        %dma_start3A_212 = tpu.memref_slice %arg4[%mul3A_209, %dma_start3A_211] : memref<56832x16xf32, #tpu.memory_space<hbm>> -> memref<128x16xf32, #tpu.memory_space<hbm>>
        tpu.enqueue_dma source(%arg9 : memref<128x16xf32, #tpu.memory_space<vmem>>) target(%dma_start3A_212 : memref<128x16xf32, #tpu.memory_space<hbm>>) target_semaphore(%run_scoped3A : memref<!tpu.dma_semaphore, #tpu.memory_space<semaphore_mem>>)
        %dma_wait3A_213 = arith.constant 0 : i32
        %dma_wait3A_214 = tpu.memref_slice %arg4[%mul3A_209, %dma_wait3A_213] : memref<56832x16xf32, #tpu.memory_space<hbm>> -> memref<128x16xf32, #tpu.memory_space<hbm>>
        %dma_wait3A_215 = arith.constant 0 : i32
        %dma_wait3A_216 = tpu.memref_slice %arg4[%mul3A_209, %dma_wait3A_215] : memref<56832x16xf32, #tpu.memory_space<hbm>> -> memref<128x16xf32, #tpu.memory_space<hbm>>
        tpu.wait_dma2 semaphore(%run_scoped3A : memref<!tpu.dma_semaphore, #tpu.memory_space<semaphore_mem>>) src(%arg9 : memref<128x16xf32, #tpu.memory_space<vmem>>) dst(%dma_wait3A_216 : memref<128x16xf32, #tpu.memory_space<hbm>>)
        tpu.yield
      }) : () -> ()
    } else {
    }
    return
  }
}

module attributes {stable_mosaic.version = 14 : i64} {
  func.func @_tc_body(%arg0: i32, %arg1: memref<1280x128xf32, #tpu.memory_space<vmem>>, %arg2: memref<1280x128xf32, #tpu.memory_space<vmem>>, %arg3: memref<4864x128xf32, #tpu.memory_space<vmem>>, %arg4: memref<4864x128xf32, #tpu.memory_space<vmem>>, %arg5: memref<1xf32, #tpu.memory_space<smem>>, %arg6: memref<1x1280xf32, #tpu.memory_space<vmem>>, %arg7: memref<1x4864xf32, #tpu.memory_space<vmem>>) attributes {dimension_semantics = [#tpu.dimension_semantics<arbitrary>], iteration_bounds = array<i64: 37>, scalar_prefetch = 0 : i64, scratch_operands = 2 : i64, tpu.core_type = #tpu.core_type<tc>, window_params = [{transform_indices = @transform_0, window_bounds = array<i64: 1280, 128>}, {transform_indices = @transform_1, window_bounds = array<i64: 1280, 128>}, {transform_indices = @transform_2, window_bounds = array<i64: 4864, 128>}, {transform_indices = @transform_3, window_bounds = array<i64: 4864, 128>}, {transform_indices = @transform_4, window_bounds = array<i64: 1>}]} {
    %eq3A = arith.constant 0 : i32
    %eq3A_0 = arith.cmpi eq, %arg0, %eq3A : i32
    %convert_element_type3A = arith.extui %eq3A_0 : i1 to i32
    %cond3A = arith.constant 0 : i32
    %cond3A_1 = arith.cmpi ne, %convert_element_type3A, %cond3A : i32
    scf.if %cond3A_1 {
      %broadcast_in_dim3A_48 = arith.constant 0.000000e+00 : f32
      %broadcast_in_dim3A_49 = vector.broadcast %broadcast_in_dim3A_48 : f32 to vector<1x1280xf32>
      %swap3A_50 = arith.constant 0 : index
      %swap3A_51 = arith.constant 0 : index
      %swap3A_52 = vector.load %arg6[%swap3A_50, %swap3A_51] : memref<1x1280xf32, #tpu.memory_space<vmem>>, vector<1x1280xf32>
      tpu.vector_store %arg6[%swap3A_50, %swap3A_51], %broadcast_in_dim3A_49 {strides = array<i32>} : memref<1x1280xf32, #tpu.memory_space<vmem>>, vector<1x1280xf32>,
      %broadcast_in_dim3A_53 = arith.constant 0.000000e+00 : f32
      %broadcast_in_dim3A_54 = vector.broadcast %broadcast_in_dim3A_53 : f32 to vector<1x4864xf32>
      %swap3A_55 = arith.constant 0 : index
      %swap3A_56 = arith.constant 0 : index
      %swap3A_57 = vector.load %arg7[%swap3A_55, %swap3A_56] : memref<1x4864xf32, #tpu.memory_space<vmem>>, vector<1x4864xf32>
      tpu.vector_store %arg7[%swap3A_55, %swap3A_56], %broadcast_in_dim3A_54 {strides = array<i32>} : memref<1x4864xf32, #tpu.memory_space<vmem>>, vector<1x4864xf32>,
    } else {
    }
    %broadcast_in_dim3A = arith.constant 1.000000e+00 : f32
    %broadcast_in_dim3A_2 = vector.broadcast %broadcast_in_dim3A : f32 to vector<1x128xf32>
    %get3A = arith.constant 0 : index
    %get3A_3 = arith.constant 0 : index
    %get3A_4 = vector.load %arg1[%get3A, %get3A_3] : memref<1280x128xf32, #tpu.memory_space<vmem>>, vector<1280x128xf32>
    %get3A_5 = arith.constant 0 : index
    %get3A_6 = arith.constant 0 : index
    %get3A_7 = vector.load %arg2[%get3A_5, %get3A_6] : memref<1280x128xf32, #tpu.memory_space<vmem>>, vector<1280x128xf32>
    %mul3A = arith.mulf %get3A_4, %get3A_7 : vector<1280x128xf32>
    %dot_general3A = arith.constant dense<0.000000e+00> : vector<1x1280xf32>
    %dot_general3A_8 = tpu.matmul %broadcast_in_dim3A_2, %mul3A, %dot_general3A {dimension_numbers = #tpu.dot_dimension_numbers<[1], [1], [0], [0], [0, 0, 1, 0], [], []>, transpose_lhs_hint = false} : vector<1x128xf32>, vector<1280x128xf32>, vector<1x1280xf32> -> vector<1x1280xf32>
    %jit3A = arith.constant -6.000000e+00 : f32
    %jit3A_9 = arith.constant 6.000000e+00 : f32
    %max3A = vector.broadcast %jit3A : f32 to vector<1x1280xf32>
    %max3A_10 = arith.maximumf %max3A, %dot_general3A_8 : vector<1x1280xf32>
    %min3A = vector.broadcast %jit3A_9 : f32 to vector<1x1280xf32>
    %min3A_11 = arith.minimumf %min3A, %max3A_10 : vector<1x1280xf32>
    %get3A_12 = arith.constant 0 : index
    %get3A_13 = arith.constant 0 : index
    %get3A_14 = vector.load %arg6[%get3A_12, %get3A_13] : memref<1x1280xf32, #tpu.memory_space<vmem>>, vector<1x1280xf32>
    %neg3A = arith.constant 0.000000e+00 : f32
    %neg3A_15 = vector.broadcast %neg3A : f32 to vector<1x1280xf32>
    %neg3A_16 = arith.subf %neg3A_15, %min3A_11 : vector<1x1280xf32>
    %exp3A = math.exp %neg3A_16 : vector<1x1280xf32>
    %log1p3A = math.log1p %exp3A : vector<1x1280xf32>
    %add3A = arith.addf %get3A_14, %log1p3A : vector<1x1280xf32>
    %swap3A = arith.constant 0 : index
    %swap3A_17 = arith.constant 0 : index
    %swap3A_18 = vector.load %arg6[%swap3A, %swap3A_17] : memref<1x1280xf32, #tpu.memory_space<vmem>>, vector<1x1280xf32>
    tpu.vector_store %arg6[%swap3A, %swap3A_17], %add3A {strides = array<i32>} : memref<1x1280xf32, #tpu.memory_space<vmem>>, vector<1x1280xf32>,
    %get3A_19 = arith.constant 0 : index
    %get3A_20 = arith.constant 0 : index
    %get3A_21 = vector.load %arg3[%get3A_19, %get3A_20] : memref<4864x128xf32, #tpu.memory_space<vmem>>, vector<4864x128xf32>
    %get3A_22 = arith.constant 0 : index
    %get3A_23 = arith.constant 0 : index
    %get3A_24 = vector.load %arg4[%get3A_22, %get3A_23] : memref<4864x128xf32, #tpu.memory_space<vmem>>, vector<4864x128xf32>
    %mul3A_25 = arith.mulf %get3A_21, %get3A_24 : vector<4864x128xf32>
    %dot_general3A_26 = arith.constant dense<0.000000e+00> : vector<1x4864xf32>
    %dot_general3A_27 = tpu.matmul %broadcast_in_dim3A_2, %mul3A_25, %dot_general3A_26 {dimension_numbers = #tpu.dot_dimension_numbers<[1], [1], [0], [0], [0, 0, 1, 0], [], []>, transpose_lhs_hint = false} : vector<1x128xf32>, vector<4864x128xf32>, vector<1x4864xf32> -> vector<1x4864xf32>
    %jit3A_28 = arith.constant -6.000000e+00 : f32
    %jit3A_29 = arith.constant 6.000000e+00 : f32
    %max3A_30 = vector.broadcast %jit3A_28 : f32 to vector<1x4864xf32>
    %max3A_31 = arith.maximumf %max3A_30, %dot_general3A_27 : vector<1x4864xf32>
    %min3A_32 = vector.broadcast %jit3A_29 : f32 to vector<1x4864xf32>
    %min3A_33 = arith.minimumf %min3A_32, %max3A_31 : vector<1x4864xf32>
    %get3A_34 = arith.constant 0 : index
    %get3A_35 = arith.constant 0 : index
    %get3A_36 = vector.load %arg7[%get3A_34, %get3A_35] : memref<1x4864xf32, #tpu.memory_space<vmem>>, vector<1x4864xf32>
    %exp3A_37 = math.exp %min3A_33 : vector<1x4864xf32>
    %log1p3A_38 = math.log1p %exp3A_37 : vector<1x4864xf32>
    %add3A_39 = arith.addf %get3A_36, %log1p3A_38 : vector<1x4864xf32>
    %swap3A_40 = arith.constant 0 : index
    %swap3A_41 = arith.constant 0 : index
    %swap3A_42 = vector.load %arg7[%swap3A_40, %swap3A_41] : memref<1x4864xf32, #tpu.memory_space<vmem>>, vector<1x4864xf32>
    tpu.vector_store %arg7[%swap3A_40, %swap3A_41], %add3A_39 {strides = array<i32>} : memref<1x4864xf32, #tpu.memory_space<vmem>>, vector<1x4864xf32>,
    %eq3A_43 = arith.constant 36 : i32
    %eq3A_44 = arith.cmpi eq, %arg0, %eq3A_43 : i32
    %convert_element_type3A_45 = arith.extui %eq3A_44 : i1 to i32
    %cond3A_46 = arith.constant 0 : i32
    %cond3A_47 = arith.cmpi ne, %convert_element_type3A_45, %cond3A_46 : i32
    scf.if %cond3A_47 {
      %get3A_48 = arith.constant 0 : index
      %get3A_49 = arith.constant 0 : index
      %get3A_50 = vector.load %arg6[%get3A_48, %get3A_49] : memref<1x1280xf32, #tpu.memory_space<vmem>>, vector<1x1280xf32>
      %reduce_sum3A = vector.shape_cast %get3A_50 : vector<1x1280xf32> to vector<1x1x1280xf32>
      %reduce_sum3A_51 = arith.constant dense<0.000000e+00> : vector<1xf32>
      %reduce_sum3A_52 = vector.multi_reduction <add>, %reduce_sum3A, %reduce_sum3A_51 [1, 2] : vector<1x1x1280xf32> to vector<1xf32>
      %reduce_sum3A_53 = vector.shape_cast %reduce_sum3A_52 : vector<1xf32> to vector<1x1x1xf32>
      %reduce_sum3A_54 = vector.extract %reduce_sum3A_53[0, 0, 0] : f32 from vector<1x1x1xf32>
      %mul3A_55 = arith.constant 2.11148654E-5 : f32
      %mul3A_56 = arith.mulf %reduce_sum3A_54, %mul3A_55 : f32
      %get3A_57 = arith.constant 0 : index
      %get3A_58 = arith.constant 0 : index
      %get3A_59 = vector.load %arg7[%get3A_57, %get3A_58] : memref<1x4864xf32, #tpu.memory_space<vmem>>, vector<1x4864xf32>
      %reduce_sum3A_60 = vector.shape_cast %get3A_59 : vector<1x4864xf32> to vector<1x1x4864xf32>
      %reduce_sum3A_61 = arith.constant dense<0.000000e+00> : vector<1xf32>
      %reduce_sum3A_62 = vector.multi_reduction <add>, %reduce_sum3A_60, %reduce_sum3A_61 [1, 2] : vector<1x1x4864xf32> to vector<1xf32>
      %reduce_sum3A_63 = vector.shape_cast %reduce_sum3A_62 : vector<1xf32> to vector<1x1x1xf32>
      %reduce_sum3A_64 = vector.extract %reduce_sum3A_63[0, 0, 0] : f32 from vector<1x1x1xf32>
      %mul3A_65 = arith.constant 4.22297308E-6 : f32
      %mul3A_66 = arith.mulf %reduce_sum3A_64, %mul3A_65 : f32
      %add3A_67 = arith.addf %mul3A_56, %mul3A_66 : f32
      %swap3A_68 = arith.constant 0 : index
      %swap3A_69 = memref.load %arg5[%swap3A_68] : memref<1xf32, #tpu.memory_space<smem>>
      memref.store %add3A_67, %arg5[%swap3A_68] : memref<1xf32, #tpu.memory_space<smem>>
    } else {
    }
    return
  }
  func.func @transform_0(%arg0: i32) -> (i32, i32) {
    %c0_i32 = arith.constant 0 : i32
    %c0_i32_0 = arith.constant 0 : i32
    return %arg0, %c0_i32 : i32, i32
  }
  func.func @transform_1(%arg0: i32) -> (i32, i32) {
    %c0_i32 = arith.constant 0 : i32
    %c0_i32_0 = arith.constant 0 : i32
    return %arg0, %c0_i32 : i32, i32
  }
  func.func @transform_2(%arg0: i32) -> (i32, i32) {
    %c0_i32 = arith.constant 0 : i32
    %c0_i32_0 = arith.constant 0 : i32
    return %arg0, %c0_i32 : i32, i32
  }
  func.func @transform_3(%arg0: i32) -> (i32, i32) {
    %c0_i32 = arith.constant 0 : i32
    %c0_i32_0 = arith.constant 0 : i32
    return %arg0, %c0_i32 : i32, i32
  }
  func.func @transform_4(%arg0: i32) -> i32 {
    %c0_i32 = arith.constant 0 : i32
    %c0_i32_0 = arith.constant 0 : i32
    return %c0_i32 : i32
  }
}

module attributes {stable_mosaic.version = 14 : i64} {
  func.func @_comb_body(%arg0: memref<1xf32, #tpu.memory_space<smem>>, %arg1: memref<56832x16xf32, #tpu.memory_space<vmem>>, %arg2: memref<1xf32, #tpu.memory_space<smem>>) attributes {dimension_semantics = [], scalar_prefetch = 0 : i64, scratch_operands = 0 : i64, tpu.core_type = #tpu.core_type<tc>} {
    %broadcast_in_dim3A = arith.constant 1.000000e+00 : f32
    %broadcast_in_dim3A_0 = vector.broadcast %broadcast_in_dim3A : f32 to vector<1x16xf32>
    %get3A = arith.constant 0 : index
    %get3A_1 = arith.constant 0 : index
    %get3A_2 = vector.load %arg1[%get3A, %get3A_1] : memref<56832x16xf32, #tpu.memory_space<vmem>>, vector<56832x16xf32>
    %dot_general3A = arith.constant dense<0.000000e+00> : vector<1x56832xf32>
    %dot_general3A_3 = tpu.matmul %broadcast_in_dim3A_0, %get3A_2, %dot_general3A {dimension_numbers = #tpu.dot_dimension_numbers<[1], [1], [0], [0], [0, 0, 1, 0], [], []>, transpose_lhs_hint = false} : vector<1x16xf32>, vector<56832x16xf32>, vector<1x56832xf32> -> vector<1x56832xf32>
    %jit3A = arith.constant -6.000000e+00 : f32
    %jit3A_4 = arith.constant 6.000000e+00 : f32
    %max3A = vector.broadcast %jit3A : f32 to vector<1x56832xf32>
    %max3A_5 = arith.maximumf %max3A, %dot_general3A_3 : vector<1x56832xf32>
    %min3A = vector.broadcast %jit3A_4 : f32 to vector<1x56832xf32>
    %min3A_6 = arith.minimumf %min3A, %max3A_5 : vector<1x56832xf32>
    %exp3A = math.exp %min3A_6 : vector<1x56832xf32>
    %log1p3A = math.log1p %exp3A : vector<1x56832xf32>
    %get3A_7 = arith.constant 0 : index
    %get3A_8 = memref.load %arg0[%get3A_7] : memref<1xf32, #tpu.memory_space<smem>>
    %reduce_sum3A = vector.shape_cast %log1p3A : vector<1x56832xf32> to vector<1x1x56832xf32>
    %reduce_sum3A_9 = arith.constant dense<0.000000e+00> : vector<1xf32>
    %reduce_sum3A_10 = vector.multi_reduction <add>, %reduce_sum3A, %reduce_sum3A_9 [1, 2] : vector<1x1x56832xf32> to vector<1xf32>
    %reduce_sum3A_11 = vector.shape_cast %reduce_sum3A_10 : vector<1xf32> to vector<1x1x1xf32>
    %reduce_sum3A_12 = vector.extract %reduce_sum3A_11[0, 0, 0] : f32 from vector<1x1x1xf32>
    %mul3A = arith.constant 4.22297308E-6 : f32
    %mul3A_13 = arith.mulf %reduce_sum3A_12, %mul3A : f32
    %add3A = arith.addf %get3A_8, %mul3A_13 : f32
    %swap3A = arith.constant 0 : index
    %swap3A_14 = memref.load %arg2[%swap3A] : memref<1xf32, #tpu.memory_space<smem>>
    memref.store %add3A, %arg2[%swap3A] : memref<1xf32, #tpu.memory_space<smem>>
    return
  }
}

</mosaic_0001>

<sc_bundles>
// kernel: kernel.5.cloned.1.call-start
scs
__scs_entry_jumppad:
0x0: {  	(pc) =	sbr.rel $0x88, $3  }
0x1: {  	(tag) =	ssettag $0x0;
	lr =	simm.s32 $0x1  }
0x2: {  	[smem:$0x3F9D] =	sst lr;
	_ =	strace $0xD0000000  }
0x3: {  	_ = 	snop  }
0x4: {  	_ = 	snop  }
0x5: {  	_ = 	snop  }
0x6: {  	_ = 	snop  }
0x7: {  	_ = 	snop  }
__scs_overlays_trampoline_lowered:
0x8: {  	[smem:$0x3FAC] =	sst s0  }
0x9: {  	[smem:$0x3FAD] =	sst s1  }
0xa: {  	[smem:$0x3FAE] =	sst s2  }
0xb: {  	[smem:$0x3FAF] =	sst s3  }
0xc: {  	[smem:$0x3FB0] =	sst s4  }
0xd: {  	[smem:$0x3FB1] =	sst s5  }
0xe: {  	[smem:$0x3FB2] =	sst s6  }
0xf: {  	[smem:$0x3FB3] =	sst s7  }
0x10: {  	[smem:$0x3FB4] =	sst s8  }
0x11: {  	[smem:$0x3FB5] =	sst s9;
	s0 =	simm.s32 @!p0 $0x0  }
0x12: {  	s1 =	sld [smem:$0x3F9B];
	s0 =	simm.s32 @p0 $0x1  }
0x13: {  	[smem:$0x3FB6] =	sst s0;
	s0 =	simm.s32 @!p1 $0x0  }
0x14: {  	s2 =	sld [smem:$0x3F9A];
	s0 =	simm.s32 @p1 $0x1  }
0x15: {  	[smem:$0x3FB7] =	sst s0;
	s0 =	simm.s32 @!p2 $0x0  }
0x16: {  	s3 =	sld [smem:$0x3FDB];
	s0 =	simm.s32 @p2 $0x1  }
0x17: {  	s4 =	simm.s32 $0x1BF5;
	[smem:$0x3FB9] =	sst s0  }
0x18: {  	s0 =	sld [smem:$0x3F9C];
	_ =	swait.ge [sflag:s4], $0x0  }
0x19: {  	s7 =	sld [smem:$0x3F9D]  }
0x1a: {  	s8 =	sadd.s32 $0xFFFFE003, lr  }
0x1b: {  	s9 =	sadd.s32 $0xFFFFFEF7, lr;
	s5 =	simm.s32 $0xFFFFFFFF;
	p2 =	slt.u32 s8, $0xFFFFF086  }
0x1c: {  	p1 =	slt.u32 s9, $0xF7A;
	s5 =	simm.s32 @!p2 $0x0  }
0x1d: {  	s5 =	simm.s32 @p1 $0x1;
	p0 =	seq.s32 s7, s2  }
0x1e: {  	s7 =	smul.u32 @!p0 $0xF7A, s2;
	p2 =	seq.s32 @!p0 s5, $0x0  }
0x1f: {  	s9 =	smul.u32 $0xF7A, s1;
	s8 =	simm.s32 @!p0 $0x1BF5;
	p2 =	por !p2, p0  }
0x20: {  	[sflag:s8] =	ssyncset.s32 @!p0 $0xFFFFF086;
	s6 =	sadd.s32 @!p0 s3, s7;
	s7 =	simm.s32 @!p0 $0x108  }
0x21: {  	s3 =	sadd.s32 s3, s9;
	s6 =	sadd.s32 @!p0 $0x88, s6;
	s7 =	simm.s32 @p2 $0x1082  }
0x22: {  	[simem:s7], [sflag:s8] =	dma.local @!p0 [hbm:s6], $0xF7A  }
0x23: {  	s9 =	sor.u32 $0xD0000000, s2;
	s6 =	simm.s32 $0x108;
	_ =	swait.ge @!p0 [sflag:s8], $0x0  }
0x24: {  	s3 =	sadd.s32 $0x88, s3;
	s6 =	simm.s32 @!p1 $0x1082;
	[sflag:s4] =	ssyncset.s32 $0xFFFFF086  }
0x25: {  	[simem:s6], [sflag:s4] =	dma.local [hbm:s3], $0xF7A  }
0x26: {  	[smem:$0x3F9D] =	sst s1;
	(tag) =	ssettag s2;
	_ =	strace s9  }
0x27: {  	s1 =	sld [smem:$0x3FAD]  }
0x28: {  	s2 =	sld [smem:$0x3FAE]  }
0x29: {  	s4 =	sld [smem:$0x3FB0]  }
0x2a: {  	p0 =	seq.s32 s5, $0x0;
	s5 =	sld [smem:$0x3FB1]  }
0x2b: {  	s6 =	sld [smem:$0x3FB2]  }
0x2c: {  	s7 =	sld [smem:$0x3FB3]  }
0x2d: {  	s3 =	simm.s32 $0x108;
	s8 =	sld [smem:$0x3FB4]  }
0x2e: {  	s3 =	simm.s32 @!p0 $0x1082;
	s9 =	sld [smem:$0x3FB5]  }
0x2f: {  	lr =	sadd.s32 s0, s3;
	s0 =	sld [smem:$0x3FAC]  }
0x30: {  	s3 =	sld [smem:$0x3FAF]  }
0x31: {  	[smem:$0x3FB8] =	sst s10  }
0x32: {  	s10 =	sld [smem:$0x3FB6];
	_ =	sdelay $0x3  }
0x33: {  	p0 =	seq.s32 s10, $0x1;
	s10 =	sld [smem:$0x3FB8];
	_ =	sdelay $0x3  }
0x34: {  	[smem:$0x3FB8] =	sst s10  }
0x35: {  	s10 =	sld [smem:$0x3FB7];
	_ =	sdelay $0x3  }
0x36: {  	p1 =	seq.s32 s10, $0x1;
	s10 =	sld [smem:$0x3FB8];
	_ =	sdelay $0x3  }
0x37: {  	[smem:$0x3FB8] =	sst s10  }
0x38: {  	s10 =	sld [smem:$0x3FB9]  }
0x39: {  	_ = 	snop;
	(pc) =	sbr.ind lr, $3  }
0x3a: {  	_ = 	snop  }
0x3b: {  	_ = 	snop  }
0x3c: {  	p2 =	seq.s32 s10, $0x1;
	s10 =	sld [smem:$0x3FB8]  }
0x3d: {  	_ =	shalt  }
0x3e: {  	_ =	shalt  }
0x3f: {  	_ =	shalt  }
0x40: {  	_ =	shalt  }
0x41: {  	_ =	shalt  }
0x42: {  	_ =	shalt  }
0x43: {  	_ =	shalt  }
0x44: {  	_ =	shalt  }
0x45: {  	_ =	shalt  }
0x46: {  	_ =	shalt  }
0x47: {  	_ =	shalt  }
0x48: {  	_ =	shalt  }
0x49: {  	_ =	shalt  }
0x4a: {  	_ =	shalt  }
0x4b: {  	_ =	shalt  }
0x4c: {  	_ =	shalt  }
0x4d: {  	_ =	shalt  }
0x4e: {  	_ =	shalt  }
0x4f: {  	_ =	shalt  }
0x50: {  	_ =	shalt  }
0x51: {  	_ =	shalt  }
0x52: {  	_ =	shalt  }
0x53: {  	_ =	shalt  }
0x54: {  	_ =	shalt  }
0x55: {  	_ =	shalt  }
0x56: {  	_ =	shalt  }
0x57: {  	_ =	shalt  }
0x58: {  	_ =	shalt  }
0x59: {  	_ =	shalt  }
0x5a: {  	_ =	shalt  }
0x5b: {  	_ =	shalt  }
0x5c: {  	_ =	shalt  }
0x5d: {  	_ =	shalt  }
0x5e: {  	_ =	shalt  }
0x5f: {  	_ =	shalt  }
0x60: {  	_ =	shalt  }
0x61: {  	_ =	shalt  }
0x62: {  	_ =	shalt  }
0x63: {  	_ =	shalt  }
0x64: {  	_ =	shalt  }
0x65: {  	_ =	shalt  }
0x66: {  	_ =	shalt  }
0x67: {  	_ =	shalt  }
0x68: {  	_ =	shalt  }
0x69: {  	_ =	shalt  }
0x6a: {  	_ =	shalt  }
0x6b: {  	_ =	shalt  }
0x6c: {  	_ =	shalt  }
0x6d: {  	_ =	shalt  }
0x6e: {  	_ =	shalt  }
0x6f: {  	_ =	shalt  }
0x70: {  	_ =	shalt  }
0x71: {  	_ =	shalt  }
0x72: {  	_ =	shalt  }
0x73: {  	_ =	shalt  }
0x74: {  	_ =	shalt  }
0x75: {  	_ =	shalt  }
0x76: {  	_ =	shalt  }
0x77: {  	_ =	shalt  }
0x78: {  	_ =	shalt  }
0x79: {  	_ =	shalt  }
0x7a: {  	_ =	shalt  }
0x7b: {  	_ =	shalt  }
0x7c: {  	_ =	shalt  }
0x7d: {  	_ =	shalt  }
0x7e: {  	_ =	shalt  }
0x7f: {  	_ =	shalt  }
0x80: {  	_ =	shalt  }
0x81: {  	_ =	shalt  }
0x82: {  	_ =	shalt  }
0x83: {  	_ =	shalt  }
0x84: {  	_ =	shalt  }
0x85: {  	_ =	shalt  }
0x86: {  	_ =	shalt  }
0x87: {  	_ =	shalt  }
.Lfunc_end0:
.L_simem_size_0:
called_computation_lowered:
.L_overlay_start_0:
0x88: {  	s2 =	sld [smem:$0x3FD9]  }
0x89: {  	s3 =	sld [smem:$0x3FFE];
	_ =	sdelay $0x1  }
0x8a: {  	s1 =	srdreg.scid  }
0x8b: {  	s0 =	sand.u32 $0x1, s1  }
0x8c: {  	s17 =	sshll.u32 s0, $0xA;
	s2 =	sadd.s32 s3, s2  }
0x8d: {  	s2 =	sadd.s32 s2, s17  }
0x8e: {  	[smem:$0x3FC4] =	sst s2  }
0x8f: {  	_ = 	snop  }
0x90: {  	s2 =	sld [smem:$0x3FC7]  }
0x91: {  	s18 =	sld [smem:$0x3FC6];
	(tm) =	ssettm $0x1  }
0x92: {  	s4 =	sld [smem:$0x3FFB];
	_ =	sdelay $0x3  }
0x93: {  	_ =	strace s4  }
0x94: {  	s4 =	sld [smem:$0x3FFC];
	_ =	sdelay $0x3  }
0x95: {  	_ =	strace s4  }
0x96: {  	s4 =	sld [smem:$0x3FFD];
	_ =	sdelay $0x3  }
0x97: {  	_ =	strace s4  }
0x98: {  	_ =	strace $0x8FFFFFFF  }
0x99: {  	s19 =	sld [smem:$0x3FDB];
	_ =	sdelay $0x1  }
0x9a: {  	s5 =	simm.s32 $_scs_section_size  }
0x9b: {  	s6 =	simm.s32 $_size__tile_overlayer_lowered;
	s7 =	simm.s32 $_tile_overlayer_lowered  }
0x9c: {  	s22 =	simm.s32 $0x1BFF;
	s21 =	sshll.u32 s7, $0x1;
	s4 =	sadd.s32 s5, s19  }
0x9d: {  	s8 =	simm.s32 $0x0;
	s20 =	sshll.u32 s6, $0x1;
	s6 =	sadd.s32 s21, s4  }
0x9e: {  	[timem:s8], [sflag:s22] =	dma.local [hbm:s6], s20  }
0x9f: {  	_ =	swait.ge [sflag:s22], s20  }
0xa0: {  	s5 =	ssub.s32 $0x0, s20;
	[sflag:s22] =	ssyncset.done $0x0  }
0xa1: {  	[sflag:s22] =	ssyncadd.s32 s5;
	_ =	sdelay $0x1  }
0xa2: {  	s23 =	simm.s32 $0x1B8B  }
0xa3: {  	_ =	swait.ge [sflag:s23], $0x1  }
0xa4: {  	[sflag:s23] =	ssyncset.done $0x0  }
0xa5: {  	s25 =	simm.s32 $0x1B8E;
	s24 =	sld [smem:$0x3FFE];
	[sflag:s23] =	ssyncadd.s32 $0xFFFFFFFF  }
0xa6: {  	s26 =	simm.s32 $execute0_lowered;
	[smem:$0x3FD2] =	sst s25  }
0xa7: {  	s6 =	sshll.u32 s26, $0x1;
	_ =	strace $0x80000046;
	[dreg:$0x1] =	wrdreg $0xFFFFFFFF  }
0xa8: {  	s28 =	simm.s32 $_size_execute0_lowered;
	s4 =	sadd.s32 s4, s6;
	[dreg:$0x0] =	wrdreg $0x0  }
0xa9: {  	s6 =	sshll.u32 s28, $0x1;
	[dreg:$0x2] =	wrdreg s4  }
0xaa: {  	[dreg:$0x3] =	wrdreg s6  }
0xab: {  	[dreg:$0x4] =	wrdreg $0xC0  }
0xac: {  	_ =	task [dreg:s8], $0x5FFFF  }
0xad: {  	[dreg:$0x1] =	wrdreg $0xFFFFFFFF  }
0xae: {  	[dreg:$0x0] =	wrdreg $0x60  }
0xaf: {  	[dreg:$0x2] =	wrdreg s2  }
0xb0: {  	[dreg:$0x3] =	wrdreg s18  }
0xb1: {  	[dreg:$0x4] =	wrdreg s24  }
0xb2: {  	[dreg:$0x5] =	wrdreg $0x9  }
0xb3: {  	_ =	task.clear_ibuf [dreg:s8], $0x6FFFF;
	_ =	strace $0x90000046  }
0xb4: {  	s29 =	simm.s32 $0x9;
	_ =	strace $0x80000048  }
0xb5: {  	_ =	swait.ge [sflag:s29], $0x1  }
0xb6: {  	[sflag:s29] =	ssyncadd.s32 $0xFFFFFFFF  }
0xb7: {  	_ =	strace $0x90000048  }
0xb8: {  	_ =	sfence  }
0xb9: {  	s30 =	sld [smem:$0x0];
	_ =	sdelay $0x2  }
0xba: {  	s31 =	sshll.u32 s1, $0xD;
	s1 =	sshrl.u32 s1, $0x2  }
0xbb: {  	s3 =	sand.u32 $0x4000, s31;
	s1 =	sadd.s32 s1, s30  }
0xbc: {  	s0 =	sor.u32 s3, s0;
	s1 =	sshll.u32 s1, $0x11  }
0xbd: {  	s0 =	sor.u32 s1, s0  }
0xbe: {  	s0 =	sadd.s32 $0x8F2B, s0  }
0xbf: {  	[sflag:s0] =	ssyncadd.remote.s32 $0x1  }
0xc0: {  	_ =	sfence.sel $0xFFFF  }
0xc1: {  	[dreg:$0x0] =	wrdreg $0xFFFFFFFF;
	(pc) =	sbr.abs _section_cstart, $3  }
0xc2: {  	[dreg:$0x1] =	wrdreg $0xFFFFFFFF  }
0xc3: {  	_ =	task.clear_ibuf [dreg:s8], $0x2FFFF;
	_ =	strace $0x9FFFFFFF  }
0xc4: {  	(tm) =	ssettm $0x7FFFFFFF  }
0xc5: {  	_ =	shalt  }
tec
execute0_lowered:
.L_overlay_start_1:
0x0: {  	(tag) =	ssettag $0x1  }
0x1: {  	s0 =	srdreg.scid;
	s2 =	rddreg [dreg:$0x0]  }
0x2: {  	s3 =	rddreg [dreg:$0x1];
	s5 =	stileid.u32;
	s0 =	sand.u32 $0x1, s0  }
0x3: {  	s4 =	rddreg [dreg:$0x2];
	s1 =	sshll.u32 s0, $0x4;
	s0 =	ssub.s32 $0x2, s0  }
0x4: {  	s5 =	sor.u32 s5, s1;
	s1 =	simm.s32 $0x0;
	s11 =	sshrl.u32 s0, $0x1  }
0x5: {  	s6 =	sshll.u32 s5, $0xB;
	[smem:$0x7FF] =	sst s1;
	s14 =	ssub.s32 s0, s11  }
0x6: {  	p0 =	sgt.u32 s5, $0x1B;
	s13 =	sadd.s32 s6, s4;
	s12 =	sadd.s32 $0x2BF000, s6  }
0x7: {  	s15 =	sadd.s32 $0x2CF000, s6;
	s18 =	sadd.s32 $0x2DF000, s6;
	s7 =	sadd.s32 s2, s12  }
0x8: {  	s19 =	sadd.s32 $0x2EF000, s6;
	s0 =	sadd.s32 s3, s12;
	[dreg:$0x4] =	wrdreg s7  }
0x9: {  	s23 =	sadd.s32 $0x2FF000, s6;
	s16 =	sadd.s32 s2, s15;
	[dreg:$0x5] =	wrdreg s0  }
0xa: {  	s24 =	sadd.s32 $0x30F000, s6;
	s17 =	sadd.s32 s3, s15;
	[dreg:$0x6] =	wrdreg s16  }
0xb: {  	s8 =	sadd.s32 $0x31F000, s6;
	s20 =	sadd.s32 s2, s18;
	[dreg:$0x7] =	wrdreg s17  }
0xc: {  	s9 =	sadd.s32 $0x32F000, s6;
	s21 =	sadd.s32 s2, s19;
	[dreg:$0x8] =	wrdreg s20  }
0xd: {  	s22 =	sadd.s32 s3, s19;
	s25 =	sadd.s32 s2, s23;
	[dreg:$0xa] =	wrdreg s21  }
0xe: {  	s26 =	sadd.s32 s2, s24;
	s10 =	sadd.s32 s2, s8;
	[dreg:$0xb] =	wrdreg s22  }
0xf: {  	s11 =	sadd.s32 s2, s9;
	s12 =	sadd.s32 s3, s9;
	[dreg:$0xc] =	wrdreg s25  }
0x10: {  	s15 =	sadd.s32 $0x33F000, s6;
	s4 =	sadd.s32 $0x40400, s13;
	[dreg:$0xe] =	wrdreg s26  }
0x11: {  	s5 =	sadd.s32 $0x50400, s13;
	s9 =	sadd.s32 $0x90400, s13;
	[dreg:$0x10] =	wrdreg s10  }
0x12: {  	s0 =	sadd.s32 s3, s18;
	s7 =	sadd.s32 s3, s24;
	[dreg:$0x12] =	wrdreg s11  }
0x13: {  	[dreg:$0x13] =	wrdreg s12;
	s16 =	sadd.s32 $0x34F000, s6;
	s17 =	sadd.s32 s2, s15  }
0x14: {  	s20 =	sadd.s32 $0x35F000, s6;
	s21 =	sadd.s32 $0x36F000, s6;
	s24 =	sadd.s32 $0x37F000, s6  }
0x15: {  	s26 =	sadd.s32 $0x38F000, s6;
	s6 =	sadd.s32 $0x60400, s13;
	[dreg:$0x9] =	wrdreg s0  }
0x16: {  	s10 =	sadd.s32 $0xA0400, s13;
	s11 =	sadd.s32 $0xB0400, s13;
	[dreg:$0xf] =	wrdreg s7  }
0x17: {  	s12 =	sadd.s32 $0xC0400, s13;
	s0 =	sadd.s32 s3, s23;
	[dreg:$0x14] =	wrdreg s17  }
0x18: {  	s18 =	sadd.s32 s2, s16;
	s19 =	sadd.s32 s3, s16;
	s22 =	sadd.s32 s2, s20  }
0x19: {  	s23 =	sadd.s32 s2, s21;
	s25 =	sadd.s32 s3, s21;
	s28 =	sadd.s32 s2, s24  }
0x1a: {  	s29 =	sadd.s32 s3, s24;
	s30 =	sadd.s32 s2, s26;
	[dreg:$0xd] =	wrdreg s0  }
0x1b: {  	s31 =	sadd.s32 s3, s26;
	s26 =	sadd.s32 $0x400, s13;
	[dreg:$0x16] =	wrdreg s18  }
0x1c: {  	s2 =	sadd.s32 $0x20400, s13;
	s7 =	sadd.s32 $0x70400, s13;
	[dreg:$0x17] =	wrdreg s19  }
0x1d: {  	s16 =	simm.s32 $0xC000;
	s17 =	simm.s32 $0x1;
	[dreg:$0x18] =	wrdreg s22  }
0x1e: {  	s21 =	simm.s32 $0x0;
	s0 =	sadd.s32 s3, s8;
	[dreg:$0x1a] =	wrdreg s23  }
0x1f: {  	s8 =	sadd.s32 $0x80400, s13;
	s18 =	simm.s32 $0x10000;
	s19 =	simm.s32 $0x3  }
.Ltmp0:
0x20: {  	[dreg:$0x11] =	wrdreg s0;
	s0 =	sadd.s32 s3, s15;
	(pc) =	sbr.rel .LBB2_1-.Ltmp0, $4  }
0x21: {  	s15 =	simm.s32 $0x8000;
	[dreg:$0x15] =	wrdreg s0;
	s0 =	sadd.s32 s3, s20  }
0x22: {  	s3 =	sadd.s32 $0x30400, s13;
	s20 =	simm.s32 $0x2;
	[dreg:$0x19] =	wrdreg s0  }
0x23: {  	s0 =	sadd.s32 $0x10400, s13;
	s13 =	sadd.s32 $0xD0400, s13;
	_ =	strace $0x80000047  }
0x24: {  	[dreg:$0x1b] =	wrdreg s13;
	s13 =	smax.u32 s14, $0x1;
	s14 =	simm.s32 $0x4000  }
.LBB2_30:
0x25: {  	v15 =	vld [tilespmem:s22+$0xC070];
	_ =	sdelay $0x1  }
0x26: {  	v0 =	vmul.f32 v0, v6;
	v1 =	vmul.f32 v2, v1  }
0x27: {  	v54 =	vmul.f32 v4, v3;
	v55 =	vmul.f32 v8, v5  }
0x28: {  	v56 =	vmul.f32 v9, v7;
	v57 =	vmul.f32 v12, v10  }
0x29: {  	v58 =	vmul.f32 v13, v11;
	v59 =	vmul.f32 v15, v14  }
0x2a: {  	v0 =	vadd.f32 v1, v0;
	v60 =	vadd.f32 v55, v54  }
0x2b: {  	v61 =	vadd.f32 v57, v56;
	v62 =	vadd.f32 v59, v58;
	_ =	sdelay $0x1  }
0x2c: {  	v0 =	vadd.f32 v60, v0;
	v63 =	vadd.f32 v62, v61;
	_ =	sdelay $0x1  }
0x2d: {  	v0 =	vadd.f32 v63, v0;
	_ =	sdelay $0x1  }
0x2e: {  	s24 =	rddreg [dreg:$0x1b];
	[tilespmem:s22+$0x10000] =	vst v0  }
0x2f: {  	[hbm4b:s24+s1] =	stream.linear.scatter [tilespmem:s18], [sflag:$0x3], $0x4000, $0x38;
	[tilespmem:$0x14000] =	vst v63  }
0x30: {  	_ =	swait.ge [sflag:s19], $0x4000  }
0x31: {  	[sflag:s19] =	ssyncset.done $0x0  }
0x32: {  	[sflag:s19] =	ssyncadd.s32 $0xFFFFC000  }
.LBB2_31:
0x33: {  	s21 =	sadd.s32 $0x1, s21  }
0x34: {  	p1 =	sne.s32 s21, s13  }
.Ltmp1:
0x35: {  	_ = 	snop;
	(pc) =	sbr.rel @!p1 .LBB2_32-.Ltmp1, $1  }
0x36: {  	_ =	sdelay $0x3  }
.LBB2_1:
0x37: {  	s22 =	rddreg [dreg:$0x4]  }
0x38: {  	[tilespmem:s1], [sflag:$0x1] =	stream.linear.gather [hbm4b:s22+s1], $0x4000, $0x38;
	[tilespmem:$0x14000] =	vst v63  }
0x39: {  	s24 =	rddreg [dreg:$0x5]  }
0x3a: {  	[tilespmem:s14], [sflag:$0x1] =	stream.linear.gather [hbm4b:s24+s1], $0x4000, $0x38;
	[tilespmem:$0x14000] =	vst v63  }
0x3b: {  	s23 =	rddreg [dreg:$0x6]  }
0x3c: {  	[tilespmem:s15], [sflag:$0x2] =	stream.linear.gather [hbm4b:s23+s1], $0x4000, $0x38;
	[tilespmem:$0x14000] =	vst v63  }
0x3d: {  	s24 =	rddreg [dreg:$0x7]  }
0x3e: {  	[tilespmem:s16], [sflag:$0x2] =	stream.linear.gather [hbm4b:s24+s1], $0x4000, $0x38;
	[tilespmem:$0x14000] =	vst v63  }
0x3f: {  	_ =	swait.ge [sflag:s17], $0x4000  }
0x40: {  	[sflag:s17] =	ssyncset.done $0x0  }
0x41: {  	[sflag:s17] =	ssyncadd.s32 $0xFFFFC000  }
0x42: {  	_ =	swait.ge [sflag:s17], $0x4000  }
0x43: {  	[sflag:s17] =	ssyncset.done $0x0  }
0x44: {  	s22 =	simm.s32 $0x0;
	[sflag:s17] =	ssyncadd.s32 $0xFFFFC000  }
0x45: {  	v6 =	vld [tilespmem:s22+$0x0]  }
0x46: {  	v0 =	vld [tilespmem:s22+$0x4000]  }
0x47: {  	v1 =	vld [tilespmem:s22+$0x10]  }
0x48: {  	v2 =	vld [tilespmem:s22+$0x4010]  }
0x49: {  	v3 =	vld [tilespmem:s22+$0x20]  }
0x4a: {  	v4 =	vld [tilespmem:s22+$0x4020]  }
0x4b: {  	v5 =	vld [tilespmem:s22+$0x30]  }
0x4c: {  	v8 =	vld [tilespmem:s22+$0x4030]  }
0x4d: {  	v7 =	vld [tilespmem:s22+$0x40]  }
0x4e: {  	v9 =	vld [tilespmem:s22+$0x4040]  }
0x4f: {  	v10 =	vld [tilespmem:s22+$0x50]  }
0x50: {  	v12 =	vld [tilespmem:s22+$0x4050]  }
0x51: {  	v11 =	vld [tilespmem:s22+$0x60]  }
0x52: {  	v13 =	vld [tilespmem:s22+$0x4060]  }
0x53: {  	s23 =	simm.s32 $0x200;
	v14 =	vld [tilespmem:s22+$0x70]  }
.LBB2_2:
0x54: {  	s24 =	sshra.s32 s23, $0x2;
	p1 =	sne.s32 s23, $0xFE00;
	v15 =	vld [tilespmem:s22+$0x4070]  }
0x55: {  	v16 =	vld [tilespmem:s24+$0x0]  }
0x56: {  	v6 =	vmul.f32 v0, v6;
	v17 =	vmul.f32 v2, v1;
	v0 =	vld [tilespmem:s24+$0x4000]  }
0x57: {  	v18 =	vmul.f32 v4, v3;
	v5 =	vmul.f32 v8, v5;
	v1 =	vld [tilespmem:s24+$0x10]  }
0x58: {  	v7 =	vmul.f32 v9, v7;
	v8 =	vmul.f32 v12, v10;
	v2 =	vld [tilespmem:s24+$0x4010]  }
0x59: {  	v9 =	vmul.f32 v13, v11;
	v3 =	vld [tilespmem:s24+$0x20];
	v10 =	vmul.f32 v15, v14  }
0x5a: {  	v12 =	vadd.f32 v5, v18;
	v11 =	vadd.f32 v17, v6;
	v4 =	vld [tilespmem:s24+$0x4020];
	v6 =	vmov v16  }
0x5b: {  	v13 =	vadd.f32 v8, v7;
	v5 =	vld [tilespmem:s24+$0x30];
	v9 =	vadd.f32 v10, v9  }
0x5c: {  	v8 =	vld [tilespmem:s24+$0x4030]  }
0x5d: {  	v11 =	vadd.f32 v12, v11;
	v7 =	vld [tilespmem:s24+$0x40];
	v12 =	vadd.f32 v9, v13  }
0x5e: {  	v9 =	vld [tilespmem:s24+$0x4040]  }
.Ltmp2:
0x5f: {  	v10 =	vld [tilespmem:s24+$0x50];
	v13 =	vadd.f32 v12, v11;
	(pc) =	sbr.rel @p1 .LBB2_2-.Ltmp2, $4  }
0x60: {  	v12 =	vld [tilespmem:s24+$0x4050]  }
0x61: {  	v11 =	vld [tilespmem:s24+$0x60];
	[tilespmem:s22+$0x10000] =	vst v13;
	s22 =	smov.u32 s24  }
0x62: {  	v13 =	vld [tilespmem:s22+$0x4060]  }
0x63: {  	s23 =	sadd.s32 $0x200, s23;
	v14 =	vld [tilespmem:s22+$0x70]  }
0x64: {  	v15 =	vld [tilespmem:s22+$0x4070];
	_ =	sdelay $0x1  }
0x65: {  	v0 =	vmul.f32 v0, v6;
	v1 =	vmul.f32 v2, v1  }
0x66: {  	v2 =	vmul.f32 v4, v3;
	v3 =	vmul.f32 v8, v5  }
0x67: {  	v4 =	vmul.f32 v9, v7;
	v5 =	vmul.f32 v12, v10  }
0x68: {  	v6 =	vmul.f32 v13, v11;
	v7 =	vmul.f32 v15, v14  }
0x69: {  	v0 =	vadd.f32 v1, v0;
	v1 =	vadd.f32 v3, v2  }
0x6a: {  	v2 =	vadd.f32 v5, v4;
	v3 =	vadd.f32 v7, v6;
	_ =	sdelay $0x1  }
0x6b: {  	v0 =	vadd.f32 v1, v0;
	v1 =	vadd.f32 v3, v2;
	_ =	sdelay $0x1  }
0x6c: {  	v0 =	vadd.f32 v1, v0;
	_ =	sdelay $0x1  }
0x6d: {  	[tilespmem:s22+$0x10000] =	vst v0;
	s22 =	simm.s32 $0x0  }
0x6e: {  	[hbm4b:s26+s22] =	stream.linear.scatter [tilespmem:s18], [sflag:$0x3], $0x4000, $0x38;
	[tilespmem:$0x14000] =	vst v63  }
0x6f: {  	_ =	swait.ge [sflag:s19], $0x4000  }
0x70: {  	[sflag:s19] =	ssyncset.done $0x0  }
0x71: {  	s23 =	rddreg [dreg:$0x8];
	[sflag:s19] =	ssyncadd.s32 $0xFFFFC000  }
0x72: {  	[tilespmem:s22], [sflag:$0x1] =	stream.linear.gather [hbm4b:s23+s22], $0x4000, $0x38;
	[tilespmem:$0x14000] =	vst v63  }
0x73: {  	s24 =	rddreg [dreg:$0x9]  }
0x74: {  	[tilespmem:s14], [sflag:$0x1] =	stream.linear.gather [hbm4b:s24+s22], $0x4000, $0x38;
	[tilespmem:$0x14000] =	vst v63  }
0x75: {  	_ =	swait.ge [sflag:s20], $0x4000  }
0x76: {  	[sflag:s20] =	ssyncset.done $0x0  }
0x77: {  	[sflag:s20] =	ssyncadd.s32 $0xFFFFC000  }
0x78: {  	_ =	swait.ge [sflag:s20], $0x4000  }
0x79: {  	[sflag:s20] =	ssyncset.done $0x0  }
0x7a: {  	s22 =	simm.s32 $0x0;
	[sflag:s20] =	ssyncadd.s32 $0xFFFFC000  }
0x7b: {  	v6 =	vld [tilespmem:s22+$0x8000]  }
0x7c: {  	v0 =	vld [tilespmem:s22+$0xC000]  }
0x7d: {  	v1 =	vld [tilespmem:s22+$0x8010]  }
0x7e: {  	v2 =	vld [tilespmem:s22+$0xC010]  }
0x7f: {  	v3 =	vld [tilespmem:s22+$0x8020]  }
0x80: {  	v4 =	vld [tilespmem:s22+$0xC020]  }
0x81: {  	v5 =	vld [tilespmem:s22+$0x8030]  }
0x82: {  	v8 =	vld [tilespmem:s22+$0xC030]  }
0x83: {  	v7 =	vld [tilespmem:s22+$0x8040]  }
0x84: {  	v9 =	vld [tilespmem:s22+$0xC040]  }
0x85: {  	v10 =	vld [tilespmem:s22+$0x8050]  }
0x86: {  	v12 =	vld [tilespmem:s22+$0xC050]  }
0x87: {  	v11 =	vld [tilespmem:s22+$0x8060]  }
0x88: {  	v13 =	vld [tilespmem:s22+$0xC060]  }
0x89: {  	s23 =	simm.s32 $0x200;
	v14 =	vld [tilespmem:s22+$0x8070]  }
.LBB2_4:
0x8a: {  	s24 =	sshra.s32 s23, $0x2;
	p1 =	sne.s32 s23, $0xFE00;
	v15 =	vld [tilespmem:s22+$0xC070]  }
0x8b: {  	v16 =	vld [tilespmem:s24+$0x8000]  }
0x8c: {  	v6 =	vmul.f32 v0, v6;
	v17 =	vmul.f32 v2, v1;
	v0 =	vld [tilespmem:s24+$0xC000]  }
0x8d: {  	v18 =	vmul.f32 v4, v3;
	v5 =	vmul.f32 v8, v5;
	v1 =	vld [tilespmem:s24+$0x8010]  }
0x8e: {  	v7 =	vmul.f32 v9, v7;
	v8 =	vmul.f32 v12, v10;
	v2 =	vld [tilespmem:s24+$0xC010]  }
0x8f: {  	v9 =	vmul.f32 v13, v11;
	v3 =	vld [tilespmem:s24+$0x8020];
	v10 =	vmul.f32 v15, v14  }
0x90: {  	v12 =	vadd.f32 v5, v18;
	v11 =	vadd.f32 v17, v6;
	v4 =	vld [tilespmem:s24+$0xC020];
	v6 =	vmov v16  }
0x91: {  	v13 =	vadd.f32 v8, v7;
	v5 =	vld [tilespmem:s24+$0x8030];
	v9 =	vadd.f32 v10, v9  }
0x92: {  	v8 =	vld [tilespmem:s24+$0xC030]  }
0x93: {  	v11 =	vadd.f32 v12, v11;
	v7 =	vld [tilespmem:s24+$0x8040];
	v12 =	vadd.f32 v9, v13  }
0x94: {  	v9 =	vld [tilespmem:s24+$0xC040]  }
.Ltmp3:
0x95: {  	v10 =	vld [tilespmem:s24+$0x8050];
	v13 =	vadd.f32 v12, v11;
	(pc) =	sbr.rel @p1 .LBB2_4-.Ltmp3, $4  }
0x96: {  	v12 =	vld [tilespmem:s24+$0xC050]  }
0x97: {  	v11 =	vld [tilespmem:s24+$0x8060];
	[tilespmem:s22+$0x10000] =	vst v13;
	s22 =	smov.u32 s24  }
0x98: {  	v13 =	vld [tilespmem:s22+$0xC060]  }
0x99: {  	s23 =	sadd.s32 $0x200, s23;
	v14 =	vld [tilespmem:s22+$0x8070]  }
0x9a: {  	v15 =	vld [tilespmem:s22+$0xC070];
	_ =	sdelay $0x1  }
0x9b: {  	v0 =	vmul.f32 v0, v6;
	v1 =	vmul.f32 v2, v1  }
0x9c: {  	v2 =	vmul.f32 v4, v3;
	v3 =	vmul.f32 v8, v5  }
0x9d: {  	v4 =	vmul.f32 v9, v7;
	v5 =	vmul.f32 v12, v10  }
0x9e: {  	v6 =	vmul.f32 v13, v11;
	v7 =	vmul.f32 v15, v14  }
0x9f: {  	v0 =	vadd.f32 v1, v0;
	v1 =	vadd.f32 v3, v2  }
0xa0: {  	v2 =	vadd.f32 v5, v4;
	v3 =	vadd.f32 v7, v6;
	_ =	sdelay $0x1  }
0xa1: {  	v0 =	vadd.f32 v1, v0;
	v1 =	vadd.f32 v3, v2;
	_ =	sdelay $0x1  }
0xa2: {  	v0 =	vadd.f32 v1, v0;
	_ =	sdelay $0x1  }
0xa3: {  	[tilespmem:s22+$0x10000] =	vst v0;
	s22 =	simm.s32 $0x0  }
0xa4: {  	[hbm4b:s0+s22] =	stream.linear.scatter [tilespmem:s18], [sflag:$0x3], $0x4000, $0x38;
	[tilespmem:$0x14000] =	vst v63  }
0xa5: {  	_ =	swait.ge [sflag:s19], $0x4000  }
0xa6: {  	[sflag:s19] =	ssyncset.done $0x0  }
0xa7: {  	s23 =	rddreg [dreg:$0xa];
	[sflag:s19] =	ssyncadd.s32 $0xFFFFC000  }
0xa8: {  	[tilespmem:s15], [sflag:$0x2] =	stream.linear.gather [hbm4b:s23+s22], $0x4000, $0x38;
	[tilespmem:$0x14000] =	vst v63  }
0xa9: {  	s24 =	rddreg [dreg:$0xb]  }
0xaa: {  	[tilespmem:s16], [sflag:$0x2] =	stream.linear.gather [hbm4b:s24+s22], $0x4000, $0x38;
	[tilespmem:$0x14000] =	vst v63  }
0xab: {  	_ =	swait.ge [sflag:s17], $0x4000  }
0xac: {  	[sflag:s17] =	ssyncset.done $0x0  }
0xad: {  	[sflag:s17] =	ssyncadd.s32 $0xFFFFC000  }
0xae: {  	_ =	swait.ge [sflag:s17], $0x4000  }
0xaf: {  	[sflag:s17] =	ssyncset.done $0x0  }
0xb0: {  	s22 =	simm.s32 $0x0;
	[sflag:s17] =	ssyncadd.s32 $0xFFFFC000  }
0xb1: {  	v6 =	vld [tilespmem:s22+$0x0]  }
0xb2: {  	v0 =	vld [tilespmem:s22+$0x4000]  }
0xb3: {  	v1 =	vld [tilespmem:s22+$0x10]  }
0xb4: {  	v2 =	vld [tilespmem:s22+$0x4010]  }
0xb5: {  	v3 =	vld [tilespmem:s22+$0x20]  }
0xb6: {  	v4 =	vld [tilespmem:s22+$0x4020]  }
0xb7: {  	v5 =	vld [tilespmem:s22+$0x30]  }
0xb8: {  	v8 =	vld [tilespmem:s22+$0x4030]  }
0xb9: {  	v7 =	vld [tilespmem:s22+$0x40]  }
0xba: {  	v9 =	vld [tilespmem:s22+$0x4040]  }
0xbb: {  	v10 =	vld [tilespmem:s22+$0x50]  }
0xbc: {  	v12 =	vld [tilespmem:s22+$0x4050]  }
0xbd: {  	v11 =	vld [tilespmem:s22+$0x60]  }
0xbe: {  	v13 =	vld [tilespmem:s22+$0x4060]  }
0xbf: {  	s23 =	simm.s32 $0x200;
	v14 =	vld [tilespmem:s22+$0x70]  }
.LBB2_6:
0xc0: {  	s24 =	sshra.s32 s23, $0x2;
	p1 =	sne.s32 s23, $0xFE00;
	v15 =	vld [tilespmem:s22+$0x4070]  }
0xc1: {  	v16 =	vld [tilespmem:s24+$0x0]  }
0xc2: {  	v6 =	vmul.f32 v0, v6;
	v17 =	vmul.f32 v2, v1;
	v0 =	vld [tilespmem:s24+$0x4000]  }
0xc3: {  	v18 =	vmul.f32 v4, v3;
	v5 =	vmul.f32 v8, v5;
	v1 =	vld [tilespmem:s24+$0x10]  }
0xc4: {  	v7 =	vmul.f32 v9, v7;
	v8 =	vmul.f32 v12, v10;
	v2 =	vld [tilespmem:s24+$0x4010]  }
0xc5: {  	v9 =	vmul.f32 v13, v11;
	v3 =	vld [tilespmem:s24+$0x20];
	v10 =	vmul.f32 v15, v14  }
0xc6: {  	v12 =	vadd.f32 v5, v18;
	v11 =	vadd.f32 v17, v6;
	v4 =	vld [tilespmem:s24+$0x4020];
	v6 =	vmov v16  }
0xc7: {  	v13 =	vadd.f32 v8, v7;
	v5 =	vld [tilespmem:s24+$0x30];
	v9 =	vadd.f32 v10, v9  }
0xc8: {  	v8 =	vld [tilespmem:s24+$0x4030]  }
0xc9: {  	v11 =	vadd.f32 v12, v11;
	v7 =	vld [tilespmem:s24+$0x40];
	v12 =	vadd.f32 v9, v13  }
0xca: {  	v9 =	vld [tilespmem:s24+$0x4040]  }
.Ltmp4:
0xcb: {  	v10 =	vld [tilespmem:s24+$0x50];
	v13 =	vadd.f32 v12, v11;
	(pc) =	sbr.rel @p1 .LBB2_6-.Ltmp4, $4  }
0xcc: {  	v12 =	vld [tilespmem:s24+$0x4050]  }
0xcd: {  	v11 =	vld [tilespmem:s24+$0x60];
	[tilespmem:s22+$0x10000] =	vst v13;
	s22 =	smov.u32 s24  }
0xce: {  	v13 =	vld [tilespmem:s22+$0x4060]  }
0xcf: {  	s23 =	sadd.s32 $0x200, s23;
	v14 =	vld [tilespmem:s22+$0x70]  }
0xd0: {  	v15 =	vld [tilespmem:s22+$0x4070];
	_ =	sdelay $0x1  }
0xd1: {  	v0 =	vmul.f32 v0, v6;
	v1 =	vmul.f32 v2, v1  }
0xd2: {  	v2 =	vmul.f32 v4, v3;
	v3 =	vmul.f32 v8, v5  }
0xd3: {  	v4 =	vmul.f32 v9, v7;
	v5 =	vmul.f32 v12, v10  }
0xd4: {  	v6 =	vmul.f32 v13, v11;
	v7 =	vmul.f32 v15, v14  }
0xd5: {  	v0 =	vadd.f32 v1, v0;
	v1 =	vadd.f32 v3, v2  }
0xd6: {  	v2 =	vadd.f32 v5, v4;
	v3 =	vadd.f32 v7, v6;
	_ =	sdelay $0x1  }
0xd7: {  	v0 =	vadd.f32 v1, v0;
	v1 =	vadd.f32 v3, v2;
	_ =	sdelay $0x1  }
0xd8: {  	v0 =	vadd.f32 v1, v0;
	_ =	sdelay $0x1  }
0xd9: {  	[tilespmem:s22+$0x10000] =	vst v0;
	s22 =	simm.s32 $0x0  }
0xda: {  	[hbm4b:s2+s22] =	stream.linear.scatter [tilespmem:s18], [sflag:$0x3], $0x4000, $0x38;
	[tilespmem:$0x14000] =	vst v63  }
0xdb: {  	_ =	swait.ge [sflag:s19], $0x4000  }
0xdc: {  	[sflag:s19] =	ssyncset.done $0x0  }
0xdd: {  	s23 =	rddreg [dreg:$0xc];
	[sflag:s19] =	ssyncadd.s32 $0xFFFFC000  }
0xde: {  	[tilespmem:s22], [sflag:$0x1] =	stream.linear.gather [hbm4b:s23+s22], $0x4000, $0x38;
	[tilespmem:$0x14000] =	vst v63  }
0xdf: {  	s24 =	rddreg [dreg:$0xd]  }
0xe0: {  	[tilespmem:s14], [sflag:$0x1] =	stream.linear.gather [hbm4b:s24+s22], $0x4000, $0x38;
	[tilespmem:$0x14000] =	vst v63  }
0xe1: {  	_ =	swait.ge [sflag:s20], $0x4000  }
0xe2: {  	[sflag:s20] =	ssyncset.done $0x0  }
0xe3: {  	[sflag:s20] =	ssyncadd.s32 $0xFFFFC000  }
0xe4: {  	_ =	swait.ge [sflag:s20], $0x4000  }
0xe5: {  	[sflag:s20] =	ssyncset.done $0x0  }
0xe6: {  	s22 =	simm.s32 $0x0;
	[sflag:s20] =	ssyncadd.s32 $0xFFFFC000  }
0xe7: {  	v6 =	vld [tilespmem:s22+$0x8000]  }
0xe8: {  	v0 =	vld [tilespmem:s22+$0xC000]  }
0xe9: {  	v1 =	vld [tilespmem:s22+$0x8010]  }
0xea: {  	v2 =	vld [tilespmem:s22+$0xC010]  }
0xeb: {  	v3 =	vld [tilespmem:s22+$0x8020]  }
0xec: {  	v4 =	vld [tilespmem:s22+$0xC020]  }
0xed: {  	v5 =	vld [tilespmem:s22+$0x8030]  }
0xee: {  	v8 =	vld [tilespmem:s22+$0xC030]  }
0xef: {  	v7 =	vld [tilespmem:s22+$0x8040]  }
0xf0: {  	v9 =	vld [tilespmem:s22+$0xC040]  }
0xf1: {  	v10 =	vld [tilespmem:s22+$0x8050]  }
0xf2: {  	v12 =	vld [tilespmem:s22+$0xC050]  }
0xf3: {  	v11 =	vld [tilespmem:s22+$0x8060]  }
0xf4: {  	v13 =	vld [tilespmem:s22+$0xC060]  }
0xf5: {  	s23 =	simm.s32 $0x200;
	v14 =	vld [tilespmem:s22+$0x8070]  }
.LBB2_8:
0xf6: {  	s24 =	sshra.s32 s23, $0x2;
	p1 =	sne.s32 s23, $0xFE00;
	v15 =	vld [tilespmem:s22+$0xC070]  }
0xf7: {  	v16 =	vld [tilespmem:s24+$0x8000]  }
0xf8: {  	v6 =	vmul.f32 v0, v6;
	v17 =	vmul.f32 v2, v1;
	v0 =	vld [tilespmem:s24+$0xC000]  }
0xf9: {  	v18 =	vmul.f32 v4, v3;
	v5 =	vmul.f32 v8, v5;
	v1 =	vld [tilespmem:s24+$0x8010]  }
0xfa: {  	v7 =	vmul.f32 v9, v7;
	v8 =	vmul.f32 v12, v10;
	v2 =	vld [tilespmem:s24+$0xC010]  }
0xfb: {  	v9 =	vmul.f32 v13, v11;
	v3 =	vld [tilespmem:s24+$0x8020];
	v10 =	vmul.f32 v15, v14  }
0xfc: {  	v12 =	vadd.f32 v5, v18;
	v11 =	vadd.f32 v17, v6;
	v4 =	vld [tilespmem:s24+$0xC020];
	v6 =	vmov v16  }
0xfd: {  	v13 =	vadd.f32 v8, v7;
	v5 =	vld [tilespmem:s24+$0x8030];
	v9 =	vadd.f32 v10, v9  }
0xfe: {  	v8 =	vld [tilespmem:s24+$0xC030]  }
0xff: {  	v11 =	vadd.f32 v12, v11;
	v7 =	vld [tilespmem:s24+$0x8040];
	v12 =	vadd.f32 v9, v13  }
0x100: {  	v9 =	vld [tilespmem:s24+$0xC040]  }
.Ltmp5:
0x101: {  	v10 =	vld [tilespmem:s24+$0x8050];
	v13 =	vadd.f32 v12, v11;
	(pc) =	sbr.rel @p1 .LBB2_8-.Ltmp5, $4  }
0x102: {  	v12 =	vld [tilespmem:s24+$0xC050]  }
0x103: {  	v11 =	vld [tilespmem:s24+$0x8060];
	[tilespmem:s22+$0x10000] =	vst v13;
	s22 =	smov.u32 s24  }
0x104: {  	v13 =	vld [tilespmem:s22+$0xC060]  }
0x105: {  	s23 =	sadd.s32 $0x200, s23;
	v14 =	vld [tilespmem:s22+$0x8070]  }
0x106: {  	v15 =	vld [tilespmem:s22+$0xC070];
	_ =	sdelay $0x1  }
0x107: {  	v0 =	vmul.f32 v0, v6;
	v1 =	vmul.f32 v2, v1  }
0x108: {  	v2 =	vmul.f32 v4, v3;
	v3 =	vmul.f32 v8, v5  }
0x109: {  	v4 =	vmul.f32 v9, v7;
	v5 =	vmul.f32 v12, v10  }
0x10a: {  	v6 =	vmul.f32 v13, v11;
	v7 =	vmul.f32 v15, v14  }
0x10b: {  	v0 =	vadd.f32 v1, v0;
	v1 =	vadd.f32 v3, v2  }
0x10c: {  	v2 =	vadd.f32 v5, v4;
	v3 =	vadd.f32 v7, v6;
	_ =	sdelay $0x1  }
0x10d: {  	v0 =	vadd.f32 v1, v0;
	v1 =	vadd.f32 v3, v2;
	_ =	sdelay $0x1  }
0x10e: {  	v0 =	vadd.f32 v1, v0;
	_ =	sdelay $0x1  }
0x10f: {  	[tilespmem:s22+$0x10000] =	vst v0;
	s22 =	simm.s32 $0x0  }
0x110: {  	[hbm4b:s3+s22] =	stream.linear.scatter [tilespmem:s18], [sflag:$0x3], $0x4000, $0x38;
	[tilespmem:$0x14000] =	vst v63  }
0x111: {  	_ =	swait.ge [sflag:s19], $0x4000  }
0x112: {  	[sflag:s19] =	ssyncset.done $0x0  }
0x113: {  	s23 =	rddreg [dreg:$0xe];
	[sflag:s19] =	ssyncadd.s32 $0xFFFFC000  }
0x114: {  	[tilespmem:s15], [sflag:$0x2] =	stream.linear.gather [hbm4b:s23+s22], $0x4000, $0x38;
	[tilespmem:$0x14000] =	vst v63  }
0x115: {  	s24 =	rddreg [dreg:$0xf]  }
0x116: {  	[tilespmem:s16], [sflag:$0x2] =	stream.linear.gather [hbm4b:s24+s22], $0x4000, $0x38;
	[tilespmem:$0x14000] =	vst v63  }
0x117: {  	_ =	swait.ge [sflag:s17], $0x4000  }
0x118: {  	[sflag:s17] =	ssyncset.done $0x0  }
0x119: {  	[sflag:s17] =	ssyncadd.s32 $0xFFFFC000  }
0x11a: {  	_ =	swait.ge [sflag:s17], $0x4000  }
0x11b: {  	[sflag:s17] =	ssyncset.done $0x0  }
0x11c: {  	s22 =	simm.s32 $0x0;
	[sflag:s17] =	ssyncadd.s32 $0xFFFFC000  }
0x11d: {  	v6 =	vld [tilespmem:s22+$0x0]  }
0x11e: {  	v0 =	vld [tilespmem:s22+$0x4000]  }
0x11f: {  	v1 =	vld [tilespmem:s22+$0x10]  }
0x120: {  	v2 =	vld [tilespmem:s22+$0x4010]  }
0x121: {  	v3 =	vld [tilespmem:s22+$0x20]  }
0x122: {  	v4 =	vld [tilespmem:s22+$0x4020]  }
0x123: {  	v5 =	vld [tilespmem:s22+$0x30]  }
0x124: {  	v8 =	vld [tilespmem:s22+$0x4030]  }
0x125: {  	v7 =	vld [tilespmem:s22+$0x40]  }
0x126: {  	v9 =	vld [tilespmem:s22+$0x4040]  }
0x127: {  	v10 =	vld [tilespmem:s22+$0x50]  }
0x128: {  	v12 =	vld [tilespmem:s22+$0x4050]  }
0x129: {  	v11 =	vld [tilespmem:s22+$0x60]  }
0x12a: {  	v13 =	vld [tilespmem:s22+$0x4060]  }
0x12b: {  	s23 =	simm.s32 $0x200;
	v14 =	vld [tilespmem:s22+$0x70]  }
.LBB2_10:
0x12c: {  	s24 =	sshra.s32 s23, $0x2;
	p1 =	sne.s32 s23, $0xFE00;
	v15 =	vld [tilespmem:s22+$0x4070]  }
0x12d: {  	v16 =	vld [tilespmem:s24+$0x0]  }
0x12e: {  	v6 =	vmul.f32 v0, v6;
	v17 =	vmul.f32 v2, v1;
	v0 =	vld [tilespmem:s24+$0x4000]  }
0x12f: {  	v18 =	vmul.f32 v4, v3;
	v5 =	vmul.f32 v8, v5;
	v1 =	vld [tilespmem:s24+$0x10]  }
0x130: {  	v7 =	vmul.f32 v9, v7;
	v8 =	vmul.f32 v12, v10;
	v2 =	vld [tilespmem:s24+$0x4010]  }
0x131: {  	v9 =	vmul.f32 v13, v11;
	v3 =	vld [tilespmem:s24+$0x20];
	v10 =	vmul.f32 v15, v14  }
0x132: {  	v12 =	vadd.f32 v5, v18;
	v11 =	vadd.f32 v17, v6;
	v4 =	vld [tilespmem:s24+$0x4020];
	v6 =	vmov v16  }
0x133: {  	v13 =	vadd.f32 v8, v7;
	v5 =	vld [tilespmem:s24+$0x30];
	v9 =	vadd.f32 v10, v9  }
0x134: {  	v8 =	vld [tilespmem:s24+$0x4030]  }
0x135: {  	v11 =	vadd.f32 v12, v11;
	v7 =	vld [tilespmem:s24+$0x40];
	v12 =	vadd.f32 v9, v13  }
0x136: {  	v9 =	vld [tilespmem:s24+$0x4040]  }
.Ltmp6:
0x137: {  	v10 =	vld [tilespmem:s24+$0x50];
	v13 =	vadd.f32 v12, v11;
	(pc) =	sbr.rel @p1 .LBB2_10-.Ltmp6, $4  }
0x138: {  	v12 =	vld [tilespmem:s24+$0x4050]  }
0x139: {  	v11 =	vld [tilespmem:s24+$0x60];
	[tilespmem:s22+$0x10000] =	vst v13;
	s22 =	smov.u32 s24  }
0x13a: {  	v13 =	vld [tilespmem:s22+$0x4060]  }
0x13b: {  	s23 =	sadd.s32 $0x200, s23;
	v14 =	vld [tilespmem:s22+$0x70]  }
0x13c: {  	v15 =	vld [tilespmem:s22+$0x4070];
	_ =	sdelay $0x1  }
0x13d: {  	v0 =	vmul.f32 v0, v6;
	v1 =	vmul.f32 v2, v1  }
0x13e: {  	v2 =	vmul.f32 v4, v3;
	v3 =	vmul.f32 v8, v5  }
0x13f: {  	v4 =	vmul.f32 v9, v7;
	v5 =	vmul.f32 v12, v10  }
0x140: {  	v6 =	vmul.f32 v13, v11;
	v7 =	vmul.f32 v15, v14  }
0x141: {  	v0 =	vadd.f32 v1, v0;
	v1 =	vadd.f32 v3, v2  }
0x142: {  	v2 =	vadd.f32 v5, v4;
	v3 =	vadd.f32 v7, v6;
	_ =	sdelay $0x1  }
0x143: {  	v0 =	vadd.f32 v1, v0;
	v1 =	vadd.f32 v3, v2;
	_ =	sdelay $0x1  }
0x144: {  	v0 =	vadd.f32 v1, v0;
	_ =	sdelay $0x1  }
0x145: {  	[tilespmem:s22+$0x10000] =	vst v0;
	s22 =	simm.s32 $0x0  }
0x146: {  	[hbm4b:s4+s22] =	stream.linear.scatter [tilespmem:s18], [sflag:$0x3], $0x4000, $0x38;
	[tilespmem:$0x14000] =	vst v63  }
0x147: {  	_ =	swait.ge [sflag:s19], $0x4000  }
0x148: {  	[sflag:s19] =	ssyncset.done $0x0  }
0x149: {  	s23 =	rddreg [dreg:$0x10];
	[sflag:s19] =	ssyncadd.s32 $0xFFFFC000  }
0x14a: {  	[tilespmem:s22], [sflag:$0x1] =	stream.linear.gather [hbm4b:s23+s22], $0x4000, $0x38;
	[tilespmem:$0x14000] =	vst v63  }
0x14b: {  	s24 =	rddreg [dreg:$0x11]  }
0x14c: {  	[tilespmem:s14], [sflag:$0x1] =	stream.linear.gather [hbm4b:s24+s22], $0x4000, $0x38;
	[tilespmem:$0x14000] =	vst v63  }
0x14d: {  	_ =	swait.ge [sflag:s20], $0x4000  }
0x14e: {  	[sflag:s20] =	ssyncset.done $0x0  }
0x14f: {  	[sflag:s20] =	ssyncadd.s32 $0xFFFFC000  }
0x150: {  	_ =	swait.ge [sflag:s20], $0x4000  }
0x151: {  	[sflag:s20] =	ssyncset.done $0x0  }
0x152: {  	s22 =	simm.s32 $0x0;
	[sflag:s20] =	ssyncadd.s32 $0xFFFFC000  }
0x153: {  	v6 =	vld [tilespmem:s22+$0x8000]  }
0x154: {  	v0 =	vld [tilespmem:s22+$0xC000]  }
0x155: {  	v1 =	vld [tilespmem:s22+$0x8010]  }
0x156: {  	v2 =	vld [tilespmem:s22+$0xC010]  }
0x157: {  	v3 =	vld [tilespmem:s22+$0x8020]  }
0x158: {  	v4 =	vld [tilespmem:s22+$0xC020]  }
0x159: {  	v5 =	vld [tilespmem:s22+$0x8030]  }
0x15a: {  	v8 =	vld [tilespmem:s22+$0xC030]  }
0x15b: {  	v7 =	vld [tilespmem:s22+$0x8040]  }
0x15c: {  	v9 =	vld [tilespmem:s22+$0xC040]  }
0x15d: {  	v10 =	vld [tilespmem:s22+$0x8050]  }
0x15e: {  	v12 =	vld [tilespmem:s22+$0xC050]  }
0x15f: {  	v11 =	vld [tilespmem:s22+$0x8060]  }
0x160: {  	v13 =	vld [tilespmem:s22+$0xC060]  }
0x161: {  	s23 =	simm.s32 $0x200;
	v14 =	vld [tilespmem:s22+$0x8070]  }
.LBB2_12:
0x162: {  	s24 =	sshra.s32 s23, $0x2;
	p1 =	sne.s32 s23, $0xFE00;
	v15 =	vld [tilespmem:s22+$0xC070]  }
0x163: {  	v16 =	vld [tilespmem:s24+$0x8000]  }
0x164: {  	v6 =	vmul.f32 v0, v6;
	v17 =	vmul.f32 v2, v1;
	v0 =	vld [tilespmem:s24+$0xC000]  }
0x165: {  	v18 =	vmul.f32 v4, v3;
	v5 =	vmul.f32 v8, v5;
	v1 =	vld [tilespmem:s24+$0x8010]  }
0x166: {  	v7 =	vmul.f32 v9, v7;
	v8 =	vmul.f32 v12, v10;
	v2 =	vld [tilespmem:s24+$0xC010]  }
0x167: {  	v9 =	vmul.f32 v13, v11;
	v3 =	vld [tilespmem:s24+$0x8020];
	v10 =	vmul.f32 v15, v14  }
0x168: {  	v12 =	vadd.f32 v5, v18;
	v11 =	vadd.f32 v17, v6;
	v4 =	vld [tilespmem:s24+$0xC020];
	v6 =	vmov v16  }
0x169: {  	v13 =	vadd.f32 v8, v7;
	v5 =	vld [tilespmem:s24+$0x8030];
	v9 =	vadd.f32 v10, v9  }
0x16a: {  	v8 =	vld [tilespmem:s24+$0xC030]  }
0x16b: {  	v11 =	vadd.f32 v12, v11;
	v7 =	vld [tilespmem:s24+$0x8040];
	v12 =	vadd.f32 v9, v13  }
0x16c: {  	v9 =	vld [tilespmem:s24+$0xC040]  }
.Ltmp7:
0x16d: {  	v10 =	vld [tilespmem:s24+$0x8050];
	v13 =	vadd.f32 v12, v11;
	(pc) =	sbr.rel @p1 .LBB2_12-.Ltmp7, $4  }
0x16e: {  	v12 =	vld [tilespmem:s24+$0xC050]  }
0x16f: {  	v11 =	vld [tilespmem:s24+$0x8060];
	[tilespmem:s22+$0x10000] =	vst v13;
	s22 =	smov.u32 s24  }
0x170: {  	v13 =	vld [tilespmem:s22+$0xC060]  }
0x171: {  	s23 =	sadd.s32 $0x200, s23;
	v14 =	vld [tilespmem:s22+$0x8070]  }
0x172: {  	v15 =	vld [tilespmem:s22+$0xC070];
	_ =	sdelay $0x1  }
0x173: {  	v0 =	vmul.f32 v0, v6;
	v1 =	vmul.f32 v2, v1  }
0x174: {  	v2 =	vmul.f32 v4, v3;
	v3 =	vmul.f32 v8, v5  }
0x175: {  	v4 =	vmul.f32 v9, v7;
	v5 =	vmul.f32 v12, v10  }
0x176: {  	v6 =	vmul.f32 v13, v11;
	v7 =	vmul.f32 v15, v14  }
0x177: {  	v0 =	vadd.f32 v1, v0;
	v1 =	vadd.f32 v3, v2  }
0x178: {  	v2 =	vadd.f32 v5, v4;
	v3 =	vadd.f32 v7, v6;
	_ =	sdelay $0x1  }
0x179: {  	v0 =	vadd.f32 v1, v0;
	v1 =	vadd.f32 v3, v2;
	_ =	sdelay $0x1  }
0x17a: {  	v0 =	vadd.f32 v1, v0;
	_ =	sdelay $0x1  }
0x17b: {  	[tilespmem:s22+$0x10000] =	vst v0;
	s22 =	simm.s32 $0x0  }
0x17c: {  	[hbm4b:s5+s22] =	stream.linear.scatter [tilespmem:s18], [sflag:$0x3], $0x4000, $0x38;
	[tilespmem:$0x14000] =	vst v63  }
0x17d: {  	_ =	swait.ge [sflag:s19], $0x4000  }
0x17e: {  	[sflag:s19] =	ssyncset.done $0x0  }
0x17f: {  	s23 =	rddreg [dreg:$0x12];
	[sflag:s19] =	ssyncadd.s32 $0xFFFFC000  }
0x180: {  	[tilespmem:s15], [sflag:$0x2] =	stream.linear.gather [hbm4b:s23+s22], $0x4000, $0x38;
	[tilespmem:$0x14000] =	vst v63  }
0x181: {  	s24 =	rddreg [dreg:$0x13]  }
0x182: {  	[tilespmem:s16], [sflag:$0x2] =	stream.linear.gather [hbm4b:s24+s22], $0x4000, $0x38;
	[tilespmem:$0x14000] =	vst v63  }
0x183: {  	_ =	swait.ge [sflag:s17], $0x4000  }
0x184: {  	[sflag:s17] =	ssyncset.done $0x0  }
0x185: {  	[sflag:s17] =	ssyncadd.s32 $0xFFFFC000  }
0x186: {  	_ =	swait.ge [sflag:s17], $0x4000  }
0x187: {  	[sflag:s17] =	ssyncset.done $0x0  }
0x188: {  	s22 =	simm.s32 $0x0;
	[sflag:s17] =	ssyncadd.s32 $0xFFFFC000  }
0x189: {  	v6 =	vld [tilespmem:s22+$0x0]  }
0x18a: {  	v0 =	vld [tilespmem:s22+$0x4000]  }
0x18b: {  	v1 =	vld [tilespmem:s22+$0x10]  }
0x18c: {  	v2 =	vld [tilespmem:s22+$0x4010]  }
0x18d: {  	v3 =	vld [tilespmem:s22+$0x20]  }
0x18e: {  	v4 =	vld [tilespmem:s22+$0x4020]  }
0x18f: {  	v5 =	vld [tilespmem:s22+$0x30]  }
0x190: {  	v8 =	vld [tilespmem:s22+$0x4030]  }
0x191: {  	v7 =	vld [tilespmem:s22+$0x40]  }
0x192: {  	v9 =	vld [tilespmem:s22+$0x4040]  }
0x193: {  	v10 =	vld [tilespmem:s22+$0x50]  }
0x194: {  	v12 =	vld [tilespmem:s22+$0x4050]  }
0x195: {  	v11 =	vld [tilespmem:s22+$0x60]  }
0x196: {  	v13 =	vld [tilespmem:s22+$0x4060]  }
0x197: {  	s23 =	simm.s32 $0x200;
	v14 =	vld [tilespmem:s22+$0x70]  }
.LBB2_14:
0x198: {  	s24 =	sshra.s32 s23, $0x2;
	p1 =	sne.s32 s23, $0xFE00;
	v15 =	vld [tilespmem:s22+$0x4070]  }
0x199: {  	v16 =	vld [tilespmem:s24+$0x0]  }
0x19a: {  	v6 =	vmul.f32 v0, v6;
	v17 =	vmul.f32 v2, v1;
	v0 =	vld [tilespmem:s24+$0x4000]  }
0x19b: {  	v18 =	vmul.f32 v4, v3;
	v5 =	vmul.f32 v8, v5;
	v1 =	vld [tilespmem:s24+$0x10]  }
0x19c: {  	v7 =	vmul.f32 v9, v7;
	v8 =	vmul.f32 v12, v10;
	v2 =	vld [tilespmem:s24+$0x4010]  }
0x19d: {  	v9 =	vmul.f32 v13, v11;
	v3 =	vld [tilespmem:s24+$0x20];
	v10 =	vmul.f32 v15, v14  }
0x19e: {  	v12 =	vadd.f32 v5, v18;
	v11 =	vadd.f32 v17, v6;
	v4 =	vld [tilespmem:s24+$0x4020];
	v6 =	vmov v16  }
0x19f: {  	v13 =	vadd.f32 v8, v7;
	v5 =	vld [tilespmem:s24+$0x30];
	v9 =	vadd.f32 v10, v9  }
0x1a0: {  	v8 =	vld [tilespmem:s24+$0x4030]  }
0x1a1: {  	v11 =	vadd.f32 v12, v11;
	v7 =	vld [tilespmem:s24+$0x40];
	v12 =	vadd.f32 v9, v13  }
0x1a2: {  	v9 =	vld [tilespmem:s24+$0x4040]  }
.Ltmp8:
0x1a3: {  	v10 =	vld [tilespmem:s24+$0x50];
	v13 =	vadd.f32 v12, v11;
	(pc) =	sbr.rel @p1 .LBB2_14-.Ltmp8, $4  }
0x1a4: {  	v12 =	vld [tilespmem:s24+$0x4050]  }
0x1a5: {  	v11 =	vld [tilespmem:s24+$0x60];
	[tilespmem:s22+$0x10000] =	vst v13;
	s22 =	smov.u32 s24  }
0x1a6: {  	v13 =	vld [tilespmem:s22+$0x4060]  }
0x1a7: {  	s23 =	sadd.s32 $0x200, s23;
	v14 =	vld [tilespmem:s22+$0x70]  }
0x1a8: {  	v15 =	vld [tilespmem:s22+$0x4070];
	_ =	sdelay $0x1  }
0x1a9: {  	v0 =	vmul.f32 v0, v6;
	v1 =	vmul.f32 v2, v1  }
0x1aa: {  	v2 =	vmul.f32 v4, v3;
	v3 =	vmul.f32 v8, v5  }
0x1ab: {  	v4 =	vmul.f32 v9, v7;
	v5 =	vmul.f32 v12, v10  }
0x1ac: {  	v6 =	vmul.f32 v13, v11;
	v7 =	vmul.f32 v15, v14  }
0x1ad: {  	v0 =	vadd.f32 v1, v0;
	v1 =	vadd.f32 v3, v2  }
0x1ae: {  	v2 =	vadd.f32 v5, v4;
	v3 =	vadd.f32 v7, v6;
	_ =	sdelay $0x1  }
0x1af: {  	v0 =	vadd.f32 v1, v0;
	v1 =	vadd.f32 v3, v2;
	_ =	sdelay $0x1  }
0x1b0: {  	v0 =	vadd.f32 v1, v0;
	_ =	sdelay $0x1  }
0x1b1: {  	[tilespmem:s22+$0x10000] =	vst v0;
	s22 =	simm.s32 $0x0  }
0x1b2: {  	[hbm4b:s6+s22] =	stream.linear.scatter [tilespmem:s18], [sflag:$0x3], $0x4000, $0x38;
	[tilespmem:$0x14000] =	vst v63  }
0x1b3: {  	_ =	swait.ge [sflag:s19], $0x4000  }
0x1b4: {  	[sflag:s19] =	ssyncset.done $0x0  }
0x1b5: {  	s23 =	rddreg [dreg:$0x14];
	[sflag:s19] =	ssyncadd.s32 $0xFFFFC000  }
0x1b6: {  	[tilespmem:s22], [sflag:$0x1] =	stream.linear.gather [hbm4b:s23+s22], $0x4000, $0x38;
	[tilespmem:$0x14000] =	vst v63  }
0x1b7: {  	s24 =	rddreg [dreg:$0x15]  }
0x1b8: {  	[tilespmem:s14], [sflag:$0x1] =	stream.linear.gather [hbm4b:s24+s22], $0x4000, $0x38;
	[tilespmem:$0x14000] =	vst v63  }
0x1b9: {  	_ =	swait.ge [sflag:s20], $0x4000  }
0x1ba: {  	[sflag:s20] =	ssyncset.done $0x0  }
0x1bb: {  	[sflag:s20] =	ssyncadd.s32 $0xFFFFC000  }
0x1bc: {  	_ =	swait.ge [sflag:s20], $0x4000  }
0x1bd: {  	[sflag:s20] =	ssyncset.done $0x0  }
0x1be: {  	s22 =	simm.s32 $0x0;
	[sflag:s20] =	ssyncadd.s32 $0xFFFFC000  }
0x1bf: {  	v6 =	vld [tilespmem:s22+$0x8000]  }
0x1c0: {  	v0 =	vld [tilespmem:s22+$0xC000]  }
0x1c1: {  	v1 =	vld [tilespmem:s22+$0x8010]  }
0x1c2: {  	v2 =	vld [tilespmem:s22+$0xC010]  }
0x1c3: {  	v3 =	vld [tilespmem:s22+$0x8020]  }
0x1c4: {  	v4 =	vld [tilespmem:s22+$0xC020]  }
0x1c5: {  	v5 =	vld [tilespmem:s22+$0x8030]  }
0x1c6: {  	v8 =	vld [tilespmem:s22+$0xC030]  }
0x1c7: {  	v7 =	vld [tilespmem:s22+$0x8040]  }
0x1c8: {  	v9 =	vld [tilespmem:s22+$0xC040]  }
0x1c9: {  	v10 =	vld [tilespmem:s22+$0x8050]  }
0x1ca: {  	v12 =	vld [tilespmem:s22+$0xC050]  }
0x1cb: {  	v11 =	vld [tilespmem:s22+$0x8060]  }
0x1cc: {  	v13 =	vld [tilespmem:s22+$0xC060]  }
0x1cd: {  	s23 =	simm.s32 $0x200;
	v14 =	vld [tilespmem:s22+$0x8070]  }
.LBB2_16:
0x1ce: {  	s24 =	sshra.s32 s23, $0x2;
	p1 =	sne.s32 s23, $0xFE00;
	v15 =	vld [tilespmem:s22+$0xC070]  }
0x1cf: {  	v16 =	vld [tilespmem:s24+$0x8000]  }
0x1d0: {  	v6 =	vmul.f32 v0, v6;
	v17 =	vmul.f32 v2, v1;
	v0 =	vld [tilespmem:s24+$0xC000]  }
0x1d1: {  	v18 =	vmul.f32 v4, v3;
	v5 =	vmul.f32 v8, v5;
	v1 =	vld [tilespmem:s24+$0x8010]  }
0x1d2: {  	v7 =	vmul.f32 v9, v7;
	v8 =	vmul.f32 v12, v10;
	v2 =	vld [tilespmem:s24+$0xC010]  }
0x1d3: {  	v9 =	vmul.f32 v13, v11;
	v3 =	vld [tilespmem:s24+$0x8020];
	v10 =	vmul.f32 v15, v14  }
0x1d4: {  	v12 =	vadd.f32 v5, v18;
	v11 =	vadd.f32 v17, v6;
	v4 =	vld [tilespmem:s24+$0xC020];
	v6 =	vmov v16  }
0x1d5: {  	v13 =	vadd.f32 v8, v7;
	v5 =	vld [tilespmem:s24+$0x8030];
	v9 =	vadd.f32 v10, v9  }
0x1d6: {  	v8 =	vld [tilespmem:s24+$0xC030]  }
0x1d7: {  	v11 =	vadd.f32 v12, v11;
	v7 =	vld [tilespmem:s24+$0x8040];
	v12 =	vadd.f32 v9, v13  }
0x1d8: {  	v9 =	vld [tilespmem:s24+$0xC040]  }
.Ltmp9:
0x1d9: {  	v10 =	vld [tilespmem:s24+$0x8050];
	v13 =	vadd.f32 v12, v11;
	(pc) =	sbr.rel @p1 .LBB2_16-.Ltmp9, $4  }
0x1da: {  	v12 =	vld [tilespmem:s24+$0xC050]  }
0x1db: {  	v11 =	vld [tilespmem:s24+$0x8060];
	[tilespmem:s22+$0x10000] =	vst v13;
	s22 =	smov.u32 s24  }
0x1dc: {  	v13 =	vld [tilespmem:s22+$0xC060]  }
0x1dd: {  	s23 =	sadd.s32 $0x200, s23;
	v14 =	vld [tilespmem:s22+$0x8070]  }
0x1de: {  	v15 =	vld [tilespmem:s22+$0xC070];
	_ =	sdelay $0x1  }
0x1df: {  	v0 =	vmul.f32 v0, v6;
	v1 =	vmul.f32 v2, v1  }
0x1e0: {  	v2 =	vmul.f32 v4, v3;
	v3 =	vmul.f32 v8, v5  }
0x1e1: {  	v4 =	vmul.f32 v9, v7;
	v5 =	vmul.f32 v12, v10  }
0x1e2: {  	v6 =	vmul.f32 v13, v11;
	v7 =	vmul.f32 v15, v14  }
0x1e3: {  	v0 =	vadd.f32 v1, v0;
	v1 =	vadd.f32 v3, v2  }
0x1e4: {  	v2 =	vadd.f32 v5, v4;
	v3 =	vadd.f32 v7, v6;
	_ =	sdelay $0x1  }
0x1e5: {  	v0 =	vadd.f32 v1, v0;
	v1 =	vadd.f32 v3, v2;
	_ =	sdelay $0x1  }
0x1e6: {  	v0 =	vadd.f32 v1, v0;
	_ =	sdelay $0x1  }
0x1e7: {  	[tilespmem:s22+$0x10000] =	vst v0;
	s22 =	simm.s32 $0x0  }
0x1e8: {  	[hbm4b:s7+s22] =	stream.linear.scatter [tilespmem:s18], [sflag:$0x3], $0x4000, $0x38;
	[tilespmem:$0x14000] =	vst v63  }
0x1e9: {  	_ =	swait.ge [sflag:s19], $0x4000  }
0x1ea: {  	[sflag:s19] =	ssyncset.done $0x0  }
0x1eb: {  	s23 =	rddreg [dreg:$0x16];
	[sflag:s19] =	ssyncadd.s32 $0xFFFFC000  }
0x1ec: {  	[tilespmem:s15], [sflag:$0x2] =	stream.linear.gather [hbm4b:s23+s22], $0x4000, $0x38;
	[tilespmem:$0x14000] =	vst v63  }
0x1ed: {  	s24 =	rddreg [dreg:$0x17]  }
0x1ee: {  	[tilespmem:s16], [sflag:$0x2] =	stream.linear.gather [hbm4b:s24+s22], $0x4000, $0x38;
	[tilespmem:$0x14000] =	vst v63  }
0x1ef: {  	_ =	swait.ge [sflag:s17], $0x4000  }
0x1f0: {  	[sflag:s17] =	ssyncset.done $0x0  }
0x1f1: {  	[sflag:s17] =	ssyncadd.s32 $0xFFFFC000  }
0x1f2: {  	_ =	swait.ge [sflag:s17], $0x4000  }
0x1f3: {  	[sflag:s17] =	ssyncset.done $0x0  }
0x1f4: {  	s22 =	simm.s32 $0x0;
	[sflag:s17] =	ssyncadd.s32 $0xFFFFC000  }
0x1f5: {  	v6 =	vld [tilespmem:s22+$0x0]  }
0x1f6: {  	v0 =	vld [tilespmem:s22+$0x4000]  }
0x1f7: {  	v1 =	vld [tilespmem:s22+$0x10]  }
0x1f8: {  	v2 =	vld [tilespmem:s22+$0x4010]  }
0x1f9: {  	v3 =	vld [tilespmem:s22+$0x20]  }
0x1fa: {  	v4 =	vld [tilespmem:s22+$0x4020]  }
0x1fb: {  	v5 =	vld [tilespmem:s22+$0x30]  }
0x1fc: {  	v8 =	vld [tilespmem:s22+$0x4030]  }
0x1fd: {  	v7 =	vld [tilespmem:s22+$0x40]  }
0x1fe: {  	v9 =	vld [tilespmem:s22+$0x4040]  }
0x1ff: {  	v10 =	vld [tilespmem:s22+$0x50]  }
0x200: {  	v12 =	vld [tilespmem:s22+$0x4050]  }
0x201: {  	v11 =	vld [tilespmem:s22+$0x60]  }
0x202: {  	v13 =	vld [tilespmem:s22+$0x4060]  }
0x203: {  	s23 =	simm.s32 $0x200;
	v14 =	vld [tilespmem:s22+$0x70]  }
.LBB2_18:
0x204: {  	s24 =	sshra.s32 s23, $0x2;
	p1 =	sne.s32 s23, $0xFE00;
	v15 =	vld [tilespmem:s22+$0x4070]  }
0x205: {  	v16 =	vld [tilespmem:s24+$0x0]  }
0x206: {  	v6 =	vmul.f32 v0, v6;
	v17 =	vmul.f32 v2, v1;
	v0 =	vld [tilespmem:s24+$0x4000]  }
0x207: {  	v18 =	vmul.f32 v4, v3;
	v5 =	vmul.f32 v8, v5;
	v1 =	vld [tilespmem:s24+$0x10]  }
0x208: {  	v7 =	vmul.f32 v9, v7;
	v8 =	vmul.f32 v12, v10;
	v2 =	vld [tilespmem:s24+$0x4010]  }
0x209: {  	v9 =	vmul.f32 v13, v11;
	v3 =	vld [tilespmem:s24+$0x20];
	v10 =	vmul.f32 v15, v14  }
0x20a: {  	v12 =	vadd.f32 v5, v18;
	v11 =	vadd.f32 v17, v6;
	v4 =	vld [tilespmem:s24+$0x4020];
	v6 =	vmov v16  }
0x20b: {  	v13 =	vadd.f32 v8, v7;
	v5 =	vld [tilespmem:s24+$0x30];
	v9 =	vadd.f32 v10, v9  }
0x20c: {  	v8 =	vld [tilespmem:s24+$0x4030]  }
0x20d: {  	v11 =	vadd.f32 v12, v11;
	v7 =	vld [tilespmem:s24+$0x40];
	v12 =	vadd.f32 v9, v13  }
0x20e: {  	v9 =	vld [tilespmem:s24+$0x4040]  }
.Ltmp10:
0x20f: {  	v10 =	vld [tilespmem:s24+$0x50];
	v13 =	vadd.f32 v12, v11;
	(pc) =	sbr.rel @p1 .LBB2_18-.Ltmp10, $4  }
0x210: {  	v12 =	vld [tilespmem:s24+$0x4050]  }
0x211: {  	v11 =	vld [tilespmem:s24+$0x60];
	[tilespmem:s22+$0x10000] =	vst v13;
	s22 =	smov.u32 s24  }
0x212: {  	v13 =	vld [tilespmem:s22+$0x4060]  }
0x213: {  	s23 =	sadd.s32 $0x200, s23;
	v14 =	vld [tilespmem:s22+$0x70]  }
0x214: {  	v15 =	vld [tilespmem:s22+$0x4070];
	_ =	sdelay $0x1  }
0x215: {  	v0 =	vmul.f32 v0, v6;
	v1 =	vmul.f32 v2, v1  }
0x216: {  	v2 =	vmul.f32 v4, v3;
	v3 =	vmul.f32 v8, v5  }
0x217: {  	v4 =	vmul.f32 v9, v7;
	v5 =	vmul.f32 v12, v10  }
0x218: {  	v6 =	vmul.f32 v13, v11;
	v7 =	vmul.f32 v15, v14  }
0x219: {  	v0 =	vadd.f32 v1, v0;
	v1 =	vadd.f32 v3, v2  }
0x21a: {  	v2 =	vadd.f32 v5, v4;
	v3 =	vadd.f32 v7, v6;
	_ =	sdelay $0x1  }
0x21b: {  	v0 =	vadd.f32 v1, v0;
	v1 =	vadd.f32 v3, v2;
	_ =	sdelay $0x1  }
0x21c: {  	v0 =	vadd.f32 v1, v0;
	_ =	sdelay $0x1  }
0x21d: {  	[tilespmem:s22+$0x10000] =	vst v0;
	s22 =	simm.s32 $0x0  }
0x21e: {  	[hbm4b:s8+s22] =	stream.linear.scatter [tilespmem:s18], [sflag:$0x3], $0x4000, $0x38;
	[tilespmem:$0x14000] =	vst v63  }
0x21f: {  	_ =	swait.ge [sflag:s19], $0x4000  }
0x220: {  	[sflag:s19] =	ssyncset.done $0x0  }
0x221: {  	s23 =	rddreg [dreg:$0x18];
	[sflag:s19] =	ssyncadd.s32 $0xFFFFC000  }
0x222: {  	[tilespmem:s22], [sflag:$0x1] =	stream.linear.gather [hbm4b:s23+s22], $0x4000, $0x38;
	[tilespmem:$0x14000] =	vst v63  }
0x223: {  	s24 =	rddreg [dreg:$0x19]  }
0x224: {  	[tilespmem:s14], [sflag:$0x1] =	stream.linear.gather [hbm4b:s24+s22], $0x4000, $0x38;
	[tilespmem:$0x14000] =	vst v63  }
0x225: {  	_ =	swait.ge [sflag:s20], $0x4000  }
0x226: {  	[sflag:s20] =	ssyncset.done $0x0  }
0x227: {  	[sflag:s20] =	ssyncadd.s32 $0xFFFFC000  }
0x228: {  	_ =	swait.ge [sflag:s20], $0x4000  }
0x229: {  	[sflag:s20] =	ssyncset.done $0x0  }
0x22a: {  	s22 =	simm.s32 $0x0;
	[sflag:s20] =	ssyncadd.s32 $0xFFFFC000  }
0x22b: {  	v6 =	vld [tilespmem:s22+$0x8000]  }
0x22c: {  	v0 =	vld [tilespmem:s22+$0xC000]  }
0x22d: {  	v1 =	vld [tilespmem:s22+$0x8010]  }
0x22e: {  	v2 =	vld [tilespmem:s22+$0xC010]  }
0x22f: {  	v3 =	vld [tilespmem:s22+$0x8020]  }
0x230: {  	v4 =	vld [tilespmem:s22+$0xC020]  }
0x231: {  	v5 =	vld [tilespmem:s22+$0x8030]  }
0x232: {  	v8 =	vld [tilespmem:s22+$0xC030]  }
0x233: {  	v7 =	vld [tilespmem:s22+$0x8040]  }
0x234: {  	v9 =	vld [tilespmem:s22+$0xC040]  }
0x235: {  	v10 =	vld [tilespmem:s22+$0x8050]  }
0x236: {  	v12 =	vld [tilespmem:s22+$0xC050]  }
0x237: {  	v11 =	vld [tilespmem:s22+$0x8060]  }
0x238: {  	v13 =	vld [tilespmem:s22+$0xC060]  }
0x239: {  	s23 =	simm.s32 $0x200;
	v14 =	vld [tilespmem:s22+$0x8070]  }
.LBB2_20:
0x23a: {  	s24 =	sshra.s32 s23, $0x2;
	p1 =	sne.s32 s23, $0xFE00;
	v15 =	vld [tilespmem:s22+$0xC070]  }
0x23b: {  	v16 =	vld [tilespmem:s24+$0x8000]  }
0x23c: {  	v6 =	vmul.f32 v0, v6;
	v17 =	vmul.f32 v2, v1;
	v0 =	vld [tilespmem:s24+$0xC000]  }
0x23d: {  	v18 =	vmul.f32 v4, v3;
	v5 =	vmul.f32 v8, v5;
	v1 =	vld [tilespmem:s24+$0x8010]  }
0x23e: {  	v7 =	vmul.f32 v9, v7;
	v8 =	vmul.f32 v12, v10;
	v2 =	vld [tilespmem:s24+$0xC010]  }
0x23f: {  	v9 =	vmul.f32 v13, v11;
	v3 =	vld [tilespmem:s24+$0x8020];
	v10 =	vmul.f32 v15, v14  }
0x240: {  	v12 =	vadd.f32 v5, v18;
	v11 =	vadd.f32 v17, v6;
	v4 =	vld [tilespmem:s24+$0xC020];
	v6 =	vmov v16  }
0x241: {  	v13 =	vadd.f32 v8, v7;
	v5 =	vld [tilespmem:s24+$0x8030];
	v9 =	vadd.f32 v10, v9  }
0x242: {  	v8 =	vld [tilespmem:s24+$0xC030]  }
0x243: {  	v11 =	vadd.f32 v12, v11;
	v7 =	vld [tilespmem:s24+$0x8040];
	v12 =	vadd.f32 v9, v13  }
0x244: {  	v9 =	vld [tilespmem:s24+$0xC040]  }
.Ltmp11:
0x245: {  	v10 =	vld [tilespmem:s24+$0x8050];
	v13 =	vadd.f32 v12, v11;
	(pc) =	sbr.rel @p1 .LBB2_20-.Ltmp11, $4  }
0x246: {  	v12 =	vld [tilespmem:s24+$0xC050]  }
0x247: {  	v11 =	vld [tilespmem:s24+$0x8060];
	[tilespmem:s22+$0x10000] =	vst v13;
	s22 =	smov.u32 s24  }
0x248: {  	v13 =	vld [tilespmem:s22+$0xC060]  }
0x249: {  	s23 =	sadd.s32 $0x200, s23;
	v14 =	vld [tilespmem:s22+$0x8070]  }
0x24a: {  	v15 =	vld [tilespmem:s22+$0xC070];
	_ =	sdelay $0x1  }
0x24b: {  	v0 =	vmul.f32 v0, v6;
	v1 =	vmul.f32 v2, v1  }
0x24c: {  	v2 =	vmul.f32 v4, v3;
	v3 =	vmul.f32 v8, v5  }
0x24d: {  	v4 =	vmul.f32 v9, v7;
	v5 =	vmul.f32 v12, v10  }
0x24e: {  	v6 =	vmul.f32 v13, v11;
	v7 =	vmul.f32 v15, v14  }
0x24f: {  	v0 =	vadd.f32 v1, v0;
	v1 =	vadd.f32 v3, v2  }
0x250: {  	v2 =	vadd.f32 v5, v4;
	v3 =	vadd.f32 v7, v6;
	_ =	sdelay $0x1  }
0x251: {  	v0 =	vadd.f32 v1, v0;
	v1 =	vadd.f32 v3, v2;
	_ =	sdelay $0x1  }
0x252: {  	v0 =	vadd.f32 v1, v0;
	_ =	sdelay $0x1  }
0x253: {  	s24 =	simm.s32 $0x0;
	[tilespmem:s22+$0x10000] =	vst v0  }
0x254: {  	[hbm4b:s9+s24] =	stream.linear.scatter [tilespmem:s18], [sflag:$0x3], $0x4000, $0x38;
	[tilespmem:$0x14000] =	vst v63  }
0x255: {  	_ =	swait.ge [sflag:s19], $0x4000  }
0x256: {  	[sflag:s19] =	ssyncset.done $0x0  }
0x257: {  	s23 =	rddreg [dreg:$0x1a];
	[sflag:s19] =	ssyncadd.s32 $0xFFFFC000  }
0x258: {  	[tilespmem:s15], [sflag:$0x2] =	stream.linear.gather [hbm4b:s23+s24], $0x4000, $0x38;
	[tilespmem:$0x14000] =	vst v63  }
0x259: {  	_ = 	snop  }
0x25a: {  	[tilespmem:s16], [sflag:$0x2] =	stream.linear.gather [hbm4b:s25+s24], $0x4000, $0x38;
	[tilespmem:$0x14000] =	vst v63  }
0x25b: {  	_ =	swait.ge [sflag:s17], $0x4000  }
0x25c: {  	[sflag:s17] =	ssyncset.done $0x0  }
0x25d: {  	[sflag:s17] =	ssyncadd.s32 $0xFFFFC000  }
0x25e: {  	_ =	swait.ge [sflag:s17], $0x4000  }
0x25f: {  	[sflag:s17] =	ssyncset.done $0x0  }
0x260: {  	s22 =	simm.s32 $0x0;
	[sflag:s17] =	ssyncadd.s32 $0xFFFFC000  }
0x261: {  	v6 =	vld [tilespmem:s22+$0x0]  }
0x262: {  	v0 =	vld [tilespmem:s22+$0x4000]  }
0x263: {  	v1 =	vld [tilespmem:s22+$0x10]  }
0x264: {  	v2 =	vld [tilespmem:s22+$0x4010]  }
0x265: {  	v3 =	vld [tilespmem:s22+$0x20]  }
0x266: {  	v4 =	vld [tilespmem:s22+$0x4020]  }
0x267: {  	v5 =	vld [tilespmem:s22+$0x30]  }
0x268: {  	v8 =	vld [tilespmem:s22+$0x4030]  }
0x269: {  	v7 =	vld [tilespmem:s22+$0x40]  }
0x26a: {  	v9 =	vld [tilespmem:s22+$0x4040]  }
0x26b: {  	v10 =	vld [tilespmem:s22+$0x50]  }
0x26c: {  	v12 =	vld [tilespmem:s22+$0x4050]  }
0x26d: {  	v11 =	vld [tilespmem:s22+$0x60]  }
0x26e: {  	v13 =	vld [tilespmem:s22+$0x4060]  }
0x26f: {  	s23 =	simm.s32 $0x200;
	v14 =	vld [tilespmem:s22+$0x70]  }
.LBB2_22:
0x270: {  	s24 =	sshra.s32 s23, $0x2;
	p1 =	sne.s32 s23, $0xFE00;
	v15 =	vld [tilespmem:s22+$0x4070]  }
0x271: {  	v16 =	vld [tilespmem:s24+$0x0]  }
0x272: {  	v6 =	vmul.f32 v0, v6;
	v17 =	vmul.f32 v2, v1;
	v0 =	vld [tilespmem:s24+$0x4000]  }
0x273: {  	v18 =	vmul.f32 v4, v3;
	v5 =	vmul.f32 v8, v5;
	v1 =	vld [tilespmem:s24+$0x10]  }
0x274: {  	v7 =	vmul.f32 v9, v7;
	v8 =	vmul.f32 v12, v10;
	v2 =	vld [tilespmem:s24+$0x4010]  }
0x275: {  	v9 =	vmul.f32 v13, v11;
	v3 =	vld [tilespmem:s24+$0x20];
	v10 =	vmul.f32 v15, v14  }
0x276: {  	v12 =	vadd.f32 v5, v18;
	v11 =	vadd.f32 v17, v6;
	v4 =	vld [tilespmem:s24+$0x4020];
	v6 =	vmov v16  }
0x277: {  	v13 =	vadd.f32 v8, v7;
	v5 =	vld [tilespmem:s24+$0x30];
	v9 =	vadd.f32 v10, v9  }
0x278: {  	v8 =	vld [tilespmem:s24+$0x4030]  }
0x279: {  	v11 =	vadd.f32 v12, v11;
	v7 =	vld [tilespmem:s24+$0x40];
	v12 =	vadd.f32 v9, v13  }
0x27a: {  	v9 =	vld [tilespmem:s24+$0x4040]  }
.Ltmp12:
0x27b: {  	v10 =	vld [tilespmem:s24+$0x50];
	v13 =	vadd.f32 v12, v11;
	(pc) =	sbr.rel @p1 .LBB2_22-.Ltmp12, $4  }
0x27c: {  	v12 =	vld [tilespmem:s24+$0x4050]  }
0x27d: {  	v11 =	vld [tilespmem:s24+$0x60];
	[tilespmem:s22+$0x10000] =	vst v13;
	s22 =	smov.u32 s24  }
0x27e: {  	v13 =	vld [tilespmem:s22+$0x4060]  }
0x27f: {  	s23 =	sadd.s32 $0x200, s23;
	v14 =	vld [tilespmem:s22+$0x70]  }
0x280: {  	v15 =	vld [tilespmem:s22+$0x4070];
	_ =	sdelay $0x1  }
0x281: {  	v0 =	vmul.f32 v0, v6;
	v1 =	vmul.f32 v2, v1  }
0x282: {  	v2 =	vmul.f32 v4, v3;
	v3 =	vmul.f32 v8, v5  }
0x283: {  	v4 =	vmul.f32 v9, v7;
	v5 =	vmul.f32 v12, v10  }
0x284: {  	v6 =	vmul.f32 v13, v11;
	v7 =	vmul.f32 v15, v14  }
0x285: {  	v0 =	vadd.f32 v1, v0;
	v1 =	vadd.f32 v3, v2  }
0x286: {  	v2 =	vadd.f32 v5, v4;
	v3 =	vadd.f32 v7, v6;
	_ =	sdelay $0x1  }
0x287: {  	v0 =	vadd.f32 v1, v0;
	v1 =	vadd.f32 v3, v2;
	_ =	sdelay $0x1  }
0x288: {  	v0 =	vadd.f32 v1, v0;
	_ =	sdelay $0x1  }
0x289: {  	s24 =	simm.s32 $0x0;
	[tilespmem:s22+$0x10000] =	vst v0  }
0x28a: {  	[hbm4b:s10+s24] =	stream.linear.scatter [tilespmem:s18], [sflag:$0x3], $0x4000, $0x38;
	[tilespmem:$0x14000] =	vst v63  }
0x28b: {  	_ =	swait.ge [sflag:s19], $0x4000  }
0x28c: {  	[sflag:s19] =	ssyncset.done $0x0  }
0x28d: {  	[sflag:s19] =	ssyncadd.s32 $0xFFFFC000  }
0x28e: {  	[tilespmem:s24], [sflag:$0x1] =	stream.linear.gather [hbm4b:s28+s24], $0x4000, $0x38;
	[tilespmem:$0x14000] =	vst v63  }
0x28f: {  	_ = 	snop  }
0x290: {  	[tilespmem:s14], [sflag:$0x1] =	stream.linear.gather [hbm4b:s29+s24], $0x4000, $0x38;
	[tilespmem:$0x14000] =	vst v63  }
0x291: {  	_ =	swait.ge [sflag:s20], $0x4000  }
0x292: {  	[sflag:s20] =	ssyncset.done $0x0  }
0x293: {  	[sflag:s20] =	ssyncadd.s32 $0xFFFFC000  }
0x294: {  	_ =	swait.ge [sflag:s20], $0x4000  }
0x295: {  	[sflag:s20] =	ssyncset.done $0x0  }
0x296: {  	s22 =	simm.s32 $0x0;
	[sflag:s20] =	ssyncadd.s32 $0xFFFFC000  }
0x297: {  	v6 =	vld [tilespmem:s22+$0x8000]  }
0x298: {  	v0 =	vld [tilespmem:s22+$0xC000]  }
0x299: {  	v1 =	vld [tilespmem:s22+$0x8010]  }
0x29a: {  	v2 =	vld [tilespmem:s22+$0xC010]  }
0x29b: {  	v3 =	vld [tilespmem:s22+$0x8020]  }
0x29c: {  	v4 =	vld [tilespmem:s22+$0xC020]  }
0x29d: {  	v5 =	vld [tilespmem:s22+$0x8030]  }
0x29e: {  	v8 =	vld [tilespmem:s22+$0xC030]  }
0x29f: {  	v7 =	vld [tilespmem:s22+$0x8040]  }
0x2a0: {  	v9 =	vld [tilespmem:s22+$0xC040]  }
0x2a1: {  	v10 =	vld [tilespmem:s22+$0x8050]  }
0x2a2: {  	v12 =	vld [tilespmem:s22+$0xC050]  }
0x2a3: {  	v11 =	vld [tilespmem:s22+$0x8060]  }
0x2a4: {  	v13 =	vld [tilespmem:s22+$0xC060]  }
0x2a5: {  	s23 =	simm.s32 $0x200;
	v14 =	vld [tilespmem:s22+$0x8070]  }
.LBB2_24:
0x2a6: {  	s24 =	sshra.s32 s23, $0x2;
	p1 =	sne.s32 s23, $0xFE00;
	v15 =	vld [tilespmem:s22+$0xC070]  }
0x2a7: {  	v16 =	vld [tilespmem:s24+$0x8000]  }
0x2a8: {  	v6 =	vmul.f32 v0, v6;
	v17 =	vmul.f32 v2, v1;
	v0 =	vld [tilespmem:s24+$0xC000]  }
0x2a9: {  	v18 =	vmul.f32 v4, v3;
	v5 =	vmul.f32 v8, v5;
	v1 =	vld [tilespmem:s24+$0x8010]  }
0x2aa: {  	v7 =	vmul.f32 v9, v7;
	v8 =	vmul.f32 v12, v10;
	v2 =	vld [tilespmem:s24+$0xC010]  }
0x2ab: {  	v9 =	vmul.f32 v13, v11;
	v3 =	vld [tilespmem:s24+$0x8020];
	v10 =	vmul.f32 v15, v14  }
0x2ac: {  	v12 =	vadd.f32 v5, v18;
	v11 =	vadd.f32 v17, v6;
	v4 =	vld [tilespmem:s24+$0xC020];
	v6 =	vmov v16  }
0x2ad: {  	v13 =	vadd.f32 v8, v7;
	v5 =	vld [tilespmem:s24+$0x8030];
	v9 =	vadd.f32 v10, v9  }
0x2ae: {  	v8 =	vld [tilespmem:s24+$0xC030]  }
0x2af: {  	v11 =	vadd.f32 v12, v11;
	v7 =	vld [tilespmem:s24+$0x8040];
	v12 =	vadd.f32 v9, v13  }
0x2b0: {  	v9 =	vld [tilespmem:s24+$0xC040]  }
.Ltmp13:
0x2b1: {  	v10 =	vld [tilespmem:s24+$0x8050];
	v13 =	vadd.f32 v12, v11;
	(pc) =	sbr.rel @p1 .LBB2_24-.Ltmp13, $4  }
0x2b2: {  	v12 =	vld [tilespmem:s24+$0xC050]  }
0x2b3: {  	v11 =	vld [tilespmem:s24+$0x8060];
	[tilespmem:s22+$0x10000] =	vst v13;
	s22 =	smov.u32 s24  }
0x2b4: {  	v13 =	vld [tilespmem:s22+$0xC060]  }
0x2b5: {  	s23 =	sadd.s32 $0x200, s23;
	v14 =	vld [tilespmem:s22+$0x8070]  }
0x2b6: {  	v15 =	vld [tilespmem:s22+$0xC070];
	_ =	sdelay $0x1  }
0x2b7: {  	v0 =	vmul.f32 v0, v6;
	v1 =	vmul.f32 v2, v1  }
0x2b8: {  	v2 =	vmul.f32 v4, v3;
	v3 =	vmul.f32 v8, v5  }
0x2b9: {  	v4 =	vmul.f32 v9, v7;
	v5 =	vmul.f32 v12, v10  }
0x2ba: {  	v6 =	vmul.f32 v13, v11;
	v7 =	vmul.f32 v15, v14  }
0x2bb: {  	v0 =	vadd.f32 v1, v0;
	v1 =	vadd.f32 v3, v2  }
0x2bc: {  	v2 =	vadd.f32 v5, v4;
	v3 =	vadd.f32 v7, v6;
	_ =	sdelay $0x1  }
0x2bd: {  	v0 =	vadd.f32 v1, v0;
	v1 =	vadd.f32 v3, v2;
	_ =	sdelay $0x1  }
0x2be: {  	v0 =	vadd.f32 v1, v0;
	_ =	sdelay $0x1  }
0x2bf: {  	[tilespmem:s22+$0x10000] =	vst v0  }
0x2c0: {  	[hbm4b:s11+s1] =	stream.linear.scatter [tilespmem:s18], [sflag:$0x3], $0x4000, $0x38;
	[tilespmem:$0x14000] =	vst v63  }
0x2c1: {  	_ =	swait.ge [sflag:s19], $0x4000  }
0x2c2: {  	[sflag:s19] =	ssyncset.done $0x0  }
0x2c3: {  	s23 =	simm.s32 @!p0 $0x8000;
	s22 =	simm.s32 @!p0 $0x0;
	[sflag:s19] =	ssyncadd.s32 $0xFFFFC000  }
0x2c4: {  	[tilespmem:s23], [sflag:$0x2] =	stream.linear.gather @!p0 [hbm4b:s30+s22], $0x4000, $0x38;
	[tilespmem:$0x14000] =	vst v63  }
0x2c5: {  	s23 =	simm.s32 @!p0 $0xC000  }
0x2c6: {  	[tilespmem:s23], [sflag:$0x2] =	stream.linear.gather @!p0 [hbm4b:s31+s22], $0x4000, $0x38;
	[tilespmem:$0x14000] =	vst v63  }
0x2c7: {  	_ =	swait.ge [sflag:s17], $0x4000  }
0x2c8: {  	[sflag:s17] =	ssyncset.done $0x0  }
0x2c9: {  	[sflag:s17] =	ssyncadd.s32 $0xFFFFC000  }
0x2ca: {  	_ =	swait.ge [sflag:s17], $0x4000  }
0x2cb: {  	[sflag:s17] =	ssyncset.done $0x0  }
0x2cc: {  	s22 =	simm.s32 $0x0;
	[sflag:s17] =	ssyncadd.s32 $0xFFFFC000  }
0x2cd: {  	v6 =	vld [tilespmem:s22+$0x0]  }
0x2ce: {  	v0 =	vld [tilespmem:s22+$0x4000]  }
0x2cf: {  	v1 =	vld [tilespmem:s22+$0x10]  }
0x2d0: {  	v2 =	vld [tilespmem:s22+$0x4010]  }
0x2d1: {  	v3 =	vld [tilespmem:s22+$0x20]  }
0x2d2: {  	v4 =	vld [tilespmem:s22+$0x4020]  }
0x2d3: {  	v5 =	vld [tilespmem:s22+$0x30]  }
0x2d4: {  	v8 =	vld [tilespmem:s22+$0x4030]  }
0x2d5: {  	v7 =	vld [tilespmem:s22+$0x40]  }
0x2d6: {  	v9 =	vld [tilespmem:s22+$0x4040]  }
0x2d7: {  	v10 =	vld [tilespmem:s22+$0x50]  }
0x2d8: {  	v12 =	vld [tilespmem:s22+$0x4050]  }
0x2d9: {  	v11 =	vld [tilespmem:s22+$0x60]  }
0x2da: {  	v13 =	vld [tilespmem:s22+$0x4060]  }
0x2db: {  	s23 =	simm.s32 $0x200;
	v14 =	vld [tilespmem:s22+$0x70]  }
.LBB2_26:
0x2dc: {  	s24 =	sshra.s32 s23, $0x2;
	p1 =	sne.s32 s23, $0xFE00;
	v15 =	vld [tilespmem:s22+$0x4070]  }
0x2dd: {  	v16 =	vld [tilespmem:s24+$0x0]  }
0x2de: {  	v6 =	vmul.f32 v0, v6;
	v17 =	vmul.f32 v2, v1;
	v0 =	vld [tilespmem:s24+$0x4000]  }
0x2df: {  	v18 =	vmul.f32 v4, v3;
	v5 =	vmul.f32 v8, v5;
	v1 =	vld [tilespmem:s24+$0x10]  }
0x2e0: {  	v7 =	vmul.f32 v9, v7;
	v8 =	vmul.f32 v12, v10;
	v2 =	vld [tilespmem:s24+$0x4010]  }
0x2e1: {  	v9 =	vmul.f32 v13, v11;
	v3 =	vld [tilespmem:s24+$0x20];
	v10 =	vmul.f32 v15, v14  }
0x2e2: {  	v12 =	vadd.f32 v5, v18;
	v11 =	vadd.f32 v17, v6;
	v4 =	vld [tilespmem:s24+$0x4020];
	v6 =	vmov v16  }
0x2e3: {  	v13 =	vadd.f32 v8, v7;
	v5 =	vld [tilespmem:s24+$0x30];
	v9 =	vadd.f32 v10, v9  }
0x2e4: {  	v8 =	vld [tilespmem:s24+$0x4030]  }
0x2e5: {  	v11 =	vadd.f32 v12, v11;
	v7 =	vld [tilespmem:s24+$0x40];
	v12 =	vadd.f32 v9, v13  }
0x2e6: {  	v9 =	vld [tilespmem:s24+$0x4040]  }
.Ltmp14:
0x2e7: {  	v10 =	vld [tilespmem:s24+$0x50];
	v13 =	vadd.f32 v12, v11;
	(pc) =	sbr.rel @p1 .LBB2_26-.Ltmp14, $4  }
0x2e8: {  	v12 =	vld [tilespmem:s24+$0x4050]  }
0x2e9: {  	v11 =	vld [tilespmem:s24+$0x60];
	[tilespmem:s22+$0x10000] =	vst v13;
	s22 =	smov.u32 s24  }
0x2ea: {  	v13 =	vld [tilespmem:s22+$0x4060]  }
0x2eb: {  	s23 =	sadd.s32 $0x200, s23;
	v14 =	vld [tilespmem:s22+$0x70]  }
0x2ec: {  	v15 =	vld [tilespmem:s22+$0x4070];
	_ =	sdelay $0x1  }
0x2ed: {  	v0 =	vmul.f32 v0, v6;
	v1 =	vmul.f32 v2, v1  }
0x2ee: {  	v54 =	vmul.f32 v4, v3;
	v55 =	vmul.f32 v8, v5  }
0x2ef: {  	v56 =	vmul.f32 v9, v7;
	v57 =	vmul.f32 v12, v10  }
0x2f0: {  	v58 =	vmul.f32 v13, v11;
	v59 =	vmul.f32 v15, v14  }
0x2f1: {  	v0 =	vadd.f32 v1, v0;
	v60 =	vadd.f32 v55, v54  }
0x2f2: {  	v61 =	vadd.f32 v57, v56;
	v62 =	vadd.f32 v59, v58;
	_ =	sdelay $0x1  }
0x2f3: {  	v0 =	vadd.f32 v60, v0;
	v63 =	vadd.f32 v62, v61;
	_ =	sdelay $0x1  }
0x2f4: {  	v0 =	vadd.f32 v63, v0;
	_ =	sdelay $0x1  }
.Ltmp15:
0x2f5: {  	[tilespmem:s22+$0x10000] =	vst v0;
	(pc) =	sbr.rel @p0 .LBB2_31-.Ltmp15, $4  }
0x2f6: {  	[hbm4b:s12+s1] =	stream.linear.scatter [tilespmem:s18], [sflag:$0x3], $0x4000, $0x38;
	[tilespmem:$0x14000] =	vst v63  }
0x2f7: {  	_ =	swait.ge [sflag:s19], $0x4000  }
0x2f8: {  	[sflag:s19] =	ssyncset.done $0x0  }
0x2f9: {  	[sflag:s19] =	ssyncadd.s32 $0xFFFFC000  }
0x2fa: {  	_ =	swait.ge [sflag:s20], $0x4000  }
0x2fb: {  	[sflag:s20] =	ssyncset.done $0x0  }
0x2fc: {  	[sflag:s20] =	ssyncadd.s32 $0xFFFFC000  }
0x2fd: {  	_ =	swait.ge [sflag:s20], $0x4000  }
0x2fe: {  	[sflag:s20] =	ssyncset.done $0x0  }
0x2ff: {  	s22 =	simm.s32 $0x0;
	[sflag:s20] =	ssyncadd.s32 $0xFFFFC000  }
0x300: {  	v6 =	vld [tilespmem:s22+$0x8000]  }
0x301: {  	v0 =	vld [tilespmem:s22+$0xC000]  }
0x302: {  	v1 =	vld [tilespmem:s22+$0x8010]  }
0x303: {  	v2 =	vld [tilespmem:s22+$0xC010]  }
0x304: {  	v3 =	vld [tilespmem:s22+$0x8020]  }
0x305: {  	v4 =	vld [tilespmem:s22+$0xC020]  }
0x306: {  	v5 =	vld [tilespmem:s22+$0x8030]  }
0x307: {  	v8 =	vld [tilespmem:s22+$0xC030]  }
0x308: {  	v7 =	vld [tilespmem:s22+$0x8040]  }
0x309: {  	v9 =	vld [tilespmem:s22+$0xC040]  }
0x30a: {  	v10 =	vld [tilespmem:s22+$0x8050]  }
0x30b: {  	v12 =	vld [tilespmem:s22+$0xC050]  }
0x30c: {  	v11 =	vld [tilespmem:s22+$0x8060]  }
0x30d: {  	v13 =	vld [tilespmem:s22+$0xC060]  }
0x30e: {  	s23 =	simm.s32 $0x200;
	v14 =	vld [tilespmem:s22+$0x8070]  }
.LBB2_29:
0x30f: {  	s24 =	sshra.s32 s23, $0x2;
	p1 =	sne.s32 s23, $0xFE00;
	v15 =	vld [tilespmem:s22+$0xC070]  }
0x310: {  	v16 =	vld [tilespmem:s24+$0x8000]  }
0x311: {  	v6 =	vmul.f32 v0, v6;
	v17 =	vmul.f32 v2, v1;
	v0 =	vld [tilespmem:s24+$0xC000]  }
0x312: {  	v18 =	vmul.f32 v4, v3;
	v5 =	vmul.f32 v8, v5;
	v1 =	vld [tilespmem:s24+$0x8010]  }
0x313: {  	v7 =	vmul.f32 v9, v7;
	v8 =	vmul.f32 v12, v10;
	v2 =	vld [tilespmem:s24+$0xC010]  }
0x314: {  	v9 =	vmul.f32 v13, v11;
	v3 =	vld [tilespmem:s24+$0x8020];
	v10 =	vmul.f32 v15, v14  }
0x315: {  	v11 =	vadd.f32 v17, v6;
	v12 =	vadd.f32 v5, v18;
	v4 =	vld [tilespmem:s24+$0xC020];
	v6 =	vmov v16  }
0x316: {  	v13 =	vadd.f32 v8, v7;
	v5 =	vld [tilespmem:s24+$0x8030];
	v9 =	vadd.f32 v10, v9  }
0x317: {  	v8 =	vld [tilespmem:s24+$0xC030]  }
0x318: {  	v11 =	vadd.f32 v12, v11;
	v7 =	vld [tilespmem:s24+$0x8040];
	v12 =	vadd.f32 v9, v13  }
0x319: {  	v9 =	vld [tilespmem:s24+$0xC040]  }
.Ltmp16:
0x31a: {  	v10 =	vld [tilespmem:s24+$0x8050];
	v13 =	vadd.f32 v12, v11;
	(pc) =	sbr.rel @p1 .LBB2_29-.Ltmp16, $4  }
0x31b: {  	v12 =	vld [tilespmem:s24+$0xC050]  }
0x31c: {  	v11 =	vld [tilespmem:s24+$0x8060];
	[tilespmem:s22+$0x10000] =	vst v13;
	s22 =	smov.u32 s24  }
0x31d: {  	v13 =	vld [tilespmem:s22+$0xC060]  }
0x31e: {  	s23 =	sadd.s32 $0x200, s23;
	v14 =	vld [tilespmem:s22+$0x8070]  }
.Ltmp17:
0x31f: {  	_ = 	snop;
	(pc) =	sbr.rel .LBB2_30-.Ltmp17, $1  }
0x320: {  	_ =	sdelay $0x3  }
.LBB2_32:
0x321: {  	_ =	sfence.sel $0x180000  }
0x322: {  	[bflag:$0x0] =	sbarrier.arrive $0xFFFF  }
0x323: {  	_ =	strace $0x90000047  }
0x324: {  	s0 =	stileid.u32;
	[bflag:$0x2] =	sbarrier.arrive $0xFFFF  }
0x325: {  	p0 =	sne.s32 s0, $0x0;
	s0 =	rddreg [dreg:$0x3]  }
0x326: {  	s0 =	sadd.s32 @!p0 $0x100000, s0  }
0x327: {  	[sflag:s0] =	ssyncadd.tile.s32 @!p0 $0x1;
	_ =	shalt  }
.Lfunc_end2:
_tile_overlayer_lowered:
.L_overlay_start_2:
0x328: {  	(tag) =	ssettag $0x2  }
0x329: {  	s0 =	rddreg [dreg:$0x0];
	s2 =	stileid.u32  }
0x32a: {  	s1 =	rddreg [dreg:$0x1];
	p0 =	sne.s32 s2, $0x0  }
0x32b: {  	s3 =	rddreg [dreg:$0x2];
	[bflag:$0x3] =	sbarrier.arrive $0xFFFF;
	s2 =	simm.s32 @!p0 $0x1C03  }
0x32c: {  	[timem:s3], [sflag:s2] =	dma.local @!p0 [hbm:s0], s1  }
0x32d: {  	s0 =	simm.s32 @!p0 $0x3  }
0x32e: {  	_ =	swait.ge @!p0 [sflag:s0], s1  }
0x32f: {  	s1 =	ssub.s32 @!p0 $0x0, s1;
	[sflag:s0] =	ssyncset.done @!p0 $0x0  }
0x330: {  	[sflag:s0] =	ssyncadd.s32 @!p0 s1  }
0x331: {  	[bflag:$0x3] =	sbarrier.arrive $0xFFFF  }
0x332: {  	_ =	shalt  }

</sc_bundles>
